<compile_context>
chip_gen: v7x
topology: tpu7x:2x2x1
jax: 0.10.2.dev20260603
libtpu: 0.0.44.dev20260713+nightly
codegen_flags: <defaults>
</compile_context>

<pallas_src>
import jax
import jax.numpy as jnp
from jax import lax
from jax.experimental import pallas as pl
from jax.experimental.pallas import tpu as pltpu
from jax.experimental.pallas import tpu_sc as plsc

N = 10000
E = 160000
F = 20000
D = 3
T = 16
S = 16
R = 1.1
B = 8

DELTA = 2.0 * R / (S - 1)
NW = 32
N_PAD = 10240
E_CHUNK = 625
E_CHUNKS = 8
F_CHUNK = 625
N_CHUNK = 320
E_SUB = 125


def _pack_body(x_ref, v_ref, w_ref, b_ref, out_ref):
    nh = jnp.dot(x_ref[...], v_ref[...],
                 preferred_element_type=jnp.float32)
    row = jnp.concatenate(
        [nh, w_ref[...], b_ref[...].astype(jnp.float32) * 256.0,
         jnp.zeros((N, 14), jnp.float32)], axis=1)
    out_ref[0:N, :] = row
    out_ref[N:N_PAD, :] = jnp.zeros((N_PAD - N, 32), jnp.float32)


def _fin_body(hist_ref, out_ref):
    s = jnp.sum(hist_ref[...], axis=0)
    h2 = s[0:128, :]
    g2 = s[128:256, :]
    r = lax.broadcasted_iota(jnp.int32, (128, 128), 0)
    c = lax.broadcasted_iota(jnp.int32, (128, 128), 1)
    m = ((r >> 4) == (c >> 4)) & ((c & 15) < (r & 15))
    out_ref[...] = h2 + jnp.dot(m.astype(jnp.float32), g2,
                                preferred_element_type=jnp.float32)


def _sc_body(packed_hbm, ei_hbm, fa_hbm,
             out_hbm, hist_v, stage_v, r0a_v, r1a_v, r0b_v, r1b_v,
             node_v, i0_v, i1_v, f0_v, f1_v, f2_v, sem_i, sem_a, sem_b):
    cid = lax.axis_index("c")
    sid = lax.axis_index("s")
    wid = sid * 2 + cid
    lane = lax.iota(jnp.int32, 16)

    eibase = pl.multiple_of(wid * E_CHUNKS, 8)
    pre = [
        pltpu.async_copy(ei_hbm.at[pl.ds(eibase, E_CHUNKS)], i0_v, sem_i),
        pltpu.async_copy(ei_hbm.at[pl.ds(eibase + NW * E_CHUNKS, E_CHUNKS)],
                         i1_v, sem_i),
        pltpu.async_copy(fa_hbm.at[wid], f0_v, sem_i),
        pltpu.async_copy(fa_hbm.at[wid + NW], f1_v, sem_i),
        pltpu.async_copy(fa_hbm.at[wid + 2 * NW], f2_v, sem_i),
        pltpu.async_copy(
            packed_hbm.at[pl.ds(pl.multiple_of(wid * N_CHUNK, N_CHUNK),
                                N_CHUNK)], node_v, sem_i),
    ]

    zero16 = jnp.zeros((16,), jnp.float32)

    @plsc.parallel_loop(0, 256, 1, unroll=8)
    def _zero(i):
        hist_v[pl.ds(i * 16, 16)] = zero16

    for cp in pre:
        cp.wait()

    inv = 1.0 / DELTA
    c0 = R / DELTA + 0.5
    scale = -500.0 * DELTA

    def _accum(h, sw, bv):
        u = h * inv + c0
        jf = jnp.minimum(jnp.maximum(u, 0.0), 15.0)
        j = jf.astype(jnp.int32)
        jq = j.astype(jnp.float32)
        z = jq * scale + (h * 500.0 + 500.0 * R)
        z = jnp.minimum(z, 30.0)
        wsig = sw / (1.0 + jnp.exp(z))
        idx = bv.astype(jnp.int32) + j * 16 + lane
        plsc.addupdate_scatter(hist_v, [idx], wsig)
        plsc.addupdate_scatter(hist_v, [idx + 2048], sw)

    def _fire(ch, r0, r1, sem):
        cps = []
        for a in range(5):
            cps.append(pltpu.async_copy(
                packed_hbm.at[i0_v.at[ch, a]],
                r0.at[pl.ds(a * E_SUB, E_SUB)], sem))
            cps.append(pltpu.async_copy(
                packed_hbm.at[i1_v.at[ch, a]],
                r1.at[pl.ds(a * E_SUB, E_SUB)], sem))
        return cps

    def _edge_compute(r0, r1):
        @plsc.parallel_loop(0, E_CHUNK, 1, unroll=8)
        def _ebody(e):
            h = jnp.minimum(r0[e, 0:16], r1[e, 0:16])
            s0 = r0[e, 16:32]
            wm = jnp.maximum(s0, r1[e, 16:32])
            wv = jnp.full((16,), wm[0], jnp.float32)
            bv = jnp.full((16,), s0[1], jnp.float32)
            _accum(h, -wv, bv)

    def _drain(r0, r1, sem):
        pltpu.make_async_copy(packed_hbm.at[pl.ds(0, E_CHUNK)], r0,
                              sem).wait()
        pltpu.make_async_copy(packed_hbm.at[pl.ds(0, E_CHUNK)], r1,
                              sem).wait()

    _fire(0, r0a_v, r1a_v, sem_a)
    _fire(1, r0b_v, r1b_v, sem_b)
    npairs = E_CHUNKS // 2

    def _pair(g, carry):
        _drain(r0a_v, r1a_v, sem_a)
        _edge_compute(r0a_v, r1a_v)

        @pl.when(g < npairs - 1)
        def _():
            _fire(2 * g + 2, r0a_v, r1a_v, sem_a)

        _drain(r0b_v, r1b_v, sem_b)
        _edge_compute(r0b_v, r1b_v)

        @pl.when(g < npairs - 1)
        def _():
            _fire(2 * g + 3, r0b_v, r1b_v, sem_b)

        return carry

    lax.fori_loop(0, npairs, _pair, 0)

    cps = []
    for a in range(5):
        for fv, rv in ((f0_v, r0a_v), (f1_v, r1a_v), (f2_v, r0b_v)):
            cps.append(pltpu.async_copy(
                packed_hbm.at[fv.at[a]],
                rv.at[pl.ds(a * E_SUB, E_SUB)], sem_a))
    for cp in cps:
        cp.wait()

    @plsc.parallel_loop(0, F_CHUNK, 1, unroll=8)
    def _fbody(e):
        h = jnp.minimum(jnp.minimum(r0a_v[e, 0:16], r1a_v[e, 0:16]),
                        r0b_v[e, 0:16])
        s0 = r0a_v[e, 16:32]
        wm = jnp.maximum(jnp.maximum(s0, r1a_v[e, 16:32]), r0b_v[e, 16:32])
        wv = jnp.full((16,), wm[0], jnp.float32)
        bv = jnp.full((16,), s0[1], jnp.float32)
        _accum(h, wv, bv)

    @plsc.parallel_loop(0, N_CHUNK, 1, unroll=8)
    def _nbody(e):
        h = node_v[e, 0:16]
        s0 = node_v[e, 16:32]
        wv = jnp.full((16,), s0[0], jnp.float32)
        bv = jnp.full((16,), s0[1], jnp.float32)
        _accum(h, wv, bv)

    @plsc.parallel_loop(0, 256, 1, unroll=8)
    def _stage(i):
        stage_v[i, :] = hist_v[pl.ds(i * 16, 16)]

    pltpu.sync_copy(stage_v, out_hbm.at[wid])


_sc_call = pl.kernel(
    _sc_body,
    out_type=jax.ShapeDtypeStruct((NW, 256, 16), jnp.float32),
    mesh=plsc.VectorSubcoreMesh(core_axis_name="c", subcore_axis_name="s"),
    compiler_params=pltpu.CompilerParams(needs_layout_passes=False,
                                         use_tc_tiling_on_sc=False),
    scratch_types=[
        pltpu.VMEM((4096,), jnp.float32),
        pltpu.VMEM((256, 16), jnp.float32),
        pltpu.VMEM((E_CHUNK, 32), jnp.float32),
        pltpu.VMEM((E_CHUNK, 32), jnp.float32),
        pltpu.VMEM((E_CHUNK, 32), jnp.float32),
        pltpu.VMEM((E_CHUNK, 32), jnp.float32),
        pltpu.VMEM((N_CHUNK, 32), jnp.float32),
        pltpu.VMEM((E_CHUNKS, 5, E_SUB), jnp.int32),
        pltpu.VMEM((E_CHUNKS, 5, E_SUB), jnp.int32),
        pltpu.VMEM((5, E_SUB), jnp.int32),
        pltpu.VMEM((5, E_SUB), jnp.int32),
        pltpu.VMEM((5, E_SUB), jnp.int32),
        pltpu.SemaphoreType.DMA,
        pltpu.SemaphoreType.DMA,
        pltpu.SemaphoreType.DMA,
    ],
)


@jax.jit
def kernel(x, edge_index, face, node_weights, batch, v):
    packed = pl.pallas_call(
        _pack_body,
        out_shape=jax.ShapeDtypeStruct((N_PAD, 32), jnp.float32),
    )(x, v, node_weights[:, None], batch.astype(jnp.int32)[:, None])

    ei = edge_index.astype(jnp.int32).reshape(2 * NW * E_CHUNKS, 5, E_SUB)
    fa = face.astype(jnp.int32).reshape(3 * NW, 5, E_SUB)

    hist = _sc_call(packed, ei, fa)

    out2 = pl.pallas_call(
        _fin_body,
        out_shape=jax.ShapeDtypeStruct((128, 16), jnp.float32),
    )(hist)
    return out2.reshape(B, S, T)

# --- scband reference (transcript-rebuilt; emitter-appended) ---
"""Pipeline reference for scband-wect-layer-65403761983812 (READ-ONLY COPY).

The authoritative reference and input builder live on the scoring server;
editing this copy changes nothing except your own understanding.
"""

import jax, jax.numpy as jnp
import numpy as np

N = 10000
E = 160000
F = 20000
D = 3
T = 16
S = 16
R = 1.1
B = 8


def setup_inputs(seed: int = 0) -> dict:
    key = jax.random.key(seed)
    ks = jax.random.split(key, 6)
    x = jax.random.normal(ks[0], (N, D), dtype=jnp.float32)
    edge_index = jax.random.randint(ks[1], (2, E), 0, N).astype(jnp.int64)
    face = jax.random.randint(ks[2], (3, F), 0, N).astype(jnp.int64)
    node_weights = jax.random.uniform(ks[3], (N,), dtype=jnp.float32)
    batch = jnp.sort(jax.random.randint(ks[4], (N,), 0, B)).astype(jnp.int64)
    v = (jax.random.uniform(ks[5], (D, T), dtype=jnp.float32) - 0.5)
    return {"x": x, "edge_index": edge_index, "face": face, "node_weights": node_weights, "batch": batch, "v": v}


def reference(x, edge_index, face, node_weights, batch, v):
    lin = jnp.linspace(-R, R, S, dtype=jnp.float32).reshape(-1, 1, 1)
    num_segments = B

    def compute_wecc(nh, index, weight):
        # ecc: [S, M, T]
        ecc = jax.nn.sigmoid(500.0 * (lin - nh)) * weight.reshape(1, -1, 1)
        # index_add over axis 1 then movedim(0,1) == segment_sum over element axis -> [B, S, T]
        return jax.ops.segment_sum(jnp.transpose(ecc, (1, 0, 2)), index, num_segments=num_segments)

    edge_weights = jnp.max(node_weights[edge_index], axis=0)
    face_weights = jnp.max(node_weights[face], axis=0)
    nh = x @ v
    eh = jnp.min(nh[edge_index], axis=0)
    fh = jnp.min(nh[face], axis=0)
    return (compute_wecc(nh, batch, node_weights)
            - compute_wecc(eh, batch[edge_index[0]], edge_weights)
            + compute_wecc(fh, batch[face[0]], face_weights))

if __name__ == "__main__":
    import jax
    _d = setup_inputs()
    print(jax.jit(kernel)(*tuple(_d.values())))

</pallas_src>

<mosaic_0001>
#map = affine_map<(d0, d1) -> (0, 0)>
#map1 = affine_map<(d0, d1) -> (0, 0, 0)>
module attributes {stable_mosaic.version = 14 : i64} {
  func.func @_sc_body(%arg0: i32, %arg1: i32, %arg2: memref<10240x32xf32, #tpu.memory_space<hbm>>, %arg3: memref<512x5x125xi32, #tpu.memory_space<hbm>>, %arg4: memref<96x5x125xi32, #tpu.memory_space<hbm>>, %arg5: memref<32x256x16xf32, #tpu.memory_space<hbm>>, %arg6: memref<4096xf32, #tpu.memory_space<vmem>>, %arg7: memref<256x16xf32, #tpu.memory_space<vmem>>, %arg8: memref<625x32xf32, #tpu.memory_space<vmem>>, %arg9: memref<625x32xf32, #tpu.memory_space<vmem>>, %arg10: memref<625x32xf32, #tpu.memory_space<vmem>>, %arg11: memref<625x32xf32, #tpu.memory_space<vmem>>, %arg12: memref<320x32xf32, #tpu.memory_space<vmem>>, %arg13: memref<8x5x125xi32, #tpu.memory_space<vmem>>, %arg14: memref<8x5x125xi32, #tpu.memory_space<vmem>>, %arg15: memref<5x125xi32, #tpu.memory_space<vmem>>, %arg16: memref<5x125xi32, #tpu.memory_space<vmem>>, %arg17: memref<5x125xi32, #tpu.memory_space<vmem>>, %arg18: memref<!tpu.dma_semaphore, #tpu.memory_space<semaphore_mem>>, %arg19: memref<!tpu.dma_semaphore, #tpu.memory_space<semaphore_mem>>, %arg20: memref<!tpu.dma_semaphore, #tpu.memory_space<semaphore_mem>>) attributes {dimension_semantics = [#tpu.dimension_semantics<core_parallel>, #tpu.dimension_semantics<subcore_parallel>], iteration_bounds = array<i64: 2, 16>, scalar_prefetch = 0 : i64, scratch_operands = 15 : i64, tpu.core_type = #tpu.core_type<sc_vector_subcore>, window_params = [{transform_indices = #map}, {transform_indices = #map1}, {transform_indices = #map1}, {transform_indices = #map1}]} {
    %mul3A = arith.constant 2 : i32
    %mul3A_0 = arith.muli %arg1, %mul3A : i32
    %add3A = arith.addi %mul3A_0, %arg0 : i32
    %iota3A = tpu.iota {dimensions = array<i32: 0>} : vector<16xi32>
    %mul3A_1 = arith.constant 8 : i32
    %mul3A_2 = arith.muli %add3A, %mul3A_1 : i32
    %multiple_of3A = tpu.assume_multiple %mul3A_2, 8 : i32
    %dma_start3A = arith.constant 0 : i32
    %dma_start3A_3 = arith.constant 0 : i32
    %dma_start3A_4 = tpu.memref_slice %arg3[%multiple_of3A, %dma_start3A, %dma_start3A_3] : memref<512x5x125xi32, #tpu.memory_space<hbm>> -> memref<8x5x125xi32, #tpu.memory_space<hbm>>
    %dma_start3A_5 = arith.constant 0 : i32
    %dma_start3A_6 = arith.constant 0 : i32
    %dma_start3A_7 = tpu.memref_slice %arg3[%multiple_of3A, %dma_start3A_5, %dma_start3A_6] : memref<512x5x125xi32, #tpu.memory_space<hbm>> -> memref<8x5x125xi32, #tpu.memory_space<hbm>>
    tpu.enqueue_dma source(%dma_start3A_7 : memref<8x5x125xi32, #tpu.memory_space<hbm>>) target(%arg13 : memref<8x5x125xi32, #tpu.memory_space<vmem>>) target_semaphore(%arg18 : memref<!tpu.dma_semaphore, #tpu.memory_space<semaphore_mem>>)
    %add3A_8 = arith.constant 256 : i32
    %add3A_9 = arith.addi %multiple_of3A, %add3A_8 : i32
    %dma_start3A_10 = arith.constant 0 : i32
    %dma_start3A_11 = arith.constant 0 : i32
    %dma_start3A_12 = tpu.memref_slice %arg3[%add3A_9, %dma_start3A_10, %dma_start3A_11] : memref<512x5x125xi32, #tpu.memory_space<hbm>> -> memref<8x5x125xi32, #tpu.memory_space<hbm>>
    %dma_start3A_13 = arith.constant 0 : i32
    %dma_start3A_14 = arith.constant 0 : i32
    %dma_start3A_15 = tpu.memref_slice %arg3[%add3A_9, %dma_start3A_13, %dma_start3A_14] : memref<512x5x125xi32, #tpu.memory_space<hbm>> -> memref<8x5x125xi32, #tpu.memory_space<hbm>>
    tpu.enqueue_dma source(%dma_start3A_15 : memref<8x5x125xi32, #tpu.memory_space<hbm>>) target(%arg14 : memref<8x5x125xi32, #tpu.memory_space<vmem>>) target_semaphore(%arg18 : memref<!tpu.dma_semaphore, #tpu.memory_space<semaphore_mem>>)
    %dma_start3A_16 = arith.constant 0 : i32
    %dma_start3A_17 = arith.constant 0 : i32
    %dma_start3A_18 = tpu.memref_slice %arg4[%add3A, %dma_start3A_16, %dma_start3A_17] : memref<96x5x125xi32, #tpu.memory_space<hbm>> -> memref<1x5x125xi32, #tpu.memory_space<hbm>>
    %dma_start3A_19 = tpu.memref_squeeze %dma_start3A_18 : memref<1x5x125xi32, #tpu.memory_space<hbm>> -> memref<5x125xi32, #tpu.memory_space<hbm>>
    %dma_start3A_20 = arith.constant 0 : i32
    %dma_start3A_21 = arith.constant 0 : i32
    %dma_start3A_22 = tpu.memref_slice %arg4[%add3A, %dma_start3A_20, %dma_start3A_21] : memref<96x5x125xi32, #tpu.memory_space<hbm>> -> memref<1x5x125xi32, #tpu.memory_space<hbm>>
    %dma_start3A_23 = tpu.memref_squeeze %dma_start3A_22 : memref<1x5x125xi32, #tpu.memory_space<hbm>> -> memref<5x125xi32, #tpu.memory_space<hbm>>
    tpu.enqueue_dma source(%dma_start3A_23 : memref<5x125xi32, #tpu.memory_space<hbm>>) target(%arg15 : memref<5x125xi32, #tpu.memory_space<vmem>>) target_semaphore(%arg18 : memref<!tpu.dma_semaphore, #tpu.memory_space<semaphore_mem>>)
    %add3A_24 = arith.constant 32 : i32
    %add3A_25 = arith.addi %add3A, %add3A_24 : i32
    %dma_start3A_26 = arith.constant 0 : i32
    %dma_start3A_27 = arith.constant 0 : i32
    %dma_start3A_28 = tpu.memref_slice %arg4[%add3A_25, %dma_start3A_26, %dma_start3A_27] : memref<96x5x125xi32, #tpu.memory_space<hbm>> -> memref<1x5x125xi32, #tpu.memory_space<hbm>>
    %dma_start3A_29 = tpu.memref_squeeze %dma_start3A_28 : memref<1x5x125xi32, #tpu.memory_space<hbm>> -> memref<5x125xi32, #tpu.memory_space<hbm>>
    %dma_start3A_30 = arith.constant 0 : i32
    %dma_start3A_31 = arith.constant 0 : i32
    %dma_start3A_32 = tpu.memref_slice %arg4[%add3A_25, %dma_start3A_30, %dma_start3A_31] : memref<96x5x125xi32, #tpu.memory_space<hbm>> -> memref<1x5x125xi32, #tpu.memory_space<hbm>>
    %dma_start3A_33 = tpu.memref_squeeze %dma_start3A_32 : memref<1x5x125xi32, #tpu.memory_space<hbm>> -> memref<5x125xi32, #tpu.memory_space<hbm>>
    tpu.enqueue_dma source(%dma_start3A_33 : memref<5x125xi32, #tpu.memory_space<hbm>>) target(%arg16 : memref<5x125xi32, #tpu.memory_space<vmem>>) target_semaphore(%arg18 : memref<!tpu.dma_semaphore, #tpu.memory_space<semaphore_mem>>)
    %add3A_34 = arith.constant 64 : i32
    %add3A_35 = arith.addi %add3A, %add3A_34 : i32
    %dma_start3A_36 = arith.constant 0 : i32
    %dma_start3A_37 = arith.constant 0 : i32
    %dma_start3A_38 = tpu.memref_slice %arg4[%add3A_35, %dma_start3A_36, %dma_start3A_37] : memref<96x5x125xi32, #tpu.memory_space<hbm>> -> memref<1x5x125xi32, #tpu.memory_space<hbm>>
    %dma_start3A_39 = tpu.memref_squeeze %dma_start3A_38 : memref<1x5x125xi32, #tpu.memory_space<hbm>> -> memref<5x125xi32, #tpu.memory_space<hbm>>
    %dma_start3A_40 = arith.constant 0 : i32
    %dma_start3A_41 = arith.constant 0 : i32
    %dma_start3A_42 = tpu.memref_slice %arg4[%add3A_35, %dma_start3A_40, %dma_start3A_41] : memref<96x5x125xi32, #tpu.memory_space<hbm>> -> memref<1x5x125xi32, #tpu.memory_space<hbm>>
    %dma_start3A_43 = tpu.memref_squeeze %dma_start3A_42 : memref<1x5x125xi32, #tpu.memory_space<hbm>> -> memref<5x125xi32, #tpu.memory_space<hbm>>
    tpu.enqueue_dma source(%dma_start3A_43 : memref<5x125xi32, #tpu.memory_space<hbm>>) target(%arg17 : memref<5x125xi32, #tpu.memory_space<vmem>>) target_semaphore(%arg18 : memref<!tpu.dma_semaphore, #tpu.memory_space<semaphore_mem>>)
    %mul3A_44 = arith.constant 320 : i32
    %mul3A_45 = arith.muli %add3A, %mul3A_44 : i32
    %multiple_of3A_46 = tpu.assume_multiple %mul3A_45, 320 : i32
    %dma_start3A_47 = arith.constant 0 : i32
    %dma_start3A_48 = tpu.memref_slice %arg2[%multiple_of3A_46, %dma_start3A_47] : memref<10240x32xf32, #tpu.memory_space<hbm>> -> memref<320x32xf32, #tpu.memory_space<hbm>>
    %dma_start3A_49 = arith.constant 0 : i32
    %dma_start3A_50 = tpu.memref_slice %arg2[%multiple_of3A_46, %dma_start3A_49] : memref<10240x32xf32, #tpu.memory_space<hbm>> -> memref<320x32xf32, #tpu.memory_space<hbm>>
    tpu.enqueue_dma source(%dma_start3A_50 : memref<320x32xf32, #tpu.memory_space<hbm>>) target(%arg12 : memref<320x32xf32, #tpu.memory_space<vmem>>) target_semaphore(%arg18 : memref<!tpu.dma_semaphore, #tpu.memory_space<semaphore_mem>>)
    %broadcast_in_dim3A = arith.constant 0.000000e+00 : f32
    %broadcast_in_dim3A_51 = vector.broadcast %broadcast_in_dim3A : f32 to vector<16xf32>
    %parallel_loop3A = arith.constant 0 : i32
    %parallel_loop3A_52 = arith.constant 256 : i32
    %parallel_loop3A_53 = arith.constant 1 : i32
    scf.for %parallel_loop3A_627 = %parallel_loop3A to %parallel_loop3A_52 step %parallel_loop3A_53  : i32 {
      %parallel_loop3A_628 = arith.constant 16 : i32
      %parallel_loop3A_629 = arith.muli %parallel_loop3A_627, %parallel_loop3A_628 : i32
      %parallel_loop3A_630 = arith.index_cast %parallel_loop3A_629 : i32 to index
      %parallel_loop3A_631 = tpu.vector_load %arg6[%parallel_loop3A_630] {strides = array<i32>} : memref<4096xf32, #tpu.memory_space<vmem>>, vector<16xf32>,
      tpu.vector_store %arg6[%parallel_loop3A_630], %broadcast_in_dim3A_51 {strides = array<i32>} : memref<4096xf32, #tpu.memory_space<vmem>>, vector<16xf32>,
    } {sc.loop_unroll_factor = 8 : i64, sc.parallel_access}
    %dma_wait3A = arith.constant 0 : i32
    %dma_wait3A_54 = arith.constant 0 : i32
    %dma_wait3A_55 = tpu.memref_slice %arg3[%multiple_of3A, %dma_wait3A, %dma_wait3A_54] : memref<512x5x125xi32, #tpu.memory_space<hbm>> -> memref<8x5x125xi32, #tpu.memory_space<hbm>>
    %dma_wait3A_56 = arith.constant 0 : i32
    %dma_wait3A_57 = arith.constant 0 : i32
    %dma_wait3A_58 = tpu.memref_slice %arg3[%multiple_of3A, %dma_wait3A_56, %dma_wait3A_57] : memref<512x5x125xi32, #tpu.memory_space<hbm>> -> memref<8x5x125xi32, #tpu.memory_space<hbm>>
    tpu.wait_dma2 semaphore(%arg18 : memref<!tpu.dma_semaphore, #tpu.memory_space<semaphore_mem>>) src(%dma_wait3A_58 : memref<8x5x125xi32, #tpu.memory_space<hbm>>) dst(%arg13 : memref<8x5x125xi32, #tpu.memory_space<vmem>>)
    %dma_wait3A_59 = arith.constant 0 : i32
    %dma_wait3A_60 = arith.constant 0 : i32
    %dma_wait3A_61 = tpu.memref_slice %arg3[%add3A_9, %dma_wait3A_59, %dma_wait3A_60] : memref<512x5x125xi32, #tpu.memory_space<hbm>> -> memref<8x5x125xi32, #tpu.memory_space<hbm>>
    %dma_wait3A_62 = arith.constant 0 : i32
    %dma_wait3A_63 = arith.constant 0 : i32
    %dma_wait3A_64 = tpu.memref_slice %arg3[%add3A_9, %dma_wait3A_62, %dma_wait3A_63] : memref<512x5x125xi32, #tpu.memory_space<hbm>> -> memref<8x5x125xi32, #tpu.memory_space<hbm>>
    tpu.wait_dma2 semaphore(%arg18 : memref<!tpu.dma_semaphore, #tpu.memory_space<semaphore_mem>>) src(%dma_wait3A_64 : memref<8x5x125xi32, #tpu.memory_space<hbm>>) dst(%arg14 : memref<8x5x125xi32, #tpu.memory_space<vmem>>)
    %dma_wait3A_65 = arith.constant 0 : i32
    %dma_wait3A_66 = arith.constant 0 : i32
    %dma_wait3A_67 = tpu.memref_slice %arg4[%add3A, %dma_wait3A_65, %dma_wait3A_66] : memref<96x5x125xi32, #tpu.memory_space<hbm>> -> memref<1x5x125xi32, #tpu.memory_space<hbm>>
    %dma_wait3A_68 = tpu.memref_squeeze %dma_wait3A_67 : memref<1x5x125xi32, #tpu.memory_space<hbm>> -> memref<5x125xi32, #tpu.memory_space<hbm>>
    %dma_wait3A_69 = arith.constant 0 : i32
    %dma_wait3A_70 = arith.constant 0 : i32
    %dma_wait3A_71 = tpu.memref_slice %arg4[%add3A, %dma_wait3A_69, %dma_wait3A_70] : memref<96x5x125xi32, #tpu.memory_space<hbm>> -> memref<1x5x125xi32, #tpu.memory_space<hbm>>
    %dma_wait3A_72 = tpu.memref_squeeze %dma_wait3A_71 : memref<1x5x125xi32, #tpu.memory_space<hbm>> -> memref<5x125xi32, #tpu.memory_space<hbm>>
    tpu.wait_dma2 semaphore(%arg18 : memref<!tpu.dma_semaphore, #tpu.memory_space<semaphore_mem>>) src(%dma_wait3A_72 : memref<5x125xi32, #tpu.memory_space<hbm>>) dst(%arg15 : memref<5x125xi32, #tpu.memory_space<vmem>>)
    %dma_wait3A_73 = arith.constant 0 : i32
    %dma_wait3A_74 = arith.constant 0 : i32
    %dma_wait3A_75 = tpu.memref_slice %arg4[%add3A_25, %dma_wait3A_73, %dma_wait3A_74] : memref<96x5x125xi32, #tpu.memory_space<hbm>> -> memref<1x5x125xi32, #tpu.memory_space<hbm>>
    %dma_wait3A_76 = tpu.memref_squeeze %dma_wait3A_75 : memref<1x5x125xi32, #tpu.memory_space<hbm>> -> memref<5x125xi32, #tpu.memory_space<hbm>>
    %dma_wait3A_77 = arith.constant 0 : i32
    %dma_wait3A_78 = arith.constant 0 : i32
    %dma_wait3A_79 = tpu.memref_slice %arg4[%add3A_25, %dma_wait3A_77, %dma_wait3A_78] : memref<96x5x125xi32, #tpu.memory_space<hbm>> -> memref<1x5x125xi32, #tpu.memory_space<hbm>>
    %dma_wait3A_80 = tpu.memref_squeeze %dma_wait3A_79 : memref<1x5x125xi32, #tpu.memory_space<hbm>> -> memref<5x125xi32, #tpu.memory_space<hbm>>
    tpu.wait_dma2 semaphore(%arg18 : memref<!tpu.dma_semaphore, #tpu.memory_space<semaphore_mem>>) src(%dma_wait3A_80 : memref<5x125xi32, #tpu.memory_space<hbm>>) dst(%arg16 : memref<5x125xi32, #tpu.memory_space<vmem>>)
    %dma_wait3A_81 = arith.constant 0 : i32
    %dma_wait3A_82 = arith.constant 0 : i32
    %dma_wait3A_83 = tpu.memref_slice %arg4[%add3A_35, %dma_wait3A_81, %dma_wait3A_82] : memref<96x5x125xi32, #tpu.memory_space<hbm>> -> memref<1x5x125xi32, #tpu.memory_space<hbm>>
    %dma_wait3A_84 = tpu.memref_squeeze %dma_wait3A_83 : memref<1x5x125xi32, #tpu.memory_space<hbm>> -> memref<5x125xi32, #tpu.memory_space<hbm>>
    %dma_wait3A_85 = arith.constant 0 : i32
    %dma_wait3A_86 = arith.constant 0 : i32
    %dma_wait3A_87 = tpu.memref_slice %arg4[%add3A_35, %dma_wait3A_85, %dma_wait3A_86] : memref<96x5x125xi32, #tpu.memory_space<hbm>> -> memref<1x5x125xi32, #tpu.memory_space<hbm>>
    %dma_wait3A_88 = tpu.memref_squeeze %dma_wait3A_87 : memref<1x5x125xi32, #tpu.memory_space<hbm>> -> memref<5x125xi32, #tpu.memory_space<hbm>>
    tpu.wait_dma2 semaphore(%arg18 : memref<!tpu.dma_semaphore, #tpu.memory_space<semaphore_mem>>) src(%dma_wait3A_88 : memref<5x125xi32, #tpu.memory_space<hbm>>) dst(%arg17 : memref<5x125xi32, #tpu.memory_space<vmem>>)
    %dma_wait3A_89 = arith.constant 0 : i32
    %dma_wait3A_90 = tpu.memref_slice %arg2[%multiple_of3A_46, %dma_wait3A_89] : memref<10240x32xf32, #tpu.memory_space<hbm>> -> memref<320x32xf32, #tpu.memory_space<hbm>>
    %dma_wait3A_91 = arith.constant 0 : i32
    %dma_wait3A_92 = tpu.memref_slice %arg2[%multiple_of3A_46, %dma_wait3A_91] : memref<10240x32xf32, #tpu.memory_space<hbm>> -> memref<320x32xf32, #tpu.memory_space<hbm>>
    tpu.wait_dma2 semaphore(%arg18 : memref<!tpu.dma_semaphore, #tpu.memory_space<semaphore_mem>>) src(%dma_wait3A_92 : memref<320x32xf32, #tpu.memory_space<hbm>>) dst(%arg12 : memref<320x32xf32, #tpu.memory_space<vmem>>)
    %dma_start3A_93 = arith.constant 0 : i32
    %dma_start3A_94 = arith.constant 0 : i32
    %dma_start3A_95 = arith.constant 0 : i32
    %dma_start3A_96 = arith.constant 0 : i32
    %dma_start3A_97 = tpu.memref_slice %arg8[%dma_start3A_95, %dma_start3A_96] : memref<625x32xf32, #tpu.memory_space<vmem>> -> memref<125x32xf32, #tpu.memory_space<vmem>>
    %dma_start3A_98 = arith.constant 0 : i32
    %dma_start3A_99 = tpu.memref_slice %arg13[%dma_start3A_93, %dma_start3A_94, %dma_start3A_98] : memref<8x5x125xi32, #tpu.memory_space<vmem>> -> memref<1x1x125xi32, #tpu.memory_space<vmem>>
    %dma_start3A_100 = tpu.memref_squeeze %dma_start3A_99 : memref<1x1x125xi32, #tpu.memory_space<vmem>> -> memref<125xi32, #tpu.memory_space<vmem>>
    %dma_start3A_101 = arith.constant 0 : i32
    %dma_start3A_102 = arith.constant 0 : i32
    %dma_start3A_103 = tpu.memref_slice %arg2[%dma_start3A_101, %dma_start3A_102] : memref<10240x32xf32, #tpu.memory_space<hbm>> -> memref<10240x32xf32, #tpu.memory_space<hbm>>
    tpu.enqueue_indirect_dma source(%dma_start3A_103 : memref<10240x32xf32, #tpu.memory_space<hbm>>) target(%dma_start3A_97 : memref<125x32xf32, #tpu.memory_space<vmem>>) offsets(%dma_start3A_100 : memref<125xi32, #tpu.memory_space<vmem>>) semaphore(%arg19 : memref<!tpu.dma_semaphore, #tpu.memory_space<semaphore_mem>>)
    %dma_start3A_104 = arith.constant 0 : i32
    %dma_start3A_105 = arith.constant 0 : i32
    %dma_start3A_106 = arith.constant 0 : i32
    %dma_start3A_107 = arith.constant 0 : i32
    %dma_start3A_108 = tpu.memref_slice %arg9[%dma_start3A_106, %dma_start3A_107] : memref<625x32xf32, #tpu.memory_space<vmem>> -> memref<125x32xf32, #tpu.memory_space<vmem>>
    %dma_start3A_109 = arith.constant 0 : i32
    %dma_start3A_110 = tpu.memref_slice %arg14[%dma_start3A_104, %dma_start3A_105, %dma_start3A_109] : memref<8x5x125xi32, #tpu.memory_space<vmem>> -> memref<1x1x125xi32, #tpu.memory_space<vmem>>
    %dma_start3A_111 = tpu.memref_squeeze %dma_start3A_110 : memref<1x1x125xi32, #tpu.memory_space<vmem>> -> memref<125xi32, #tpu.memory_space<vmem>>
    %dma_start3A_112 = arith.constant 0 : i32
    %dma_start3A_113 = arith.constant 0 : i32
    %dma_start3A_114 = tpu.memref_slice %arg2[%dma_start3A_112, %dma_start3A_113] : memref<10240x32xf32, #tpu.memory_space<hbm>> -> memref<10240x32xf32, #tpu.memory_space<hbm>>
    tpu.enqueue_indirect_dma source(%dma_start3A_114 : memref<10240x32xf32, #tpu.memory_space<hbm>>) target(%dma_start3A_108 : memref<125x32xf32, #tpu.memory_space<vmem>>) offsets(%dma_start3A_111 : memref<125xi32, #tpu.memory_space<vmem>>) semaphore(%arg19 : memref<!tpu.dma_semaphore, #tpu.memory_space<semaphore_mem>>)
    %dma_start3A_115 = arith.constant 0 : i32
    %dma_start3A_116 = arith.constant 1 : i32
    %dma_start3A_117 = arith.constant 125 : i32
    %dma_start3A_118 = arith.constant 0 : i32
    %dma_start3A_119 = tpu.memref_slice %arg8[%dma_start3A_117, %dma_start3A_118] : memref<625x32xf32, #tpu.memory_space<vmem>> -> memref<125x32xf32, #tpu.memory_space<vmem>>
    %dma_start3A_120 = arith.constant 0 : i32
    %dma_start3A_121 = tpu.memref_slice %arg13[%dma_start3A_115, %dma_start3A_116, %dma_start3A_120] : memref<8x5x125xi32, #tpu.memory_space<vmem>> -> memref<1x1x125xi32, #tpu.memory_space<vmem>>
    %dma_start3A_122 = tpu.memref_squeeze %dma_start3A_121 : memref<1x1x125xi32, #tpu.memory_space<vmem>> -> memref<125xi32, #tpu.memory_space<vmem>>
    %dma_start3A_123 = arith.constant 0 : i32
    %dma_start3A_124 = arith.constant 0 : i32
    %dma_start3A_125 = tpu.memref_slice %arg2[%dma_start3A_123, %dma_start3A_124] : memref<10240x32xf32, #tpu.memory_space<hbm>> -> memref<10240x32xf32, #tpu.memory_space<hbm>>
    tpu.enqueue_indirect_dma source(%dma_start3A_125 : memref<10240x32xf32, #tpu.memory_space<hbm>>) target(%dma_start3A_119 : memref<125x32xf32, #tpu.memory_space<vmem>>) offsets(%dma_start3A_122 : memref<125xi32, #tpu.memory_space<vmem>>) semaphore(%arg19 : memref<!tpu.dma_semaphore, #tpu.memory_space<semaphore_mem>>)
    %dma_start3A_126 = arith.constant 0 : i32
    %dma_start3A_127 = arith.constant 1 : i32
    %dma_start3A_128 = arith.constant 125 : i32
    %dma_start3A_129 = arith.constant 0 : i32
    %dma_start3A_130 = tpu.memref_slice %arg9[%dma_start3A_128, %dma_start3A_129] : memref<625x32xf32, #tpu.memory_space<vmem>> -> memref<125x32xf32, #tpu.memory_space<vmem>>
    %dma_start3A_131 = arith.constant 0 : i32
    %dma_start3A_132 = tpu.memref_slice %arg14[%dma_start3A_126, %dma_start3A_127, %dma_start3A_131] : memref<8x5x125xi32, #tpu.memory_space<vmem>> -> memref<1x1x125xi32, #tpu.memory_space<vmem>>
    %dma_start3A_133 = tpu.memref_squeeze %dma_start3A_132 : memref<1x1x125xi32, #tpu.memory_space<vmem>> -> memref<125xi32, #tpu.memory_space<vmem>>
    %dma_start3A_134 = arith.constant 0 : i32
    %dma_start3A_135 = arith.constant 0 : i32
    %dma_start3A_136 = tpu.memref_slice %arg2[%dma_start3A_134, %dma_start3A_135] : memref<10240x32xf32, #tpu.memory_space<hbm>> -> memref<10240x32xf32, #tpu.memory_space<hbm>>
    tpu.enqueue_indirect_dma source(%dma_start3A_136 : memref<10240x32xf32, #tpu.memory_space<hbm>>) target(%dma_start3A_130 : memref<125x32xf32, #tpu.memory_space<vmem>>) offsets(%dma_start3A_133 : memref<125xi32, #tpu.memory_space<vmem>>) semaphore(%arg19 : memref<!tpu.dma_semaphore, #tpu.memory_space<semaphore_mem>>)
    %dma_start3A_137 = arith.constant 0 : i32
    %dma_start3A_138 = arith.constant 2 : i32
    %dma_start3A_139 = arith.constant 250 : i32
    %dma_start3A_140 = arith.constant 0 : i32
    %dma_start3A_141 = tpu.memref_slice %arg8[%dma_start3A_139, %dma_start3A_140] : memref<625x32xf32, #tpu.memory_space<vmem>> -> memref<125x32xf32, #tpu.memory_space<vmem>>
    %dma_start3A_142 = arith.constant 0 : i32
    %dma_start3A_143 = tpu.memref_slice %arg13[%dma_start3A_137, %dma_start3A_138, %dma_start3A_142] : memref<8x5x125xi32, #tpu.memory_space<vmem>> -> memref<1x1x125xi32, #tpu.memory_space<vmem>>
    %dma_start3A_144 = tpu.memref_squeeze %dma_start3A_143 : memref<1x1x125xi32, #tpu.memory_space<vmem>> -> memref<125xi32, #tpu.memory_space<vmem>>
    %dma_start3A_145 = arith.constant 0 : i32
    %dma_start3A_146 = arith.constant 0 : i32
    %dma_start3A_147 = tpu.memref_slice %arg2[%dma_start3A_145, %dma_start3A_146] : memref<10240x32xf32, #tpu.memory_space<hbm>> -> memref<10240x32xf32, #tpu.memory_space<hbm>>
    tpu.enqueue_indirect_dma source(%dma_start3A_147 : memref<10240x32xf32, #tpu.memory_space<hbm>>) target(%dma_start3A_141 : memref<125x32xf32, #tpu.memory_space<vmem>>) offsets(%dma_start3A_144 : memref<125xi32, #tpu.memory_space<vmem>>) semaphore(%arg19 : memref<!tpu.dma_semaphore, #tpu.memory_space<semaphore_mem>>)
    %dma_start3A_148 = arith.constant 0 : i32
    %dma_start3A_149 = arith.constant 2 : i32
    %dma_start3A_150 = arith.constant 250 : i32
    %dma_start3A_151 = arith.constant 0 : i32
    %dma_start3A_152 = tpu.memref_slice %arg9[%dma_start3A_150, %dma_start3A_151] : memref<625x32xf32, #tpu.memory_space<vmem>> -> memref<125x32xf32, #tpu.memory_space<vmem>>
    %dma_start3A_153 = arith.constant 0 : i32
    %dma_start3A_154 = tpu.memref_slice %arg14[%dma_start3A_148, %dma_start3A_149, %dma_start3A_153] : memref<8x5x125xi32, #tpu.memory_space<vmem>> -> memref<1x1x125xi32, #tpu.memory_space<vmem>>
    %dma_start3A_155 = tpu.memref_squeeze %dma_start3A_154 : memref<1x1x125xi32, #tpu.memory_space<vmem>> -> memref<125xi32, #tpu.memory_space<vmem>>
    %dma_start3A_156 = arith.constant 0 : i32
    %dma_start3A_157 = arith.constant 0 : i32
    %dma_start3A_158 = tpu.memref_slice %arg2[%dma_start3A_156, %dma_start3A_157] : memref<10240x32xf32, #tpu.memory_space<hbm>> -> memref<10240x32xf32, #tpu.memory_space<hbm>>
    tpu.enqueue_indirect_dma source(%dma_start3A_158 : memref<10240x32xf32, #tpu.memory_space<hbm>>) target(%dma_start3A_152 : memref<125x32xf32, #tpu.memory_space<vmem>>) offsets(%dma_start3A_155 : memref<125xi32, #tpu.memory_space<vmem>>) semaphore(%arg19 : memref<!tpu.dma_semaphore, #tpu.memory_space<semaphore_mem>>)
    %dma_start3A_159 = arith.constant 0 : i32
    %dma_start3A_160 = arith.constant 3 : i32
    %dma_start3A_161 = arith.constant 375 : i32
    %dma_start3A_162 = arith.constant 0 : i32
    %dma_start3A_163 = tpu.memref_slice %arg8[%dma_start3A_161, %dma_start3A_162] : memref<625x32xf32, #tpu.memory_space<vmem>> -> memref<125x32xf32, #tpu.memory_space<vmem>>
    %dma_start3A_164 = arith.constant 0 : i32
    %dma_start3A_165 = tpu.memref_slice %arg13[%dma_start3A_159, %dma_start3A_160, %dma_start3A_164] : memref<8x5x125xi32, #tpu.memory_space<vmem>> -> memref<1x1x125xi32, #tpu.memory_space<vmem>>
    %dma_start3A_166 = tpu.memref_squeeze %dma_start3A_165 : memref<1x1x125xi32, #tpu.memory_space<vmem>> -> memref<125xi32, #tpu.memory_space<vmem>>
    %dma_start3A_167 = arith.constant 0 : i32
    %dma_start3A_168 = arith.constant 0 : i32
    %dma_start3A_169 = tpu.memref_slice %arg2[%dma_start3A_167, %dma_start3A_168] : memref<10240x32xf32, #tpu.memory_space<hbm>> -> memref<10240x32xf32, #tpu.memory_space<hbm>>
    tpu.enqueue_indirect_dma source(%dma_start3A_169 : memref<10240x32xf32, #tpu.memory_space<hbm>>) target(%dma_start3A_163 : memref<125x32xf32, #tpu.memory_space<vmem>>) offsets(%dma_start3A_166 : memref<125xi32, #tpu.memory_space<vmem>>) semaphore(%arg19 : memref<!tpu.dma_semaphore, #tpu.memory_space<semaphore_mem>>)
    %dma_start3A_170 = arith.constant 0 : i32
    %dma_start3A_171 = arith.constant 3 : i32
    %dma_start3A_172 = arith.constant 375 : i32
    %dma_start3A_173 = arith.constant 0 : i32
    %dma_start3A_174 = tpu.memref_slice %arg9[%dma_start3A_172, %dma_start3A_173] : memref<625x32xf32, #tpu.memory_space<vmem>> -> memref<125x32xf32, #tpu.memory_space<vmem>>
    %dma_start3A_175 = arith.constant 0 : i32
    %dma_start3A_176 = tpu.memref_slice %arg14[%dma_start3A_170, %dma_start3A_171, %dma_start3A_175] : memref<8x5x125xi32, #tpu.memory_space<vmem>> -> memref<1x1x125xi32, #tpu.memory_space<vmem>>
    %dma_start3A_177 = tpu.memref_squeeze %dma_start3A_176 : memref<1x1x125xi32, #tpu.memory_space<vmem>> -> memref<125xi32, #tpu.memory_space<vmem>>
    %dma_start3A_178 = arith.constant 0 : i32
    %dma_start3A_179 = arith.constant 0 : i32
    %dma_start3A_180 = tpu.memref_slice %arg2[%dma_start3A_178, %dma_start3A_179] : memref<10240x32xf32, #tpu.memory_space<hbm>> -> memref<10240x32xf32, #tpu.memory_space<hbm>>
    tpu.enqueue_indirect_dma source(%dma_start3A_180 : memref<10240x32xf32, #tpu.memory_space<hbm>>) target(%dma_start3A_174 : memref<125x32xf32, #tpu.memory_space<vmem>>) offsets(%dma_start3A_177 : memref<125xi32, #tpu.memory_space<vmem>>) semaphore(%arg19 : memref<!tpu.dma_semaphore, #tpu.memory_space<semaphore_mem>>)
    %dma_start3A_181 = arith.constant 0 : i32
    %dma_start3A_182 = arith.constant 4 : i32
    %dma_start3A_183 = arith.constant 500 : i32
    %dma_start3A_184 = arith.constant 0 : i32
    %dma_start3A_185 = tpu.memref_slice %arg8[%dma_start3A_183, %dma_start3A_184] : memref<625x32xf32, #tpu.memory_space<vmem>> -> memref<125x32xf32, #tpu.memory_space<vmem>>
    %dma_start3A_186 = arith.constant 0 : i32
    %dma_start3A_187 = tpu.memref_slice %arg13[%dma_start3A_181, %dma_start3A_182, %dma_start3A_186] : memref<8x5x125xi32, #tpu.memory_space<vmem>> -> memref<1x1x125xi32, #tpu.memory_space<vmem>>
    %dma_start3A_188 = tpu.memref_squeeze %dma_start3A_187 : memref<1x1x125xi32, #tpu.memory_space<vmem>> -> memref<125xi32, #tpu.memory_space<vmem>>
    %dma_start3A_189 = arith.constant 0 : i32
    %dma_start3A_190 = arith.constant 0 : i32
    %dma_start3A_191 = tpu.memref_slice %arg2[%dma_start3A_189, %dma_start3A_190] : memref<10240x32xf32, #tpu.memory_space<hbm>> -> memref<10240x32xf32, #tpu.memory_space<hbm>>
    tpu.enqueue_indirect_dma source(%dma_start3A_191 : memref<10240x32xf32, #tpu.memory_space<hbm>>) target(%dma_start3A_185 : memref<125x32xf32, #tpu.memory_space<vmem>>) offsets(%dma_start3A_188 : memref<125xi32, #tpu.memory_space<vmem>>) semaphore(%arg19 : memref<!tpu.dma_semaphore, #tpu.memory_space<semaphore_mem>>)
    %dma_start3A_192 = arith.constant 0 : i32
    %dma_start3A_193 = arith.constant 4 : i32
    %dma_start3A_194 = arith.constant 500 : i32
    %dma_start3A_195 = arith.constant 0 : i32
    %dma_start3A_196 = tpu.memref_slice %arg9[%dma_start3A_194, %dma_start3A_195] : memref<625x32xf32, #tpu.memory_space<vmem>> -> memref<125x32xf32, #tpu.memory_space<vmem>>
    %dma_start3A_197 = arith.constant 0 : i32
    %dma_start3A_198 = tpu.memref_slice %arg14[%dma_start3A_192, %dma_start3A_193, %dma_start3A_197] : memref<8x5x125xi32, #tpu.memory_space<vmem>> -> memref<1x1x125xi32, #tpu.memory_space<vmem>>
    %dma_start3A_199 = tpu.memref_squeeze %dma_start3A_198 : memref<1x1x125xi32, #tpu.memory_space<vmem>> -> memref<125xi32, #tpu.memory_space<vmem>>
    %dma_start3A_200 = arith.constant 0 : i32
    %dma_start3A_201 = arith.constant 0 : i32
    %dma_start3A_202 = tpu.memref_slice %arg2[%dma_start3A_200, %dma_start3A_201] : memref<10240x32xf32, #tpu.memory_space<hbm>> -> memref<10240x32xf32, #tpu.memory_space<hbm>>
    tpu.enqueue_indirect_dma source(%dma_start3A_202 : memref<10240x32xf32, #tpu.memory_space<hbm>>) target(%dma_start3A_196 : memref<125x32xf32, #tpu.memory_space<vmem>>) offsets(%dma_start3A_199 : memref<125xi32, #tpu.memory_space<vmem>>) semaphore(%arg19 : memref<!tpu.dma_semaphore, #tpu.memory_space<semaphore_mem>>)
    %dma_start3A_203 = arith.constant 1 : i32
    %dma_start3A_204 = arith.constant 0 : i32
    %dma_start3A_205 = arith.constant 0 : i32
    %dma_start3A_206 = arith.constant 0 : i32
    %dma_start3A_207 = tpu.memref_slice %arg10[%dma_start3A_205, %dma_start3A_206] : memref<625x32xf32, #tpu.memory_space<vmem>> -> memref<125x32xf32, #tpu.memory_space<vmem>>
    %dma_start3A_208 = arith.constant 0 : i32
    %dma_start3A_209 = tpu.memref_slice %arg13[%dma_start3A_203, %dma_start3A_204, %dma_start3A_208] : memref<8x5x125xi32, #tpu.memory_space<vmem>> -> memref<1x1x125xi32, #tpu.memory_space<vmem>>
    %dma_start3A_210 = tpu.memref_squeeze %dma_start3A_209 : memref<1x1x125xi32, #tpu.memory_space<vmem>> -> memref<125xi32, #tpu.memory_space<vmem>>
    %dma_start3A_211 = arith.constant 0 : i32
    %dma_start3A_212 = arith.constant 0 : i32
    %dma_start3A_213 = tpu.memref_slice %arg2[%dma_start3A_211, %dma_start3A_212] : memref<10240x32xf32, #tpu.memory_space<hbm>> -> memref<10240x32xf32, #tpu.memory_space<hbm>>
    tpu.enqueue_indirect_dma source(%dma_start3A_213 : memref<10240x32xf32, #tpu.memory_space<hbm>>) target(%dma_start3A_207 : memref<125x32xf32, #tpu.memory_space<vmem>>) offsets(%dma_start3A_210 : memref<125xi32, #tpu.memory_space<vmem>>) semaphore(%arg20 : memref<!tpu.dma_semaphore, #tpu.memory_space<semaphore_mem>>)
    %dma_start3A_214 = arith.constant 1 : i32
    %dma_start3A_215 = arith.constant 0 : i32
    %dma_start3A_216 = arith.constant 0 : i32
    %dma_start3A_217 = arith.constant 0 : i32
    %dma_start3A_218 = tpu.memref_slice %arg11[%dma_start3A_216, %dma_start3A_217] : memref<625x32xf32, #tpu.memory_space<vmem>> -> memref<125x32xf32, #tpu.memory_space<vmem>>
    %dma_start3A_219 = arith.constant 0 : i32
    %dma_start3A_220 = tpu.memref_slice %arg14[%dma_start3A_214, %dma_start3A_215, %dma_start3A_219] : memref<8x5x125xi32, #tpu.memory_space<vmem>> -> memref<1x1x125xi32, #tpu.memory_space<vmem>>
    %dma_start3A_221 = tpu.memref_squeeze %dma_start3A_220 : memref<1x1x125xi32, #tpu.memory_space<vmem>> -> memref<125xi32, #tpu.memory_space<vmem>>
    %dma_start3A_222 = arith.constant 0 : i32
    %dma_start3A_223 = arith.constant 0 : i32
    %dma_start3A_224 = tpu.memref_slice %arg2[%dma_start3A_222, %dma_start3A_223] : memref<10240x32xf32, #tpu.memory_space<hbm>> -> memref<10240x32xf32, #tpu.memory_space<hbm>>
    tpu.enqueue_indirect_dma source(%dma_start3A_224 : memref<10240x32xf32, #tpu.memory_space<hbm>>) target(%dma_start3A_218 : memref<125x32xf32, #tpu.memory_space<vmem>>) offsets(%dma_start3A_221 : memref<125xi32, #tpu.memory_space<vmem>>) semaphore(%arg20 : memref<!tpu.dma_semaphore, #tpu.memory_space<semaphore_mem>>)
    %dma_start3A_225 = arith.constant 1 : i32
    %dma_start3A_226 = arith.constant 1 : i32
    %dma_start3A_227 = arith.constant 125 : i32
    %dma_start3A_228 = arith.constant 0 : i32
    %dma_start3A_229 = tpu.memref_slice %arg10[%dma_start3A_227, %dma_start3A_228] : memref<625x32xf32, #tpu.memory_space<vmem>> -> memref<125x32xf32, #tpu.memory_space<vmem>>
    %dma_start3A_230 = arith.constant 0 : i32
    %dma_start3A_231 = tpu.memref_slice %arg13[%dma_start3A_225, %dma_start3A_226, %dma_start3A_230] : memref<8x5x125xi32, #tpu.memory_space<vmem>> -> memref<1x1x125xi32, #tpu.memory_space<vmem>>
    %dma_start3A_232 = tpu.memref_squeeze %dma_start3A_231 : memref<1x1x125xi32, #tpu.memory_space<vmem>> -> memref<125xi32, #tpu.memory_space<vmem>>
    %dma_start3A_233 = arith.constant 0 : i32
    %dma_start3A_234 = arith.constant 0 : i32
    %dma_start3A_235 = tpu.memref_slice %arg2[%dma_start3A_233, %dma_start3A_234] : memref<10240x32xf32, #tpu.memory_space<hbm>> -> memref<10240x32xf32, #tpu.memory_space<hbm>>
    tpu.enqueue_indirect_dma source(%dma_start3A_235 : memref<10240x32xf32, #tpu.memory_space<hbm>>) target(%dma_start3A_229 : memref<125x32xf32, #tpu.memory_space<vmem>>) offsets(%dma_start3A_232 : memref<125xi32, #tpu.memory_space<vmem>>) semaphore(%arg20 : memref<!tpu.dma_semaphore, #tpu.memory_space<semaphore_mem>>)
    %dma_start3A_236 = arith.constant 1 : i32
    %dma_start3A_237 = arith.constant 1 : i32
    %dma_start3A_238 = arith.constant 125 : i32
    %dma_start3A_239 = arith.constant 0 : i32
    %dma_start3A_240 = tpu.memref_slice %arg11[%dma_start3A_238, %dma_start3A_239] : memref<625x32xf32, #tpu.memory_space<vmem>> -> memref<125x32xf32, #tpu.memory_space<vmem>>
    %dma_start3A_241 = arith.constant 0 : i32
    %dma_start3A_242 = tpu.memref_slice %arg14[%dma_start3A_236, %dma_start3A_237, %dma_start3A_241] : memref<8x5x125xi32, #tpu.memory_space<vmem>> -> memref<1x1x125xi32, #tpu.memory_space<vmem>>
    %dma_start3A_243 = tpu.memref_squeeze %dma_start3A_242 : memref<1x1x125xi32, #tpu.memory_space<vmem>> -> memref<125xi32, #tpu.memory_space<vmem>>
    %dma_start3A_244 = arith.constant 0 : i32
    %dma_start3A_245 = arith.constant 0 : i32
    %dma_start3A_246 = tpu.memref_slice %arg2[%dma_start3A_244, %dma_start3A_245] : memref<10240x32xf32, #tpu.memory_space<hbm>> -> memref<10240x32xf32, #tpu.memory_space<hbm>>
    tpu.enqueue_indirect_dma source(%dma_start3A_246 : memref<10240x32xf32, #tpu.memory_space<hbm>>) target(%dma_start3A_240 : memref<125x32xf32, #tpu.memory_space<vmem>>) offsets(%dma_start3A_243 : memref<125xi32, #tpu.memory_space<vmem>>) semaphore(%arg20 : memref<!tpu.dma_semaphore, #tpu.memory_space<semaphore_mem>>)
    %dma_start3A_247 = arith.constant 1 : i32
    %dma_start3A_248 = arith.constant 2 : i32
    %dma_start3A_249 = arith.constant 250 : i32
    %dma_start3A_250 = arith.constant 0 : i32
    %dma_start3A_251 = tpu.memref_slice %arg10[%dma_start3A_249, %dma_start3A_250] : memref<625x32xf32, #tpu.memory_space<vmem>> -> memref<125x32xf32, #tpu.memory_space<vmem>>
    %dma_start3A_252 = arith.constant 0 : i32
    %dma_start3A_253 = tpu.memref_slice %arg13[%dma_start3A_247, %dma_start3A_248, %dma_start3A_252] : memref<8x5x125xi32, #tpu.memory_space<vmem>> -> memref<1x1x125xi32, #tpu.memory_space<vmem>>
    %dma_start3A_254 = tpu.memref_squeeze %dma_start3A_253 : memref<1x1x125xi32, #tpu.memory_space<vmem>> -> memref<125xi32, #tpu.memory_space<vmem>>
    %dma_start3A_255 = arith.constant 0 : i32
    %dma_start3A_256 = arith.constant 0 : i32
    %dma_start3A_257 = tpu.memref_slice %arg2[%dma_start3A_255, %dma_start3A_256] : memref<10240x32xf32, #tpu.memory_space<hbm>> -> memref<10240x32xf32, #tpu.memory_space<hbm>>
    tpu.enqueue_indirect_dma source(%dma_start3A_257 : memref<10240x32xf32, #tpu.memory_space<hbm>>) target(%dma_start3A_251 : memref<125x32xf32, #tpu.memory_space<vmem>>) offsets(%dma_start3A_254 : memref<125xi32, #tpu.memory_space<vmem>>) semaphore(%arg20 : memref<!tpu.dma_semaphore, #tpu.memory_space<semaphore_mem>>)
    %dma_start3A_258 = arith.constant 1 : i32
    %dma_start3A_259 = arith.constant 2 : i32
    %dma_start3A_260 = arith.constant 250 : i32
    %dma_start3A_261 = arith.constant 0 : i32
    %dma_start3A_262 = tpu.memref_slice %arg11[%dma_start3A_260, %dma_start3A_261] : memref<625x32xf32, #tpu.memory_space<vmem>> -> memref<125x32xf32, #tpu.memory_space<vmem>>
    %dma_start3A_263 = arith.constant 0 : i32
    %dma_start3A_264 = tpu.memref_slice %arg14[%dma_start3A_258, %dma_start3A_259, %dma_start3A_263] : memref<8x5x125xi32, #tpu.memory_space<vmem>> -> memref<1x1x125xi32, #tpu.memory_space<vmem>>
    %dma_start3A_265 = tpu.memref_squeeze %dma_start3A_264 : memref<1x1x125xi32, #tpu.memory_space<vmem>> -> memref<125xi32, #tpu.memory_space<vmem>>
    %dma_start3A_266 = arith.constant 0 : i32
    %dma_start3A_267 = arith.constant 0 : i32
    %dma_start3A_268 = tpu.memref_slice %arg2[%dma_start3A_266, %dma_start3A_267] : memref<10240x32xf32, #tpu.memory_space<hbm>> -> memref<10240x32xf32, #tpu.memory_space<hbm>>
    tpu.enqueue_indirect_dma source(%dma_start3A_268 : memref<10240x32xf32, #tpu.memory_space<hbm>>) target(%dma_start3A_262 : memref<125x32xf32, #tpu.memory_space<vmem>>) offsets(%dma_start3A_265 : memref<125xi32, #tpu.memory_space<vmem>>) semaphore(%arg20 : memref<!tpu.dma_semaphore, #tpu.memory_space<semaphore_mem>>)
    %dma_start3A_269 = arith.constant 1 : i32
    %dma_start3A_270 = arith.constant 3 : i32
    %dma_start3A_271 = arith.constant 375 : i32
    %dma_start3A_272 = arith.constant 0 : i32
    %dma_start3A_273 = tpu.memref_slice %arg10[%dma_start3A_271, %dma_start3A_272] : memref<625x32xf32, #tpu.memory_space<vmem>> -> memref<125x32xf32, #tpu.memory_space<vmem>>
    %dma_start3A_274 = arith.constant 0 : i32
    %dma_start3A_275 = tpu.memref_slice %arg13[%dma_start3A_269, %dma_start3A_270, %dma_start3A_274] : memref<8x5x125xi32, #tpu.memory_space<vmem>> -> memref<1x1x125xi32, #tpu.memory_space<vmem>>
    %dma_start3A_276 = tpu.memref_squeeze %dma_start3A_275 : memref<1x1x125xi32, #tpu.memory_space<vmem>> -> memref<125xi32, #tpu.memory_space<vmem>>
    %dma_start3A_277 = arith.constant 0 : i32
    %dma_start3A_278 = arith.constant 0 : i32
    %dma_start3A_279 = tpu.memref_slice %arg2[%dma_start3A_277, %dma_start3A_278] : memref<10240x32xf32, #tpu.memory_space<hbm>> -> memref<10240x32xf32, #tpu.memory_space<hbm>>
    tpu.enqueue_indirect_dma source(%dma_start3A_279 : memref<10240x32xf32, #tpu.memory_space<hbm>>) target(%dma_start3A_273 : memref<125x32xf32, #tpu.memory_space<vmem>>) offsets(%dma_start3A_276 : memref<125xi32, #tpu.memory_space<vmem>>) semaphore(%arg20 : memref<!tpu.dma_semaphore, #tpu.memory_space<semaphore_mem>>)
    %dma_start3A_280 = arith.constant 1 : i32
    %dma_start3A_281 = arith.constant 3 : i32
    %dma_start3A_282 = arith.constant 375 : i32
    %dma_start3A_283 = arith.constant 0 : i32
    %dma_start3A_284 = tpu.memref_slice %arg11[%dma_start3A_282, %dma_start3A_283] : memref<625x32xf32, #tpu.memory_space<vmem>> -> memref<125x32xf32, #tpu.memory_space<vmem>>
    %dma_start3A_285 = arith.constant 0 : i32
    %dma_start3A_286 = tpu.memref_slice %arg14[%dma_start3A_280, %dma_start3A_281, %dma_start3A_285] : memref<8x5x125xi32, #tpu.memory_space<vmem>> -> memref<1x1x125xi32, #tpu.memory_space<vmem>>
    %dma_start3A_287 = tpu.memref_squeeze %dma_start3A_286 : memref<1x1x125xi32, #tpu.memory_space<vmem>> -> memref<125xi32, #tpu.memory_space<vmem>>
    %dma_start3A_288 = arith.constant 0 : i32
    %dma_start3A_289 = arith.constant 0 : i32
    %dma_start3A_290 = tpu.memref_slice %arg2[%dma_start3A_288, %dma_start3A_289] : memref<10240x32xf32, #tpu.memory_space<hbm>> -> memref<10240x32xf32, #tpu.memory_space<hbm>>
    tpu.enqueue_indirect_dma source(%dma_start3A_290 : memref<10240x32xf32, #tpu.memory_space<hbm>>) target(%dma_start3A_284 : memref<125x32xf32, #tpu.memory_space<vmem>>) offsets(%dma_start3A_287 : memref<125xi32, #tpu.memory_space<vmem>>) semaphore(%arg20 : memref<!tpu.dma_semaphore, #tpu.memory_space<semaphore_mem>>)
    %dma_start3A_291 = arith.constant 1 : i32
    %dma_start3A_292 = arith.constant 4 : i32
    %dma_start3A_293 = arith.constant 500 : i32
    %dma_start3A_294 = arith.constant 0 : i32
    %dma_start3A_295 = tpu.memref_slice %arg10[%dma_start3A_293, %dma_start3A_294] : memref<625x32xf32, #tpu.memory_space<vmem>> -> memref<125x32xf32, #tpu.memory_space<vmem>>
    %dma_start3A_296 = arith.constant 0 : i32
    %dma_start3A_297 = tpu.memref_slice %arg13[%dma_start3A_291, %dma_start3A_292, %dma_start3A_296] : memref<8x5x125xi32, #tpu.memory_space<vmem>> -> memref<1x1x125xi32, #tpu.memory_space<vmem>>
    %dma_start3A_298 = tpu.memref_squeeze %dma_start3A_297 : memref<1x1x125xi32, #tpu.memory_space<vmem>> -> memref<125xi32, #tpu.memory_space<vmem>>
    %dma_start3A_299 = arith.constant 0 : i32
    %dma_start3A_300 = arith.constant 0 : i32
    %dma_start3A_301 = tpu.memref_slice %arg2[%dma_start3A_299, %dma_start3A_300] : memref<10240x32xf32, #tpu.memory_space<hbm>> -> memref<10240x32xf32, #tpu.memory_space<hbm>>
    tpu.enqueue_indirect_dma source(%dma_start3A_301 : memref<10240x32xf32, #tpu.memory_space<hbm>>) target(%dma_start3A_295 : memref<125x32xf32, #tpu.memory_space<vmem>>) offsets(%dma_start3A_298 : memref<125xi32, #tpu.memory_space<vmem>>) semaphore(%arg20 : memref<!tpu.dma_semaphore, #tpu.memory_space<semaphore_mem>>)
    %dma_start3A_302 = arith.constant 1 : i32
    %dma_start3A_303 = arith.constant 4 : i32
    %dma_start3A_304 = arith.constant 500 : i32
    %dma_start3A_305 = arith.constant 0 : i32
    %dma_start3A_306 = tpu.memref_slice %arg11[%dma_start3A_304, %dma_start3A_305] : memref<625x32xf32, #tpu.memory_space<vmem>> -> memref<125x32xf32, #tpu.memory_space<vmem>>
    %dma_start3A_307 = arith.constant 0 : i32
    %dma_start3A_308 = tpu.memref_slice %arg14[%dma_start3A_302, %dma_start3A_303, %dma_start3A_307] : memref<8x5x125xi32, #tpu.memory_space<vmem>> -> memref<1x1x125xi32, #tpu.memory_space<vmem>>
    %dma_start3A_309 = tpu.memref_squeeze %dma_start3A_308 : memref<1x1x125xi32, #tpu.memory_space<vmem>> -> memref<125xi32, #tpu.memory_space<vmem>>
    %dma_start3A_310 = arith.constant 0 : i32
    %dma_start3A_311 = arith.constant 0 : i32
    %dma_start3A_312 = tpu.memref_slice %arg2[%dma_start3A_310, %dma_start3A_311] : memref<10240x32xf32, #tpu.memory_space<hbm>> -> memref<10240x32xf32, #tpu.memory_space<hbm>>
    tpu.enqueue_indirect_dma source(%dma_start3A_312 : memref<10240x32xf32, #tpu.memory_space<hbm>>) target(%dma_start3A_306 : memref<125x32xf32, #tpu.memory_space<vmem>>) offsets(%dma_start3A_309 : memref<125xi32, #tpu.memory_space<vmem>>) semaphore(%arg20 : memref<!tpu.dma_semaphore, #tpu.memory_space<semaphore_mem>>)
    %scan3A = arith.constant 0 : i32
    %scan3A_313 = arith.constant 0 : i32
    %scan3A_314 = arith.constant 4 : i32
    %scan3A_315 = arith.addi %scan3A_313, %scan3A_314 : i32
    %scan3A_316 = arith.constant 1 : i32
    scf.for %scan3A_627 = %scan3A_313 to %scan3A_315 step %scan3A_316  : i32 {
      %dma_wait3A_628 = arith.constant 0 : i32
      %dma_wait3A_629 = arith.constant 0 : i32
      %dma_wait3A_630 = tpu.memref_slice %arg2[%dma_wait3A_628, %dma_wait3A_629] : memref<10240x32xf32, #tpu.memory_space<hbm>> -> memref<625x32xf32, #tpu.memory_space<hbm>>
      %dma_wait3A_631 = arith.constant 0 : i32
      %dma_wait3A_632 = arith.constant 0 : i32
      %dma_wait3A_633 = tpu.memref_slice %arg2[%dma_wait3A_631, %dma_wait3A_632] : memref<10240x32xf32, #tpu.memory_space<hbm>> -> memref<625x32xf32, #tpu.memory_space<hbm>>
      tpu.wait_dma2 semaphore(%arg19 : memref<!tpu.dma_semaphore, #tpu.memory_space<semaphore_mem>>) src(%dma_wait3A_633 : memref<625x32xf32, #tpu.memory_space<hbm>>) dst(%arg8 : memref<625x32xf32, #tpu.memory_space<vmem>>)
      %dma_wait3A_634 = arith.constant 0 : i32
      %dma_wait3A_635 = arith.constant 0 : i32
      %dma_wait3A_636 = tpu.memref_slice %arg2[%dma_wait3A_634, %dma_wait3A_635] : memref<10240x32xf32, #tpu.memory_space<hbm>> -> memref<625x32xf32, #tpu.memory_space<hbm>>
      %dma_wait3A_637 = arith.constant 0 : i32
      %dma_wait3A_638 = arith.constant 0 : i32
      %dma_wait3A_639 = tpu.memref_slice %arg2[%dma_wait3A_637, %dma_wait3A_638] : memref<10240x32xf32, #tpu.memory_space<hbm>> -> memref<625x32xf32, #tpu.memory_space<hbm>>
      tpu.wait_dma2 semaphore(%arg19 : memref<!tpu.dma_semaphore, #tpu.memory_space<semaphore_mem>>) src(%dma_wait3A_639 : memref<625x32xf32, #tpu.memory_space<hbm>>) dst(%arg9 : memref<625x32xf32, #tpu.memory_space<vmem>>)
      %parallel_loop3A_640 = arith.constant 0 : i32
      %parallel_loop3A_641 = arith.constant 625 : i32
      %parallel_loop3A_642 = arith.constant 1 : i32
      scf.for %parallel_loop3A_665 = %parallel_loop3A_640 to %parallel_loop3A_641 step %parallel_loop3A_642  : i32 {
        %parallel_loop3A_666 = arith.index_cast %parallel_loop3A_665 : i32 to index
        %parallel_loop3A_667 = arith.constant 0 : index
        %parallel_loop3A_668 = tpu.vector_load %arg8[%parallel_loop3A_666, %parallel_loop3A_667] {strides = array<i32>} : memref<625x32xf32, #tpu.memory_space<vmem>>, vector<16xf32>,
        %parallel_loop3A_669 = arith.index_cast %parallel_loop3A_665 : i32 to index
        %parallel_loop3A_670 = arith.constant 0 : index
        %parallel_loop3A_671 = tpu.vector_load %arg9[%parallel_loop3A_669, %parallel_loop3A_670] {strides = array<i32>} : memref<625x32xf32, #tpu.memory_space<vmem>>, vector<16xf32>,
        %parallel_loop3A_672 = arith.minimumf %parallel_loop3A_668, %parallel_loop3A_671 : vector<16xf32>
        %parallel_loop3A_673 = arith.index_cast %parallel_loop3A_665 : i32 to index
        %parallel_loop3A_674 = arith.constant 16 : index
        %parallel_loop3A_675 = tpu.vector_load %arg8[%parallel_loop3A_673, %parallel_loop3A_674] {strides = array<i32>} : memref<625x32xf32, #tpu.memory_space<vmem>>, vector<16xf32>,
        %parallel_loop3A_676 = arith.index_cast %parallel_loop3A_665 : i32 to index
        %parallel_loop3A_677 = arith.constant 16 : index
        %parallel_loop3A_678 = tpu.vector_load %arg9[%parallel_loop3A_676, %parallel_loop3A_677] {strides = array<i32>} : memref<625x32xf32, #tpu.memory_space<vmem>>, vector<16xf32>,
        %parallel_loop3A_679 = arith.maximumf %parallel_loop3A_675, %parallel_loop3A_678 : vector<16xf32>
        %parallel_loop3A_680 = vector.extract_strided_slice %parallel_loop3A_679 {offsets = [0], sizes = [1], strides = [1]} : vector<16xf32> to vector<1xf32>
        %parallel_loop3A_681 = vector.extract %parallel_loop3A_680[0] : f32 from vector<1xf32>
        %parallel_loop3A_682 = vector.broadcast %parallel_loop3A_681 : f32 to vector<16xf32>
        %parallel_loop3A_683 = vector.extract_strided_slice %parallel_loop3A_675 {offsets = [1], sizes = [1], strides = [1]} : vector<16xf32> to vector<1xf32>
        %parallel_loop3A_684 = vector.extract %parallel_loop3A_683[0] : f32 from vector<1xf32>
        %parallel_loop3A_685 = vector.broadcast %parallel_loop3A_684 : f32 to vector<16xf32>
        %parallel_loop3A_686 = arith.constant 0.000000e+00 : f32
        %parallel_loop3A_687 = vector.broadcast %parallel_loop3A_686 : f32 to vector<16xf32>
        %parallel_loop3A_688 = arith.subf %parallel_loop3A_687, %parallel_loop3A_682 : vector<16xf32>
        %parallel_loop3A_689 = arith.constant 6.81818199 : f32
        %parallel_loop3A_690 = vector.broadcast %parallel_loop3A_689 : f32 to vector<16xf32>
        %parallel_loop3A_691 = arith.mulf %parallel_loop3A_672, %parallel_loop3A_690 : vector<16xf32>
        %parallel_loop3A_692 = arith.constant 8.000000e+00 : f32
        %parallel_loop3A_693 = vector.broadcast %parallel_loop3A_692 : f32 to vector<16xf32>
        %parallel_loop3A_694 = arith.addf %parallel_loop3A_691, %parallel_loop3A_693 : vector<16xf32>
        %parallel_loop3A_695 = arith.constant 0.000000e+00 : f32
        %parallel_loop3A_696 = vector.broadcast %parallel_loop3A_695 : f32 to vector<16xf32>
        %parallel_loop3A_697 = arith.maximumf %parallel_loop3A_694, %parallel_loop3A_696 : vector<16xf32>
        %parallel_loop3A_698 = arith.constant 1.500000e+01 : f32
        %parallel_loop3A_699 = vector.broadcast %parallel_loop3A_698 : f32 to vector<16xf32>
        %parallel_loop3A_700 = arith.minimumf %parallel_loop3A_697, %parallel_loop3A_699 : vector<16xf32>
        %parallel_loop3A_701 = arith.fptosi %parallel_loop3A_700 : vector<16xf32> to vector<16xi32>
        %parallel_loop3A_702 = arith.sitofp %parallel_loop3A_701 : vector<16xi32> to vector<16xf32>
        %parallel_loop3A_703 = arith.constant -73.3333359 : f32
        %parallel_loop3A_704 = vector.broadcast %parallel_loop3A_703 : f32 to vector<16xf32>
        %parallel_loop3A_705 = arith.mulf %parallel_loop3A_702, %parallel_loop3A_704 : vector<16xf32>
        %parallel_loop3A_706 = arith.constant 5.000000e+02 : f32
        %parallel_loop3A_707 = vector.broadcast %parallel_loop3A_706 : f32 to vector<16xf32>
        %parallel_loop3A_708 = arith.mulf %parallel_loop3A_672, %parallel_loop3A_707 : vector<16xf32>
        %parallel_loop3A_709 = arith.constant 5.500000e+02 : f32
        %parallel_loop3A_710 = vector.broadcast %parallel_loop3A_709 : f32 to vector<16xf32>
        %parallel_loop3A_711 = arith.addf %parallel_loop3A_708, %parallel_loop3A_710 : vector<16xf32>
        %parallel_loop3A_712 = arith.addf %parallel_loop3A_705, %parallel_loop3A_711 : vector<16xf32>
        %parallel_loop3A_713 = arith.constant 3.000000e+01 : f32
        %parallel_loop3A_714 = vector.broadcast %parallel_loop3A_713 : f32 to vector<16xf32>
        %parallel_loop3A_715 = arith.minimumf %parallel_loop3A_712, %parallel_loop3A_714 : vector<16xf32>
        %parallel_loop3A_716 = math.exp %parallel_loop3A_715 : vector<16xf32>
        %parallel_loop3A_717 = arith.constant 1.000000e+00 : f32
        %parallel_loop3A_718 = vector.broadcast %parallel_loop3A_717 : f32 to vector<16xf32>
        %parallel_loop3A_719 = arith.addf %parallel_loop3A_718, %parallel_loop3A_716 : vector<16xf32>
        %parallel_loop3A_720 = arith.divf %parallel_loop3A_688, %parallel_loop3A_719 : vector<16xf32>
        %parallel_loop3A_721 = arith.fptosi %parallel_loop3A_685 : vector<16xf32> to vector<16xi32>
        %parallel_loop3A_722 = arith.constant 16 : i32
        %parallel_loop3A_723 = vector.broadcast %parallel_loop3A_722 : i32 to vector<16xi32>
        %parallel_loop3A_724 = arith.muli %parallel_loop3A_701, %parallel_loop3A_723 : vector<16xi32>
        %parallel_loop3A_725 = arith.addi %parallel_loop3A_721, %parallel_loop3A_724 : vector<16xi32>
        %parallel_loop3A_726 = arith.addi %parallel_loop3A_725, %iota3A : vector<16xi32>
        tpu.vector_store_idx %arg6[%parallel_loop3A_726], %parallel_loop3A_720 {add = true} : memref<4096xf32, #tpu.memory_space<vmem>>[vector<16xi32>], vector<16xf32>,
        %parallel_loop3A_727 = arith.constant 2048 : i32
        %parallel_loop3A_728 = vector.broadcast %parallel_loop3A_727 : i32 to vector<16xi32>
        %parallel_loop3A_729 = arith.addi %parallel_loop3A_726, %parallel_loop3A_728 : vector<16xi32>
        tpu.vector_store_idx %arg6[%parallel_loop3A_729], %parallel_loop3A_688 {add = true} : memref<4096xf32, #tpu.memory_space<vmem>>[vector<16xi32>], vector<16xf32>,
      } {sc.loop_unroll_factor = 8 : i64, sc.parallel_access}
      %lt3A = arith.constant 3 : i32
      %lt3A_643 = arith.cmpi slt, %scan3A_627, %lt3A : i32
      %convert_element_type3A = arith.extui %lt3A_643 : i1 to i32
      %cond3A = arith.constant 0 : i32
      %cond3A_644 = arith.cmpi ne, %convert_element_type3A, %cond3A : i32
      scf.if %cond3A_644 {
        %mul3A_665 = arith.constant 2 : i32
        %mul3A_666 = arith.muli %mul3A_665, %scan3A_627 : i32
        %add3A_667 = arith.constant 2 : i32
        %add3A_668 = arith.addi %mul3A_666, %add3A_667 : i32
        %dma_start3A_669 = arith.constant 0 : i32
        %dma_start3A_670 = arith.constant 0 : i32
        %dma_start3A_671 = arith.constant 0 : i32
        %dma_start3A_672 = tpu.memref_slice %arg8[%dma_start3A_670, %dma_start3A_671] : memref<625x32xf32, #tpu.memory_space<vmem>> -> memref<125x32xf32, #tpu.memory_space<vmem>>
        %dma_start3A_673 = arith.constant 0 : i32
        %dma_start3A_674 = tpu.memref_slice %arg13[%add3A_668, %dma_start3A_669, %dma_start3A_673] : memref<8x5x125xi32, #tpu.memory_space<vmem>> -> memref<1x1x125xi32, #tpu.memory_space<vmem>>
        %dma_start3A_675 = tpu.memref_squeeze %dma_start3A_674 : memref<1x1x125xi32, #tpu.memory_space<vmem>> -> memref<125xi32, #tpu.memory_space<vmem>>
        %dma_start3A_676 = arith.constant 0 : i32
        %dma_start3A_677 = arith.constant 0 : i32
        %dma_start3A_678 = tpu.memref_slice %arg2[%dma_start3A_676, %dma_start3A_677] : memref<10240x32xf32, #tpu.memory_space<hbm>> -> memref<10240x32xf32, #tpu.memory_space<hbm>>
        tpu.enqueue_indirect_dma source(%dma_start3A_678 : memref<10240x32xf32, #tpu.memory_space<hbm>>) target(%dma_start3A_672 : memref<125x32xf32, #tpu.memory_space<vmem>>) offsets(%dma_start3A_675 : memref<125xi32, #tpu.memory_space<vmem>>) semaphore(%arg19 : memref<!tpu.dma_semaphore, #tpu.memory_space<semaphore_mem>>)
        %dma_start3A_679 = arith.constant 0 : i32
        %dma_start3A_680 = arith.constant 0 : i32
        %dma_start3A_681 = arith.constant 0 : i32
        %dma_start3A_682 = tpu.memref_slice %arg9[%dma_start3A_680, %dma_start3A_681] : memref<625x32xf32, #tpu.memory_space<vmem>> -> memref<125x32xf32, #tpu.memory_space<vmem>>
        %dma_start3A_683 = arith.constant 0 : i32
        %dma_start3A_684 = tpu.memref_slice %arg14[%add3A_668, %dma_start3A_679, %dma_start3A_683] : memref<8x5x125xi32, #tpu.memory_space<vmem>> -> memref<1x1x125xi32, #tpu.memory_space<vmem>>
        %dma_start3A_685 = tpu.memref_squeeze %dma_start3A_684 : memref<1x1x125xi32, #tpu.memory_space<vmem>> -> memref<125xi32, #tpu.memory_space<vmem>>
        %dma_start3A_686 = arith.constant 0 : i32
        %dma_start3A_687 = arith.constant 0 : i32
        %dma_start3A_688 = tpu.memref_slice %arg2[%dma_start3A_686, %dma_start3A_687] : memref<10240x32xf32, #tpu.memory_space<hbm>> -> memref<10240x32xf32, #tpu.memory_space<hbm>>
        tpu.enqueue_indirect_dma source(%dma_start3A_688 : memref<10240x32xf32, #tpu.memory_space<hbm>>) target(%dma_start3A_682 : memref<125x32xf32, #tpu.memory_space<vmem>>) offsets(%dma_start3A_685 : memref<125xi32, #tpu.memory_space<vmem>>) semaphore(%arg19 : memref<!tpu.dma_semaphore, #tpu.memory_space<semaphore_mem>>)
        %dma_start3A_689 = arith.constant 1 : i32
        %dma_start3A_690 = arith.constant 125 : i32
        %dma_start3A_691 = arith.constant 0 : i32
        %dma_start3A_692 = tpu.memref_slice %arg8[%dma_start3A_690, %dma_start3A_691] : memref<625x32xf32, #tpu.memory_space<vmem>> -> memref<125x32xf32, #tpu.memory_space<vmem>>
        %dma_start3A_693 = arith.constant 0 : i32
        %dma_start3A_694 = tpu.memref_slice %arg13[%add3A_668, %dma_start3A_689, %dma_start3A_693] : memref<8x5x125xi32, #tpu.memory_space<vmem>> -> memref<1x1x125xi32, #tpu.memory_space<vmem>>
        %dma_start3A_695 = tpu.memref_squeeze %dma_start3A_694 : memref<1x1x125xi32, #tpu.memory_space<vmem>> -> memref<125xi32, #tpu.memory_space<vmem>>
        %dma_start3A_696 = arith.constant 0 : i32
        %dma_start3A_697 = arith.constant 0 : i32
        %dma_start3A_698 = tpu.memref_slice %arg2[%dma_start3A_696, %dma_start3A_697] : memref<10240x32xf32, #tpu.memory_space<hbm>> -> memref<10240x32xf32, #tpu.memory_space<hbm>>
        tpu.enqueue_indirect_dma source(%dma_start3A_698 : memref<10240x32xf32, #tpu.memory_space<hbm>>) target(%dma_start3A_692 : memref<125x32xf32, #tpu.memory_space<vmem>>) offsets(%dma_start3A_695 : memref<125xi32, #tpu.memory_space<vmem>>) semaphore(%arg19 : memref<!tpu.dma_semaphore, #tpu.memory_space<semaphore_mem>>)
        %dma_start3A_699 = arith.constant 1 : i32
        %dma_start3A_700 = arith.constant 125 : i32
        %dma_start3A_701 = arith.constant 0 : i32
        %dma_start3A_702 = tpu.memref_slice %arg9[%dma_start3A_700, %dma_start3A_701] : memref<625x32xf32, #tpu.memory_space<vmem>> -> memref<125x32xf32, #tpu.memory_space<vmem>>
        %dma_start3A_703 = arith.constant 0 : i32
        %dma_start3A_704 = tpu.memref_slice %arg14[%add3A_668, %dma_start3A_699, %dma_start3A_703] : memref<8x5x125xi32, #tpu.memory_space<vmem>> -> memref<1x1x125xi32, #tpu.memory_space<vmem>>
        %dma_start3A_705 = tpu.memref_squeeze %dma_start3A_704 : memref<1x1x125xi32, #tpu.memory_space<vmem>> -> memref<125xi32, #tpu.memory_space<vmem>>
        %dma_start3A_706 = arith.constant 0 : i32
        %dma_start3A_707 = arith.constant 0 : i32
        %dma_start3A_708 = tpu.memref_slice %arg2[%dma_start3A_706, %dma_start3A_707] : memref<10240x32xf32, #tpu.memory_space<hbm>> -> memref<10240x32xf32, #tpu.memory_space<hbm>>
        tpu.enqueue_indirect_dma source(%dma_start3A_708 : memref<10240x32xf32, #tpu.memory_space<hbm>>) target(%dma_start3A_702 : memref<125x32xf32, #tpu.memory_space<vmem>>) offsets(%dma_start3A_705 : memref<125xi32, #tpu.memory_space<vmem>>) semaphore(%arg19 : memref<!tpu.dma_semaphore, #tpu.memory_space<semaphore_mem>>)
        %dma_start3A_709 = arith.constant 2 : i32
        %dma_start3A_710 = arith.constant 250 : i32
        %dma_start3A_711 = arith.constant 0 : i32
        %dma_start3A_712 = tpu.memref_slice %arg8[%dma_start3A_710, %dma_start3A_711] : memref<625x32xf32, #tpu.memory_space<vmem>> -> memref<125x32xf32, #tpu.memory_space<vmem>>
        %dma_start3A_713 = arith.constant 0 : i32
        %dma_start3A_714 = tpu.memref_slice %arg13[%add3A_668, %dma_start3A_709, %dma_start3A_713] : memref<8x5x125xi32, #tpu.memory_space<vmem>> -> memref<1x1x125xi32, #tpu.memory_space<vmem>>
        %dma_start3A_715 = tpu.memref_squeeze %dma_start3A_714 : memref<1x1x125xi32, #tpu.memory_space<vmem>> -> memref<125xi32, #tpu.memory_space<vmem>>
        %dma_start3A_716 = arith.constant 0 : i32
        %dma_start3A_717 = arith.constant 0 : i32
        %dma_start3A_718 = tpu.memref_slice %arg2[%dma_start3A_716, %dma_start3A_717] : memref<10240x32xf32, #tpu.memory_space<hbm>> -> memref<10240x32xf32, #tpu.memory_space<hbm>>
        tpu.enqueue_indirect_dma source(%dma_start3A_718 : memref<10240x32xf32, #tpu.memory_space<hbm>>) target(%dma_start3A_712 : memref<125x32xf32, #tpu.memory_space<vmem>>) offsets(%dma_start3A_715 : memref<125xi32, #tpu.memory_space<vmem>>) semaphore(%arg19 : memref<!tpu.dma_semaphore, #tpu.memory_space<semaphore_mem>>)
        %dma_start3A_719 = arith.constant 2 : i32
        %dma_start3A_720 = arith.constant 250 : i32
        %dma_start3A_721 = arith.constant 0 : i32
        %dma_start3A_722 = tpu.memref_slice %arg9[%dma_start3A_720, %dma_start3A_721] : memref<625x32xf32, #tpu.memory_space<vmem>> -> memref<125x32xf32, #tpu.memory_space<vmem>>
        %dma_start3A_723 = arith.constant 0 : i32
        %dma_start3A_724 = tpu.memref_slice %arg14[%add3A_668, %dma_start3A_719, %dma_start3A_723] : memref<8x5x125xi32, #tpu.memory_space<vmem>> -> memref<1x1x125xi32, #tpu.memory_space<vmem>>
        %dma_start3A_725 = tpu.memref_squeeze %dma_start3A_724 : memref<1x1x125xi32, #tpu.memory_space<vmem>> -> memref<125xi32, #tpu.memory_space<vmem>>
        %dma_start3A_726 = arith.constant 0 : i32
        %dma_start3A_727 = arith.constant 0 : i32
        %dma_start3A_728 = tpu.memref_slice %arg2[%dma_start3A_726, %dma_start3A_727] : memref<10240x32xf32, #tpu.memory_space<hbm>> -> memref<10240x32xf32, #tpu.memory_space<hbm>>
        tpu.enqueue_indirect_dma source(%dma_start3A_728 : memref<10240x32xf32, #tpu.memory_space<hbm>>) target(%dma_start3A_722 : memref<125x32xf32, #tpu.memory_space<vmem>>) offsets(%dma_start3A_725 : memref<125xi32, #tpu.memory_space<vmem>>) semaphore(%arg19 : memref<!tpu.dma_semaphore, #tpu.memory_space<semaphore_mem>>)
        %dma_start3A_729 = arith.constant 3 : i32
        %dma_start3A_730 = arith.constant 375 : i32
        %dma_start3A_731 = arith.constant 0 : i32
        %dma_start3A_732 = tpu.memref_slice %arg8[%dma_start3A_730, %dma_start3A_731] : memref<625x32xf32, #tpu.memory_space<vmem>> -> memref<125x32xf32, #tpu.memory_space<vmem>>
        %dma_start3A_733 = arith.constant 0 : i32
        %dma_start3A_734 = tpu.memref_slice %arg13[%add3A_668, %dma_start3A_729, %dma_start3A_733] : memref<8x5x125xi32, #tpu.memory_space<vmem>> -> memref<1x1x125xi32, #tpu.memory_space<vmem>>
        %dma_start3A_735 = tpu.memref_squeeze %dma_start3A_734 : memref<1x1x125xi32, #tpu.memory_space<vmem>> -> memref<125xi32, #tpu.memory_space<vmem>>
        %dma_start3A_736 = arith.constant 0 : i32
        %dma_start3A_737 = arith.constant 0 : i32
        %dma_start3A_738 = tpu.memref_slice %arg2[%dma_start3A_736, %dma_start3A_737] : memref<10240x32xf32, #tpu.memory_space<hbm>> -> memref<10240x32xf32, #tpu.memory_space<hbm>>
        tpu.enqueue_indirect_dma source(%dma_start3A_738 : memref<10240x32xf32, #tpu.memory_space<hbm>>) target(%dma_start3A_732 : memref<125x32xf32, #tpu.memory_space<vmem>>) offsets(%dma_start3A_735 : memref<125xi32, #tpu.memory_space<vmem>>) semaphore(%arg19 : memref<!tpu.dma_semaphore, #tpu.memory_space<semaphore_mem>>)
        %dma_start3A_739 = arith.constant 3 : i32
        %dma_start3A_740 = arith.constant 375 : i32
        %dma_start3A_741 = arith.constant 0 : i32
        %dma_start3A_742 = tpu.memref_slice %arg9[%dma_start3A_740, %dma_start3A_741] : memref<625x32xf32, #tpu.memory_space<vmem>> -> memref<125x32xf32, #tpu.memory_space<vmem>>
        %dma_start3A_743 = arith.constant 0 : i32
        %dma_start3A_744 = tpu.memref_slice %arg14[%add3A_668, %dma_start3A_739, %dma_start3A_743] : memref<8x5x125xi32, #tpu.memory_space<vmem>> -> memref<1x1x125xi32, #tpu.memory_space<vmem>>
        %dma_start3A_745 = tpu.memref_squeeze %dma_start3A_744 : memref<1x1x125xi32, #tpu.memory_space<vmem>> -> memref<125xi32, #tpu.memory_space<vmem>>
        %dma_start3A_746 = arith.constant 0 : i32
        %dma_start3A_747 = arith.constant 0 : i32
        %dma_start3A_748 = tpu.memref_slice %arg2[%dma_start3A_746, %dma_start3A_747] : memref<10240x32xf32, #tpu.memory_space<hbm>> -> memref<10240x32xf32, #tpu.memory_space<hbm>>
        tpu.enqueue_indirect_dma source(%dma_start3A_748 : memref<10240x32xf32, #tpu.memory_space<hbm>>) target(%dma_start3A_742 : memref<125x32xf32, #tpu.memory_space<vmem>>) offsets(%dma_start3A_745 : memref<125xi32, #tpu.memory_space<vmem>>) semaphore(%arg19 : memref<!tpu.dma_semaphore, #tpu.memory_space<semaphore_mem>>)
        %dma_start3A_749 = arith.constant 4 : i32
        %dma_start3A_750 = arith.constant 500 : i32
        %dma_start3A_751 = arith.constant 0 : i32
        %dma_start3A_752 = tpu.memref_slice %arg8[%dma_start3A_750, %dma_start3A_751] : memref<625x32xf32, #tpu.memory_space<vmem>> -> memref<125x32xf32, #tpu.memory_space<vmem>>
        %dma_start3A_753 = arith.constant 0 : i32
        %dma_start3A_754 = tpu.memref_slice %arg13[%add3A_668, %dma_start3A_749, %dma_start3A_753] : memref<8x5x125xi32, #tpu.memory_space<vmem>> -> memref<1x1x125xi32, #tpu.memory_space<vmem>>
        %dma_start3A_755 = tpu.memref_squeeze %dma_start3A_754 : memref<1x1x125xi32, #tpu.memory_space<vmem>> -> memref<125xi32, #tpu.memory_space<vmem>>
        %dma_start3A_756 = arith.constant 0 : i32
        %dma_start3A_757 = arith.constant 0 : i32
        %dma_start3A_758 = tpu.memref_slice %arg2[%dma_start3A_756, %dma_start3A_757] : memref<10240x32xf32, #tpu.memory_space<hbm>> -> memref<10240x32xf32, #tpu.memory_space<hbm>>
        tpu.enqueue_indirect_dma source(%dma_start3A_758 : memref<10240x32xf32, #tpu.memory_space<hbm>>) target(%dma_start3A_752 : memref<125x32xf32, #tpu.memory_space<vmem>>) offsets(%dma_start3A_755 : memref<125xi32, #tpu.memory_space<vmem>>) semaphore(%arg19 : memref<!tpu.dma_semaphore, #tpu.memory_space<semaphore_mem>>)
        %dma_start3A_759 = arith.constant 4 : i32
        %dma_start3A_760 = arith.constant 500 : i32
        %dma_start3A_761 = arith.constant 0 : i32
        %dma_start3A_762 = tpu.memref_slice %arg9[%dma_start3A_760, %dma_start3A_761] : memref<625x32xf32, #tpu.memory_space<vmem>> -> memref<125x32xf32, #tpu.memory_space<vmem>>
        %dma_start3A_763 = arith.constant 0 : i32
        %dma_start3A_764 = tpu.memref_slice %arg14[%add3A_668, %dma_start3A_759, %dma_start3A_763] : memref<8x5x125xi32, #tpu.memory_space<vmem>> -> memref<1x1x125xi32, #tpu.memory_space<vmem>>
        %dma_start3A_765 = tpu.memref_squeeze %dma_start3A_764 : memref<1x1x125xi32, #tpu.memory_space<vmem>> -> memref<125xi32, #tpu.memory_space<vmem>>
        %dma_start3A_766 = arith.constant 0 : i32
        %dma_start3A_767 = arith.constant 0 : i32
        %dma_start3A_768 = tpu.memref_slice %arg2[%dma_start3A_766, %dma_start3A_767] : memref<10240x32xf32, #tpu.memory_space<hbm>> -> memref<10240x32xf32, #tpu.memory_space<hbm>>
        tpu.enqueue_indirect_dma source(%dma_start3A_768 : memref<10240x32xf32, #tpu.memory_space<hbm>>) target(%dma_start3A_762 : memref<125x32xf32, #tpu.memory_space<vmem>>) offsets(%dma_start3A_765 : memref<125xi32, #tpu.memory_space<vmem>>) semaphore(%arg19 : memref<!tpu.dma_semaphore, #tpu.memory_space<semaphore_mem>>)
      } else {
      }
      %dma_wait3A_645 = arith.constant 0 : i32
      %dma_wait3A_646 = arith.constant 0 : i32
      %dma_wait3A_647 = tpu.memref_slice %arg2[%dma_wait3A_645, %dma_wait3A_646] : memref<10240x32xf32, #tpu.memory_space<hbm>> -> memref<625x32xf32, #tpu.memory_space<hbm>>
      %dma_wait3A_648 = arith.constant 0 : i32
      %dma_wait3A_649 = arith.constant 0 : i32
      %dma_wait3A_650 = tpu.memref_slice %arg2[%dma_wait3A_648, %dma_wait3A_649] : memref<10240x32xf32, #tpu.memory_space<hbm>> -> memref<625x32xf32, #tpu.memory_space<hbm>>
      tpu.wait_dma2 semaphore(%arg20 : memref<!tpu.dma_semaphore, #tpu.memory_space<semaphore_mem>>) src(%dma_wait3A_650 : memref<625x32xf32, #tpu.memory_space<hbm>>) dst(%arg10 : memref<625x32xf32, #tpu.memory_space<vmem>>)
      %dma_wait3A_651 = arith.constant 0 : i32
      %dma_wait3A_652 = arith.constant 0 : i32
      %dma_wait3A_653 = tpu.memref_slice %arg2[%dma_wait3A_651, %dma_wait3A_652] : memref<10240x32xf32, #tpu.memory_space<hbm>> -> memref<625x32xf32, #tpu.memory_space<hbm>>
      %dma_wait3A_654 = arith.constant 0 : i32
      %dma_wait3A_655 = arith.constant 0 : i32
      %dma_wait3A_656 = tpu.memref_slice %arg2[%dma_wait3A_654, %dma_wait3A_655] : memref<10240x32xf32, #tpu.memory_space<hbm>> -> memref<625x32xf32, #tpu.memory_space<hbm>>
      tpu.wait_dma2 semaphore(%arg20 : memref<!tpu.dma_semaphore, #tpu.memory_space<semaphore_mem>>) src(%dma_wait3A_656 : memref<625x32xf32, #tpu.memory_space<hbm>>) dst(%arg11 : memref<625x32xf32, #tpu.memory_space<vmem>>)
      %parallel_loop3A_657 = arith.constant 0 : i32
      %parallel_loop3A_658 = arith.constant 625 : i32
      %parallel_loop3A_659 = arith.constant 1 : i32
      scf.for %parallel_loop3A_665 = %parallel_loop3A_657 to %parallel_loop3A_658 step %parallel_loop3A_659  : i32 {
        %parallel_loop3A_666 = arith.index_cast %parallel_loop3A_665 : i32 to index
        %parallel_loop3A_667 = arith.constant 0 : index
        %parallel_loop3A_668 = tpu.vector_load %arg10[%parallel_loop3A_666, %parallel_loop3A_667] {strides = array<i32>} : memref<625x32xf32, #tpu.memory_space<vmem>>, vector<16xf32>,
        %parallel_loop3A_669 = arith.index_cast %parallel_loop3A_665 : i32 to index
        %parallel_loop3A_670 = arith.constant 0 : index
        %parallel_loop3A_671 = tpu.vector_load %arg11[%parallel_loop3A_669, %parallel_loop3A_670] {strides = array<i32>} : memref<625x32xf32, #tpu.memory_space<vmem>>, vector<16xf32>,
        %parallel_loop3A_672 = arith.minimumf %parallel_loop3A_668, %parallel_loop3A_671 : vector<16xf32>
        %parallel_loop3A_673 = arith.index_cast %parallel_loop3A_665 : i32 to index
        %parallel_loop3A_674 = arith.constant 16 : index
        %parallel_loop3A_675 = tpu.vector_load %arg10[%parallel_loop3A_673, %parallel_loop3A_674] {strides = array<i32>} : memref<625x32xf32, #tpu.memory_space<vmem>>, vector<16xf32>,
        %parallel_loop3A_676 = arith.index_cast %parallel_loop3A_665 : i32 to index
        %parallel_loop3A_677 = arith.constant 16 : index
        %parallel_loop3A_678 = tpu.vector_load %arg11[%parallel_loop3A_676, %parallel_loop3A_677] {strides = array<i32>} : memref<625x32xf32, #tpu.memory_space<vmem>>, vector<16xf32>,
        %parallel_loop3A_679 = arith.maximumf %parallel_loop3A_675, %parallel_loop3A_678 : vector<16xf32>
        %parallel_loop3A_680 = vector.extract_strided_slice %parallel_loop3A_679 {offsets = [0], sizes = [1], strides = [1]} : vector<16xf32> to vector<1xf32>
        %parallel_loop3A_681 = vector.extract %parallel_loop3A_680[0] : f32 from vector<1xf32>
        %parallel_loop3A_682 = vector.broadcast %parallel_loop3A_681 : f32 to vector<16xf32>
        %parallel_loop3A_683 = vector.extract_strided_slice %parallel_loop3A_675 {offsets = [1], sizes = [1], strides = [1]} : vector<16xf32> to vector<1xf32>
        %parallel_loop3A_684 = vector.extract %parallel_loop3A_683[0] : f32 from vector<1xf32>
        %parallel_loop3A_685 = vector.broadcast %parallel_loop3A_684 : f32 to vector<16xf32>
        %parallel_loop3A_686 = arith.constant 0.000000e+00 : f32
        %parallel_loop3A_687 = vector.broadcast %parallel_loop3A_686 : f32 to vector<16xf32>
        %parallel_loop3A_688 = arith.subf %parallel_loop3A_687, %parallel_loop3A_682 : vector<16xf32>
        %parallel_loop3A_689 = arith.constant 6.81818199 : f32
        %parallel_loop3A_690 = vector.broadcast %parallel_loop3A_689 : f32 to vector<16xf32>
        %parallel_loop3A_691 = arith.mulf %parallel_loop3A_672, %parallel_loop3A_690 : vector<16xf32>
        %parallel_loop3A_692 = arith.constant 8.000000e+00 : f32
        %parallel_loop3A_693 = vector.broadcast %parallel_loop3A_692 : f32 to vector<16xf32>
        %parallel_loop3A_694 = arith.addf %parallel_loop3A_691, %parallel_loop3A_693 : vector<16xf32>
        %parallel_loop3A_695 = arith.constant 0.000000e+00 : f32
        %parallel_loop3A_696 = vector.broadcast %parallel_loop3A_695 : f32 to vector<16xf32>
        %parallel_loop3A_697 = arith.maximumf %parallel_loop3A_694, %parallel_loop3A_696 : vector<16xf32>
        %parallel_loop3A_698 = arith.constant 1.500000e+01 : f32
        %parallel_loop3A_699 = vector.broadcast %parallel_loop3A_698 : f32 to vector<16xf32>
        %parallel_loop3A_700 = arith.minimumf %parallel_loop3A_697, %parallel_loop3A_699 : vector<16xf32>
        %parallel_loop3A_701 = arith.fptosi %parallel_loop3A_700 : vector<16xf32> to vector<16xi32>
        %parallel_loop3A_702 = arith.sitofp %parallel_loop3A_701 : vector<16xi32> to vector<16xf32>
        %parallel_loop3A_703 = arith.constant -73.3333359 : f32
        %parallel_loop3A_704 = vector.broadcast %parallel_loop3A_703 : f32 to vector<16xf32>
        %parallel_loop3A_705 = arith.mulf %parallel_loop3A_702, %parallel_loop3A_704 : vector<16xf32>
        %parallel_loop3A_706 = arith.constant 5.000000e+02 : f32
        %parallel_loop3A_707 = vector.broadcast %parallel_loop3A_706 : f32 to vector<16xf32>
        %parallel_loop3A_708 = arith.mulf %parallel_loop3A_672, %parallel_loop3A_707 : vector<16xf32>
        %parallel_loop3A_709 = arith.constant 5.500000e+02 : f32
        %parallel_loop3A_710 = vector.broadcast %parallel_loop3A_709 : f32 to vector<16xf32>
        %parallel_loop3A_711 = arith.addf %parallel_loop3A_708, %parallel_loop3A_710 : vector<16xf32>
        %parallel_loop3A_712 = arith.addf %parallel_loop3A_705, %parallel_loop3A_711 : vector<16xf32>
        %parallel_loop3A_713 = arith.constant 3.000000e+01 : f32
        %parallel_loop3A_714 = vector.broadcast %parallel_loop3A_713 : f32 to vector<16xf32>
        %parallel_loop3A_715 = arith.minimumf %parallel_loop3A_712, %parallel_loop3A_714 : vector<16xf32>
        %parallel_loop3A_716 = math.exp %parallel_loop3A_715 : vector<16xf32>
        %parallel_loop3A_717 = arith.constant 1.000000e+00 : f32
        %parallel_loop3A_718 = vector.broadcast %parallel_loop3A_717 : f32 to vector<16xf32>
        %parallel_loop3A_719 = arith.addf %parallel_loop3A_718, %parallel_loop3A_716 : vector<16xf32>
        %parallel_loop3A_720 = arith.divf %parallel_loop3A_688, %parallel_loop3A_719 : vector<16xf32>
        %parallel_loop3A_721 = arith.fptosi %parallel_loop3A_685 : vector<16xf32> to vector<16xi32>
        %parallel_loop3A_722 = arith.constant 16 : i32
        %parallel_loop3A_723 = vector.broadcast %parallel_loop3A_722 : i32 to vector<16xi32>
        %parallel_loop3A_724 = arith.muli %parallel_loop3A_701, %parallel_loop3A_723 : vector<16xi32>
        %parallel_loop3A_725 = arith.addi %parallel_loop3A_721, %parallel_loop3A_724 : vector<16xi32>
        %parallel_loop3A_726 = arith.addi %parallel_loop3A_725, %iota3A : vector<16xi32>
        tpu.vector_store_idx %arg6[%parallel_loop3A_726], %parallel_loop3A_720 {add = true} : memref<4096xf32, #tpu.memory_space<vmem>>[vector<16xi32>], vector<16xf32>,
        %parallel_loop3A_727 = arith.constant 2048 : i32
        %parallel_loop3A_728 = vector.broadcast %parallel_loop3A_727 : i32 to vector<16xi32>
        %parallel_loop3A_729 = arith.addi %parallel_loop3A_726, %parallel_loop3A_728 : vector<16xi32>
        tpu.vector_store_idx %arg6[%parallel_loop3A_729], %parallel_loop3A_688 {add = true} : memref<4096xf32, #tpu.memory_space<vmem>>[vector<16xi32>], vector<16xf32>,
      } {sc.loop_unroll_factor = 8 : i64, sc.parallel_access}
      %lt3A_660 = arith.constant 3 : i32
      %lt3A_661 = arith.cmpi slt, %scan3A_627, %lt3A_660 : i32
      %convert_element_type3A_662 = arith.extui %lt3A_661 : i1 to i32
      %cond3A_663 = arith.constant 0 : i32
      %cond3A_664 = arith.cmpi ne, %convert_element_type3A_662, %cond3A_663 : i32
      scf.if %cond3A_664 {
        %mul3A_665 = arith.constant 2 : i32
        %mul3A_666 = arith.muli %mul3A_665, %scan3A_627 : i32
        %add3A_667 = arith.constant 3 : i32
        %add3A_668 = arith.addi %mul3A_666, %add3A_667 : i32
        %dma_start3A_669 = arith.constant 0 : i32
        %dma_start3A_670 = arith.constant 0 : i32
        %dma_start3A_671 = arith.constant 0 : i32
        %dma_start3A_672 = tpu.memref_slice %arg10[%dma_start3A_670, %dma_start3A_671] : memref<625x32xf32, #tpu.memory_space<vmem>> -> memref<125x32xf32, #tpu.memory_space<vmem>>
        %dma_start3A_673 = arith.constant 0 : i32
        %dma_start3A_674 = tpu.memref_slice %arg13[%add3A_668, %dma_start3A_669, %dma_start3A_673] : memref<8x5x125xi32, #tpu.memory_space<vmem>> -> memref<1x1x125xi32, #tpu.memory_space<vmem>>
        %dma_start3A_675 = tpu.memref_squeeze %dma_start3A_674 : memref<1x1x125xi32, #tpu.memory_space<vmem>> -> memref<125xi32, #tpu.memory_space<vmem>>
        %dma_start3A_676 = arith.constant 0 : i32
        %dma_start3A_677 = arith.constant 0 : i32
        %dma_start3A_678 = tpu.memref_slice %arg2[%dma_start3A_676, %dma_start3A_677] : memref<10240x32xf32, #tpu.memory_space<hbm>> -> memref<10240x32xf32, #tpu.memory_space<hbm>>
        tpu.enqueue_indirect_dma source(%dma_start3A_678 : memref<10240x32xf32, #tpu.memory_space<hbm>>) target(%dma_start3A_672 : memref<125x32xf32, #tpu.memory_space<vmem>>) offsets(%dma_start3A_675 : memref<125xi32, #tpu.memory_space<vmem>>) semaphore(%arg20 : memref<!tpu.dma_semaphore, #tpu.memory_space<semaphore_mem>>)
        %dma_start3A_679 = arith.constant 0 : i32
        %dma_start3A_680 = arith.constant 0 : i32
        %dma_start3A_681 = arith.constant 0 : i32
        %dma_start3A_682 = tpu.memref_slice %arg11[%dma_start3A_680, %dma_start3A_681] : memref<625x32xf32, #tpu.memory_space<vmem>> -> memref<125x32xf32, #tpu.memory_space<vmem>>
        %dma_start3A_683 = arith.constant 0 : i32
        %dma_start3A_684 = tpu.memref_slice %arg14[%add3A_668, %dma_start3A_679, %dma_start3A_683] : memref<8x5x125xi32, #tpu.memory_space<vmem>> -> memref<1x1x125xi32, #tpu.memory_space<vmem>>
        %dma_start3A_685 = tpu.memref_squeeze %dma_start3A_684 : memref<1x1x125xi32, #tpu.memory_space<vmem>> -> memref<125xi32, #tpu.memory_space<vmem>>
        %dma_start3A_686 = arith.constant 0 : i32
        %dma_start3A_687 = arith.constant 0 : i32
        %dma_start3A_688 = tpu.memref_slice %arg2[%dma_start3A_686, %dma_start3A_687] : memref<10240x32xf32, #tpu.memory_space<hbm>> -> memref<10240x32xf32, #tpu.memory_space<hbm>>
        tpu.enqueue_indirect_dma source(%dma_start3A_688 : memref<10240x32xf32, #tpu.memory_space<hbm>>) target(%dma_start3A_682 : memref<125x32xf32, #tpu.memory_space<vmem>>) offsets(%dma_start3A_685 : memref<125xi32, #tpu.memory_space<vmem>>) semaphore(%arg20 : memref<!tpu.dma_semaphore, #tpu.memory_space<semaphore_mem>>)
        %dma_start3A_689 = arith.constant 1 : i32
        %dma_start3A_690 = arith.constant 125 : i32
        %dma_start3A_691 = arith.constant 0 : i32
        %dma_start3A_692 = tpu.memref_slice %arg10[%dma_start3A_690, %dma_start3A_691] : memref<625x32xf32, #tpu.memory_space<vmem>> -> memref<125x32xf32, #tpu.memory_space<vmem>>
        %dma_start3A_693 = arith.constant 0 : i32
        %dma_start3A_694 = tpu.memref_slice %arg13[%add3A_668, %dma_start3A_689, %dma_start3A_693] : memref<8x5x125xi32, #tpu.memory_space<vmem>> -> memref<1x1x125xi32, #tpu.memory_space<vmem>>
        %dma_start3A_695 = tpu.memref_squeeze %dma_start3A_694 : memref<1x1x125xi32, #tpu.memory_space<vmem>> -> memref<125xi32, #tpu.memory_space<vmem>>
        %dma_start3A_696 = arith.constant 0 : i32
        %dma_start3A_697 = arith.constant 0 : i32
        %dma_start3A_698 = tpu.memref_slice %arg2[%dma_start3A_696, %dma_start3A_697] : memref<10240x32xf32, #tpu.memory_space<hbm>> -> memref<10240x32xf32, #tpu.memory_space<hbm>>
        tpu.enqueue_indirect_dma source(%dma_start3A_698 : memref<10240x32xf32, #tpu.memory_space<hbm>>) target(%dma_start3A_692 : memref<125x32xf32, #tpu.memory_space<vmem>>) offsets(%dma_start3A_695 : memref<125xi32, #tpu.memory_space<vmem>>) semaphore(%arg20 : memref<!tpu.dma_semaphore, #tpu.memory_space<semaphore_mem>>)
        %dma_start3A_699 = arith.constant 1 : i32
        %dma_start3A_700 = arith.constant 125 : i32
        %dma_start3A_701 = arith.constant 0 : i32
        %dma_start3A_702 = tpu.memref_slice %arg11[%dma_start3A_700, %dma_start3A_701] : memref<625x32xf32, #tpu.memory_space<vmem>> -> memref<125x32xf32, #tpu.memory_space<vmem>>
        %dma_start3A_703 = arith.constant 0 : i32
        %dma_start3A_704 = tpu.memref_slice %arg14[%add3A_668, %dma_start3A_699, %dma_start3A_703] : memref<8x5x125xi32, #tpu.memory_space<vmem>> -> memref<1x1x125xi32, #tpu.memory_space<vmem>>
        %dma_start3A_705 = tpu.memref_squeeze %dma_start3A_704 : memref<1x1x125xi32, #tpu.memory_space<vmem>> -> memref<125xi32, #tpu.memory_space<vmem>>
        %dma_start3A_706 = arith.constant 0 : i32
        %dma_start3A_707 = arith.constant 0 : i32
        %dma_start3A_708 = tpu.memref_slice %arg2[%dma_start3A_706, %dma_start3A_707] : memref<10240x32xf32, #tpu.memory_space<hbm>> -> memref<10240x32xf32, #tpu.memory_space<hbm>>
        tpu.enqueue_indirect_dma source(%dma_start3A_708 : memref<10240x32xf32, #tpu.memory_space<hbm>>) target(%dma_start3A_702 : memref<125x32xf32, #tpu.memory_space<vmem>>) offsets(%dma_start3A_705 : memref<125xi32, #tpu.memory_space<vmem>>) semaphore(%arg20 : memref<!tpu.dma_semaphore, #tpu.memory_space<semaphore_mem>>)
        %dma_start3A_709 = arith.constant 2 : i32
        %dma_start3A_710 = arith.constant 250 : i32
        %dma_start3A_711 = arith.constant 0 : i32
        %dma_start3A_712 = tpu.memref_slice %arg10[%dma_start3A_710, %dma_start3A_711] : memref<625x32xf32, #tpu.memory_space<vmem>> -> memref<125x32xf32, #tpu.memory_space<vmem>>
        %dma_start3A_713 = arith.constant 0 : i32
        %dma_start3A_714 = tpu.memref_slice %arg13[%add3A_668, %dma_start3A_709, %dma_start3A_713] : memref<8x5x125xi32, #tpu.memory_space<vmem>> -> memref<1x1x125xi32, #tpu.memory_space<vmem>>
        %dma_start3A_715 = tpu.memref_squeeze %dma_start3A_714 : memref<1x1x125xi32, #tpu.memory_space<vmem>> -> memref<125xi32, #tpu.memory_space<vmem>>
        %dma_start3A_716 = arith.constant 0 : i32
        %dma_start3A_717 = arith.constant 0 : i32
        %dma_start3A_718 = tpu.memref_slice %arg2[%dma_start3A_716, %dma_start3A_717] : memref<10240x32xf32, #tpu.memory_space<hbm>> -> memref<10240x32xf32, #tpu.memory_space<hbm>>
        tpu.enqueue_indirect_dma source(%dma_start3A_718 : memref<10240x32xf32, #tpu.memory_space<hbm>>) target(%dma_start3A_712 : memref<125x32xf32, #tpu.memory_space<vmem>>) offsets(%dma_start3A_715 : memref<125xi32, #tpu.memory_space<vmem>>) semaphore(%arg20 : memref<!tpu.dma_semaphore, #tpu.memory_space<semaphore_mem>>)
        %dma_start3A_719 = arith.constant 2 : i32
        %dma_start3A_720 = arith.constant 250 : i32
        %dma_start3A_721 = arith.constant 0 : i32
        %dma_start3A_722 = tpu.memref_slice %arg11[%dma_start3A_720, %dma_start3A_721] : memref<625x32xf32, #tpu.memory_space<vmem>> -> memref<125x32xf32, #tpu.memory_space<vmem>>
        %dma_start3A_723 = arith.constant 0 : i32
        %dma_start3A_724 = tpu.memref_slice %arg14[%add3A_668, %dma_start3A_719, %dma_start3A_723] : memref<8x5x125xi32, #tpu.memory_space<vmem>> -> memref<1x1x125xi32, #tpu.memory_space<vmem>>
        %dma_start3A_725 = tpu.memref_squeeze %dma_start3A_724 : memref<1x1x125xi32, #tpu.memory_space<vmem>> -> memref<125xi32, #tpu.memory_space<vmem>>
        %dma_start3A_726 = arith.constant 0 : i32
        %dma_start3A_727 = arith.constant 0 : i32
        %dma_start3A_728 = tpu.memref_slice %arg2[%dma_start3A_726, %dma_start3A_727] : memref<10240x32xf32, #tpu.memory_space<hbm>> -> memref<10240x32xf32, #tpu.memory_space<hbm>>
        tpu.enqueue_indirect_dma source(%dma_start3A_728 : memref<10240x32xf32, #tpu.memory_space<hbm>>) target(%dma_start3A_722 : memref<125x32xf32, #tpu.memory_space<vmem>>) offsets(%dma_start3A_725 : memref<125xi32, #tpu.memory_space<vmem>>) semaphore(%arg20 : memref<!tpu.dma_semaphore, #tpu.memory_space<semaphore_mem>>)
        %dma_start3A_729 = arith.constant 3 : i32
        %dma_start3A_730 = arith.constant 375 : i32
        %dma_start3A_731 = arith.constant 0 : i32
        %dma_start3A_732 = tpu.memref_slice %arg10[%dma_start3A_730, %dma_start3A_731] : memref<625x32xf32, #tpu.memory_space<vmem>> -> memref<125x32xf32, #tpu.memory_space<vmem>>
        %dma_start3A_733 = arith.constant 0 : i32
        %dma_start3A_734 = tpu.memref_slice %arg13[%add3A_668, %dma_start3A_729, %dma_start3A_733] : memref<8x5x125xi32, #tpu.memory_space<vmem>> -> memref<1x1x125xi32, #tpu.memory_space<vmem>>
        %dma_start3A_735 = tpu.memref_squeeze %dma_start3A_734 : memref<1x1x125xi32, #tpu.memory_space<vmem>> -> memref<125xi32, #tpu.memory_space<vmem>>
        %dma_start3A_736 = arith.constant 0 : i32
        %dma_start3A_737 = arith.constant 0 : i32
        %dma_start3A_738 = tpu.memref_slice %arg2[%dma_start3A_736, %dma_start3A_737] : memref<10240x32xf32, #tpu.memory_space<hbm>> -> memref<10240x32xf32, #tpu.memory_space<hbm>>
        tpu.enqueue_indirect_dma source(%dma_start3A_738 : memref<10240x32xf32, #tpu.memory_space<hbm>>) target(%dma_start3A_732 : memref<125x32xf32, #tpu.memory_space<vmem>>) offsets(%dma_start3A_735 : memref<125xi32, #tpu.memory_space<vmem>>) semaphore(%arg20 : memref<!tpu.dma_semaphore, #tpu.memory_space<semaphore_mem>>)
        %dma_start3A_739 = arith.constant 3 : i32
        %dma_start3A_740 = arith.constant 375 : i32
        %dma_start3A_741 = arith.constant 0 : i32
        %dma_start3A_742 = tpu.memref_slice %arg11[%dma_start3A_740, %dma_start3A_741] : memref<625x32xf32, #tpu.memory_space<vmem>> -> memref<125x32xf32, #tpu.memory_space<vmem>>
        %dma_start3A_743 = arith.constant 0 : i32
        %dma_start3A_744 = tpu.memref_slice %arg14[%add3A_668, %dma_start3A_739, %dma_start3A_743] : memref<8x5x125xi32, #tpu.memory_space<vmem>> -> memref<1x1x125xi32, #tpu.memory_space<vmem>>
        %dma_start3A_745 = tpu.memref_squeeze %dma_start3A_744 : memref<1x1x125xi32, #tpu.memory_space<vmem>> -> memref<125xi32, #tpu.memory_space<vmem>>
        %dma_start3A_746 = arith.constant 0 : i32
        %dma_start3A_747 = arith.constant 0 : i32
        %dma_start3A_748 = tpu.memref_slice %arg2[%dma_start3A_746, %dma_start3A_747] : memref<10240x32xf32, #tpu.memory_space<hbm>> -> memref<10240x32xf32, #tpu.memory_space<hbm>>
        tpu.enqueue_indirect_dma source(%dma_start3A_748 : memref<10240x32xf32, #tpu.memory_space<hbm>>) target(%dma_start3A_742 : memref<125x32xf32, #tpu.memory_space<vmem>>) offsets(%dma_start3A_745 : memref<125xi32, #tpu.memory_space<vmem>>) semaphore(%arg20 : memref<!tpu.dma_semaphore, #tpu.memory_space<semaphore_mem>>)
        %dma_start3A_749 = arith.constant 4 : i32
        %dma_start3A_750 = arith.constant 500 : i32
        %dma_start3A_751 = arith.constant 0 : i32
        %dma_start3A_752 = tpu.memref_slice %arg10[%dma_start3A_750, %dma_start3A_751] : memref<625x32xf32, #tpu.memory_space<vmem>> -> memref<125x32xf32, #tpu.memory_space<vmem>>
        %dma_start3A_753 = arith.constant 0 : i32
        %dma_start3A_754 = tpu.memref_slice %arg13[%add3A_668, %dma_start3A_749, %dma_start3A_753] : memref<8x5x125xi32, #tpu.memory_space<vmem>> -> memref<1x1x125xi32, #tpu.memory_space<vmem>>
        %dma_start3A_755 = tpu.memref_squeeze %dma_start3A_754 : memref<1x1x125xi32, #tpu.memory_space<vmem>> -> memref<125xi32, #tpu.memory_space<vmem>>
        %dma_start3A_756 = arith.constant 0 : i32
        %dma_start3A_757 = arith.constant 0 : i32
        %dma_start3A_758 = tpu.memref_slice %arg2[%dma_start3A_756, %dma_start3A_757] : memref<10240x32xf32, #tpu.memory_space<hbm>> -> memref<10240x32xf32, #tpu.memory_space<hbm>>
        tpu.enqueue_indirect_dma source(%dma_start3A_758 : memref<10240x32xf32, #tpu.memory_space<hbm>>) target(%dma_start3A_752 : memref<125x32xf32, #tpu.memory_space<vmem>>) offsets(%dma_start3A_755 : memref<125xi32, #tpu.memory_space<vmem>>) semaphore(%arg20 : memref<!tpu.dma_semaphore, #tpu.memory_space<semaphore_mem>>)
        %dma_start3A_759 = arith.constant 4 : i32
        %dma_start3A_760 = arith.constant 500 : i32
        %dma_start3A_761 = arith.constant 0 : i32
        %dma_start3A_762 = tpu.memref_slice %arg11[%dma_start3A_760, %dma_start3A_761] : memref<625x32xf32, #tpu.memory_space<vmem>> -> memref<125x32xf32, #tpu.memory_space<vmem>>
        %dma_start3A_763 = arith.constant 0 : i32
        %dma_start3A_764 = tpu.memref_slice %arg14[%add3A_668, %dma_start3A_759, %dma_start3A_763] : memref<8x5x125xi32, #tpu.memory_space<vmem>> -> memref<1x1x125xi32, #tpu.memory_space<vmem>>
        %dma_start3A_765 = tpu.memref_squeeze %dma_start3A_764 : memref<1x1x125xi32, #tpu.memory_space<vmem>> -> memref<125xi32, #tpu.memory_space<vmem>>
        %dma_start3A_766 = arith.constant 0 : i32
        %dma_start3A_767 = arith.constant 0 : i32
        %dma_start3A_768 = tpu.memref_slice %arg2[%dma_start3A_766, %dma_start3A_767] : memref<10240x32xf32, #tpu.memory_space<hbm>> -> memref<10240x32xf32, #tpu.memory_space<hbm>>
        tpu.enqueue_indirect_dma source(%dma_start3A_768 : memref<10240x32xf32, #tpu.memory_space<hbm>>) target(%dma_start3A_762 : memref<125x32xf32, #tpu.memory_space<vmem>>) offsets(%dma_start3A_765 : memref<125xi32, #tpu.memory_space<vmem>>) semaphore(%arg20 : memref<!tpu.dma_semaphore, #tpu.memory_space<semaphore_mem>>)
      } else {
      }
    }
    %scan3A_317 = arith.constant 4 : i32
    %dma_start3A_318 = arith.constant 0 : i32
    %dma_start3A_319 = arith.constant 0 : i32
    %dma_start3A_320 = arith.constant 0 : i32
    %dma_start3A_321 = tpu.memref_slice %arg8[%dma_start3A_319, %dma_start3A_320] : memref<625x32xf32, #tpu.memory_space<vmem>> -> memref<125x32xf32, #tpu.memory_space<vmem>>
    %dma_start3A_322 = arith.constant 0 : i32
    %dma_start3A_323 = tpu.memref_slice %arg15[%dma_start3A_318, %dma_start3A_322] : memref<5x125xi32, #tpu.memory_space<vmem>> -> memref<1x125xi32, #tpu.memory_space<vmem>>
    %dma_start3A_324 = tpu.memref_squeeze %dma_start3A_323 : memref<1x125xi32, #tpu.memory_space<vmem>> -> memref<125xi32, #tpu.memory_space<vmem>>
    %dma_start3A_325 = arith.constant 0 : i32
    %dma_start3A_326 = arith.constant 0 : i32
    %dma_start3A_327 = tpu.memref_slice %arg2[%dma_start3A_325, %dma_start3A_326] : memref<10240x32xf32, #tpu.memory_space<hbm>> -> memref<10240x32xf32, #tpu.memory_space<hbm>>
    tpu.enqueue_indirect_dma source(%dma_start3A_327 : memref<10240x32xf32, #tpu.memory_space<hbm>>) target(%dma_start3A_321 : memref<125x32xf32, #tpu.memory_space<vmem>>) offsets(%dma_start3A_324 : memref<125xi32, #tpu.memory_space<vmem>>) semaphore(%arg19 : memref<!tpu.dma_semaphore, #tpu.memory_space<semaphore_mem>>)
    %dma_start3A_328 = arith.constant 0 : i32
    %dma_start3A_329 = arith.constant 0 : i32
    %dma_start3A_330 = arith.constant 0 : i32
    %dma_start3A_331 = tpu.memref_slice %arg9[%dma_start3A_329, %dma_start3A_330] : memref<625x32xf32, #tpu.memory_space<vmem>> -> memref<125x32xf32, #tpu.memory_space<vmem>>
    %dma_start3A_332 = arith.constant 0 : i32
    %dma_start3A_333 = tpu.memref_slice %arg16[%dma_start3A_328, %dma_start3A_332] : memref<5x125xi32, #tpu.memory_space<vmem>> -> memref<1x125xi32, #tpu.memory_space<vmem>>
    %dma_start3A_334 = tpu.memref_squeeze %dma_start3A_333 : memref<1x125xi32, #tpu.memory_space<vmem>> -> memref<125xi32, #tpu.memory_space<vmem>>
    %dma_start3A_335 = arith.constant 0 : i32
    %dma_start3A_336 = arith.constant 0 : i32
    %dma_start3A_337 = tpu.memref_slice %arg2[%dma_start3A_335, %dma_start3A_336] : memref<10240x32xf32, #tpu.memory_space<hbm>> -> memref<10240x32xf32, #tpu.memory_space<hbm>>
    tpu.enqueue_indirect_dma source(%dma_start3A_337 : memref<10240x32xf32, #tpu.memory_space<hbm>>) target(%dma_start3A_331 : memref<125x32xf32, #tpu.memory_space<vmem>>) offsets(%dma_start3A_334 : memref<125xi32, #tpu.memory_space<vmem>>) semaphore(%arg19 : memref<!tpu.dma_semaphore, #tpu.memory_space<semaphore_mem>>)
    %dma_start3A_338 = arith.constant 0 : i32
    %dma_start3A_339 = arith.constant 0 : i32
    %dma_start3A_340 = arith.constant 0 : i32
    %dma_start3A_341 = tpu.memref_slice %arg10[%dma_start3A_339, %dma_start3A_340] : memref<625x32xf32, #tpu.memory_space<vmem>> -> memref<125x32xf32, #tpu.memory_space<vmem>>
    %dma_start3A_342 = arith.constant 0 : i32
    %dma_start3A_343 = tpu.memref_slice %arg17[%dma_start3A_338, %dma_start3A_342] : memref<5x125xi32, #tpu.memory_space<vmem>> -> memref<1x125xi32, #tpu.memory_space<vmem>>
    %dma_start3A_344 = tpu.memref_squeeze %dma_start3A_343 : memref<1x125xi32, #tpu.memory_space<vmem>> -> memref<125xi32, #tpu.memory_space<vmem>>
    %dma_start3A_345 = arith.constant 0 : i32
    %dma_start3A_346 = arith.constant 0 : i32
    %dma_start3A_347 = tpu.memref_slice %arg2[%dma_start3A_345, %dma_start3A_346] : memref<10240x32xf32, #tpu.memory_space<hbm>> -> memref<10240x32xf32, #tpu.memory_space<hbm>>
    tpu.enqueue_indirect_dma source(%dma_start3A_347 : memref<10240x32xf32, #tpu.memory_space<hbm>>) target(%dma_start3A_341 : memref<125x32xf32, #tpu.memory_space<vmem>>) offsets(%dma_start3A_344 : memref<125xi32, #tpu.memory_space<vmem>>) semaphore(%arg19 : memref<!tpu.dma_semaphore, #tpu.memory_space<semaphore_mem>>)
    %dma_start3A_348 = arith.constant 1 : i32
    %dma_start3A_349 = arith.constant 125 : i32
    %dma_start3A_350 = arith.constant 0 : i32
    %dma_start3A_351 = tpu.memref_slice %arg8[%dma_start3A_349, %dma_start3A_350] : memref<625x32xf32, #tpu.memory_space<vmem>> -> memref<125x32xf32, #tpu.memory_space<vmem>>
    %dma_start3A_352 = arith.constant 0 : i32
    %dma_start3A_353 = tpu.memref_slice %arg15[%dma_start3A_348, %dma_start3A_352] : memref<5x125xi32, #tpu.memory_space<vmem>> -> memref<1x125xi32, #tpu.memory_space<vmem>>
    %dma_start3A_354 = tpu.memref_squeeze %dma_start3A_353 : memref<1x125xi32, #tpu.memory_space<vmem>> -> memref<125xi32, #tpu.memory_space<vmem>>
    %dma_start3A_355 = arith.constant 0 : i32
    %dma_start3A_356 = arith.constant 0 : i32
    %dma_start3A_357 = tpu.memref_slice %arg2[%dma_start3A_355, %dma_start3A_356] : memref<10240x32xf32, #tpu.memory_space<hbm>> -> memref<10240x32xf32, #tpu.memory_space<hbm>>
    tpu.enqueue_indirect_dma source(%dma_start3A_357 : memref<10240x32xf32, #tpu.memory_space<hbm>>) target(%dma_start3A_351 : memref<125x32xf32, #tpu.memory_space<vmem>>) offsets(%dma_start3A_354 : memref<125xi32, #tpu.memory_space<vmem>>) semaphore(%arg19 : memref<!tpu.dma_semaphore, #tpu.memory_space<semaphore_mem>>)
    %dma_start3A_358 = arith.constant 1 : i32
    %dma_start3A_359 = arith.constant 125 : i32
    %dma_start3A_360 = arith.constant 0 : i32
    %dma_start3A_361 = tpu.memref_slice %arg9[%dma_start3A_359, %dma_start3A_360] : memref<625x32xf32, #tpu.memory_space<vmem>> -> memref<125x32xf32, #tpu.memory_space<vmem>>
    %dma_start3A_362 = arith.constant 0 : i32
    %dma_start3A_363 = tpu.memref_slice %arg16[%dma_start3A_358, %dma_start3A_362] : memref<5x125xi32, #tpu.memory_space<vmem>> -> memref<1x125xi32, #tpu.memory_space<vmem>>
    %dma_start3A_364 = tpu.memref_squeeze %dma_start3A_363 : memref<1x125xi32, #tpu.memory_space<vmem>> -> memref<125xi32, #tpu.memory_space<vmem>>
    %dma_start3A_365 = arith.constant 0 : i32
    %dma_start3A_366 = arith.constant 0 : i32
    %dma_start3A_367 = tpu.memref_slice %arg2[%dma_start3A_365, %dma_start3A_366] : memref<10240x32xf32, #tpu.memory_space<hbm>> -> memref<10240x32xf32, #tpu.memory_space<hbm>>
    tpu.enqueue_indirect_dma source(%dma_start3A_367 : memref<10240x32xf32, #tpu.memory_space<hbm>>) target(%dma_start3A_361 : memref<125x32xf32, #tpu.memory_space<vmem>>) offsets(%dma_start3A_364 : memref<125xi32, #tpu.memory_space<vmem>>) semaphore(%arg19 : memref<!tpu.dma_semaphore, #tpu.memory_space<semaphore_mem>>)
    %dma_start3A_368 = arith.constant 1 : i32
    %dma_start3A_369 = arith.constant 125 : i32
    %dma_start3A_370 = arith.constant 0 : i32
    %dma_start3A_371 = tpu.memref_slice %arg10[%dma_start3A_369, %dma_start3A_370] : memref<625x32xf32, #tpu.memory_space<vmem>> -> memref<125x32xf32, #tpu.memory_space<vmem>>
    %dma_start3A_372 = arith.constant 0 : i32
    %dma_start3A_373 = tpu.memref_slice %arg17[%dma_start3A_368, %dma_start3A_372] : memref<5x125xi32, #tpu.memory_space<vmem>> -> memref<1x125xi32, #tpu.memory_space<vmem>>
    %dma_start3A_374 = tpu.memref_squeeze %dma_start3A_373 : memref<1x125xi32, #tpu.memory_space<vmem>> -> memref<125xi32, #tpu.memory_space<vmem>>
    %dma_start3A_375 = arith.constant 0 : i32
    %dma_start3A_376 = arith.constant 0 : i32
    %dma_start3A_377 = tpu.memref_slice %arg2[%dma_start3A_375, %dma_start3A_376] : memref<10240x32xf32, #tpu.memory_space<hbm>> -> memref<10240x32xf32, #tpu.memory_space<hbm>>
    tpu.enqueue_indirect_dma source(%dma_start3A_377 : memref<10240x32xf32, #tpu.memory_space<hbm>>) target(%dma_start3A_371 : memref<125x32xf32, #tpu.memory_space<vmem>>) offsets(%dma_start3A_374 : memref<125xi32, #tpu.memory_space<vmem>>) semaphore(%arg19 : memref<!tpu.dma_semaphore, #tpu.memory_space<semaphore_mem>>)
    %dma_start3A_378 = arith.constant 2 : i32
    %dma_start3A_379 = arith.constant 250 : i32
    %dma_start3A_380 = arith.constant 0 : i32
    %dma_start3A_381 = tpu.memref_slice %arg8[%dma_start3A_379, %dma_start3A_380] : memref<625x32xf32, #tpu.memory_space<vmem>> -> memref<125x32xf32, #tpu.memory_space<vmem>>
    %dma_start3A_382 = arith.constant 0 : i32
    %dma_start3A_383 = tpu.memref_slice %arg15[%dma_start3A_378, %dma_start3A_382] : memref<5x125xi32, #tpu.memory_space<vmem>> -> memref<1x125xi32, #tpu.memory_space<vmem>>
    %dma_start3A_384 = tpu.memref_squeeze %dma_start3A_383 : memref<1x125xi32, #tpu.memory_space<vmem>> -> memref<125xi32, #tpu.memory_space<vmem>>
    %dma_start3A_385 = arith.constant 0 : i32
    %dma_start3A_386 = arith.constant 0 : i32
    %dma_start3A_387 = tpu.memref_slice %arg2[%dma_start3A_385, %dma_start3A_386] : memref<10240x32xf32, #tpu.memory_space<hbm>> -> memref<10240x32xf32, #tpu.memory_space<hbm>>
    tpu.enqueue_indirect_dma source(%dma_start3A_387 : memref<10240x32xf32, #tpu.memory_space<hbm>>) target(%dma_start3A_381 : memref<125x32xf32, #tpu.memory_space<vmem>>) offsets(%dma_start3A_384 : memref<125xi32, #tpu.memory_space<vmem>>) semaphore(%arg19 : memref<!tpu.dma_semaphore, #tpu.memory_space<semaphore_mem>>)
    %dma_start3A_388 = arith.constant 2 : i32
    %dma_start3A_389 = arith.constant 250 : i32
    %dma_start3A_390 = arith.constant 0 : i32
    %dma_start3A_391 = tpu.memref_slice %arg9[%dma_start3A_389, %dma_start3A_390] : memref<625x32xf32, #tpu.memory_space<vmem>> -> memref<125x32xf32, #tpu.memory_space<vmem>>
    %dma_start3A_392 = arith.constant 0 : i32
    %dma_start3A_393 = tpu.memref_slice %arg16[%dma_start3A_388, %dma_start3A_392] : memref<5x125xi32, #tpu.memory_space<vmem>> -> memref<1x125xi32, #tpu.memory_space<vmem>>
    %dma_start3A_394 = tpu.memref_squeeze %dma_start3A_393 : memref<1x125xi32, #tpu.memory_space<vmem>> -> memref<125xi32, #tpu.memory_space<vmem>>
    %dma_start3A_395 = arith.constant 0 : i32
    %dma_start3A_396 = arith.constant 0 : i32
    %dma_start3A_397 = tpu.memref_slice %arg2[%dma_start3A_395, %dma_start3A_396] : memref<10240x32xf32, #tpu.memory_space<hbm>> -> memref<10240x32xf32, #tpu.memory_space<hbm>>
    tpu.enqueue_indirect_dma source(%dma_start3A_397 : memref<10240x32xf32, #tpu.memory_space<hbm>>) target(%dma_start3A_391 : memref<125x32xf32, #tpu.memory_space<vmem>>) offsets(%dma_start3A_394 : memref<125xi32, #tpu.memory_space<vmem>>) semaphore(%arg19 : memref<!tpu.dma_semaphore, #tpu.memory_space<semaphore_mem>>)
    %dma_start3A_398 = arith.constant 2 : i32
    %dma_start3A_399 = arith.constant 250 : i32
    %dma_start3A_400 = arith.constant 0 : i32
    %dma_start3A_401 = tpu.memref_slice %arg10[%dma_start3A_399, %dma_start3A_400] : memref<625x32xf32, #tpu.memory_space<vmem>> -> memref<125x32xf32, #tpu.memory_space<vmem>>
    %dma_start3A_402 = arith.constant 0 : i32
    %dma_start3A_403 = tpu.memref_slice %arg17[%dma_start3A_398, %dma_start3A_402] : memref<5x125xi32, #tpu.memory_space<vmem>> -> memref<1x125xi32, #tpu.memory_space<vmem>>
    %dma_start3A_404 = tpu.memref_squeeze %dma_start3A_403 : memref<1x125xi32, #tpu.memory_space<vmem>> -> memref<125xi32, #tpu.memory_space<vmem>>
    %dma_start3A_405 = arith.constant 0 : i32
    %dma_start3A_406 = arith.constant 0 : i32
    %dma_start3A_407 = tpu.memref_slice %arg2[%dma_start3A_405, %dma_start3A_406] : memref<10240x32xf32, #tpu.memory_space<hbm>> -> memref<10240x32xf32, #tpu.memory_space<hbm>>
    tpu.enqueue_indirect_dma source(%dma_start3A_407 : memref<10240x32xf32, #tpu.memory_space<hbm>>) target(%dma_start3A_401 : memref<125x32xf32, #tpu.memory_space<vmem>>) offsets(%dma_start3A_404 : memref<125xi32, #tpu.memory_space<vmem>>) semaphore(%arg19 : memref<!tpu.dma_semaphore, #tpu.memory_space<semaphore_mem>>)
    %dma_start3A_408 = arith.constant 3 : i32
    %dma_start3A_409 = arith.constant 375 : i32
    %dma_start3A_410 = arith.constant 0 : i32
    %dma_start3A_411 = tpu.memref_slice %arg8[%dma_start3A_409, %dma_start3A_410] : memref<625x32xf32, #tpu.memory_space<vmem>> -> memref<125x32xf32, #tpu.memory_space<vmem>>
    %dma_start3A_412 = arith.constant 0 : i32
    %dma_start3A_413 = tpu.memref_slice %arg15[%dma_start3A_408, %dma_start3A_412] : memref<5x125xi32, #tpu.memory_space<vmem>> -> memref<1x125xi32, #tpu.memory_space<vmem>>
    %dma_start3A_414 = tpu.memref_squeeze %dma_start3A_413 : memref<1x125xi32, #tpu.memory_space<vmem>> -> memref<125xi32, #tpu.memory_space<vmem>>
    %dma_start3A_415 = arith.constant 0 : i32
    %dma_start3A_416 = arith.constant 0 : i32
    %dma_start3A_417 = tpu.memref_slice %arg2[%dma_start3A_415, %dma_start3A_416] : memref<10240x32xf32, #tpu.memory_space<hbm>> -> memref<10240x32xf32, #tpu.memory_space<hbm>>
    tpu.enqueue_indirect_dma source(%dma_start3A_417 : memref<10240x32xf32, #tpu.memory_space<hbm>>) target(%dma_start3A_411 : memref<125x32xf32, #tpu.memory_space<vmem>>) offsets(%dma_start3A_414 : memref<125xi32, #tpu.memory_space<vmem>>) semaphore(%arg19 : memref<!tpu.dma_semaphore, #tpu.memory_space<semaphore_mem>>)
    %dma_start3A_418 = arith.constant 3 : i32
    %dma_start3A_419 = arith.constant 375 : i32
    %dma_start3A_420 = arith.constant 0 : i32
    %dma_start3A_421 = tpu.memref_slice %arg9[%dma_start3A_419, %dma_start3A_420] : memref<625x32xf32, #tpu.memory_space<vmem>> -> memref<125x32xf32, #tpu.memory_space<vmem>>
    %dma_start3A_422 = arith.constant 0 : i32
    %dma_start3A_423 = tpu.memref_slice %arg16[%dma_start3A_418, %dma_start3A_422] : memref<5x125xi32, #tpu.memory_space<vmem>> -> memref<1x125xi32, #tpu.memory_space<vmem>>
    %dma_start3A_424 = tpu.memref_squeeze %dma_start3A_423 : memref<1x125xi32, #tpu.memory_space<vmem>> -> memref<125xi32, #tpu.memory_space<vmem>>
    %dma_start3A_425 = arith.constant 0 : i32
    %dma_start3A_426 = arith.constant 0 : i32
    %dma_start3A_427 = tpu.memref_slice %arg2[%dma_start3A_425, %dma_start3A_426] : memref<10240x32xf32, #tpu.memory_space<hbm>> -> memref<10240x32xf32, #tpu.memory_space<hbm>>
    tpu.enqueue_indirect_dma source(%dma_start3A_427 : memref<10240x32xf32, #tpu.memory_space<hbm>>) target(%dma_start3A_421 : memref<125x32xf32, #tpu.memory_space<vmem>>) offsets(%dma_start3A_424 : memref<125xi32, #tpu.memory_space<vmem>>) semaphore(%arg19 : memref<!tpu.dma_semaphore, #tpu.memory_space<semaphore_mem>>)
    %dma_start3A_428 = arith.constant 3 : i32
    %dma_start3A_429 = arith.constant 375 : i32
    %dma_start3A_430 = arith.constant 0 : i32
    %dma_start3A_431 = tpu.memref_slice %arg10[%dma_start3A_429, %dma_start3A_430] : memref<625x32xf32, #tpu.memory_space<vmem>> -> memref<125x32xf32, #tpu.memory_space<vmem>>
    %dma_start3A_432 = arith.constant 0 : i32
    %dma_start3A_433 = tpu.memref_slice %arg17[%dma_start3A_428, %dma_start3A_432] : memref<5x125xi32, #tpu.memory_space<vmem>> -> memref<1x125xi32, #tpu.memory_space<vmem>>
    %dma_start3A_434 = tpu.memref_squeeze %dma_start3A_433 : memref<1x125xi32, #tpu.memory_space<vmem>> -> memref<125xi32, #tpu.memory_space<vmem>>
    %dma_start3A_435 = arith.constant 0 : i32
    %dma_start3A_436 = arith.constant 0 : i32
    %dma_start3A_437 = tpu.memref_slice %arg2[%dma_start3A_435, %dma_start3A_436] : memref<10240x32xf32, #tpu.memory_space<hbm>> -> memref<10240x32xf32, #tpu.memory_space<hbm>>
    tpu.enqueue_indirect_dma source(%dma_start3A_437 : memref<10240x32xf32, #tpu.memory_space<hbm>>) target(%dma_start3A_431 : memref<125x32xf32, #tpu.memory_space<vmem>>) offsets(%dma_start3A_434 : memref<125xi32, #tpu.memory_space<vmem>>) semaphore(%arg19 : memref<!tpu.dma_semaphore, #tpu.memory_space<semaphore_mem>>)
    %dma_start3A_438 = arith.constant 4 : i32
    %dma_start3A_439 = arith.constant 500 : i32
    %dma_start3A_440 = arith.constant 0 : i32
    %dma_start3A_441 = tpu.memref_slice %arg8[%dma_start3A_439, %dma_start3A_440] : memref<625x32xf32, #tpu.memory_space<vmem>> -> memref<125x32xf32, #tpu.memory_space<vmem>>
    %dma_start3A_442 = arith.constant 0 : i32
    %dma_start3A_443 = tpu.memref_slice %arg15[%dma_start3A_438, %dma_start3A_442] : memref<5x125xi32, #tpu.memory_space<vmem>> -> memref<1x125xi32, #tpu.memory_space<vmem>>
    %dma_start3A_444 = tpu.memref_squeeze %dma_start3A_443 : memref<1x125xi32, #tpu.memory_space<vmem>> -> memref<125xi32, #tpu.memory_space<vmem>>
    %dma_start3A_445 = arith.constant 0 : i32
    %dma_start3A_446 = arith.constant 0 : i32
    %dma_start3A_447 = tpu.memref_slice %arg2[%dma_start3A_445, %dma_start3A_446] : memref<10240x32xf32, #tpu.memory_space<hbm>> -> memref<10240x32xf32, #tpu.memory_space<hbm>>
    tpu.enqueue_indirect_dma source(%dma_start3A_447 : memref<10240x32xf32, #tpu.memory_space<hbm>>) target(%dma_start3A_441 : memref<125x32xf32, #tpu.memory_space<vmem>>) offsets(%dma_start3A_444 : memref<125xi32, #tpu.memory_space<vmem>>) semaphore(%arg19 : memref<!tpu.dma_semaphore, #tpu.memory_space<semaphore_mem>>)
    %dma_start3A_448 = arith.constant 4 : i32
    %dma_start3A_449 = arith.constant 500 : i32
    %dma_start3A_450 = arith.constant 0 : i32
    %dma_start3A_451 = tpu.memref_slice %arg9[%dma_start3A_449, %dma_start3A_450] : memref<625x32xf32, #tpu.memory_space<vmem>> -> memref<125x32xf32, #tpu.memory_space<vmem>>
    %dma_start3A_452 = arith.constant 0 : i32
    %dma_start3A_453 = tpu.memref_slice %arg16[%dma_start3A_448, %dma_start3A_452] : memref<5x125xi32, #tpu.memory_space<vmem>> -> memref<1x125xi32, #tpu.memory_space<vmem>>
    %dma_start3A_454 = tpu.memref_squeeze %dma_start3A_453 : memref<1x125xi32, #tpu.memory_space<vmem>> -> memref<125xi32, #tpu.memory_space<vmem>>
    %dma_start3A_455 = arith.constant 0 : i32
    %dma_start3A_456 = arith.constant 0 : i32
    %dma_start3A_457 = tpu.memref_slice %arg2[%dma_start3A_455, %dma_start3A_456] : memref<10240x32xf32, #tpu.memory_space<hbm>> -> memref<10240x32xf32, #tpu.memory_space<hbm>>
    tpu.enqueue_indirect_dma source(%dma_start3A_457 : memref<10240x32xf32, #tpu.memory_space<hbm>>) target(%dma_start3A_451 : memref<125x32xf32, #tpu.memory_space<vmem>>) offsets(%dma_start3A_454 : memref<125xi32, #tpu.memory_space<vmem>>) semaphore(%arg19 : memref<!tpu.dma_semaphore, #tpu.memory_space<semaphore_mem>>)
    %dma_start3A_458 = arith.constant 4 : i32
    %dma_start3A_459 = arith.constant 500 : i32
    %dma_start3A_460 = arith.constant 0 : i32
    %dma_start3A_461 = tpu.memref_slice %arg10[%dma_start3A_459, %dma_start3A_460] : memref<625x32xf32, #tpu.memory_space<vmem>> -> memref<125x32xf32, #tpu.memory_space<vmem>>
    %dma_start3A_462 = arith.constant 0 : i32
    %dma_start3A_463 = tpu.memref_slice %arg17[%dma_start3A_458, %dma_start3A_462] : memref<5x125xi32, #tpu.memory_space<vmem>> -> memref<1x125xi32, #tpu.memory_space<vmem>>
    %dma_start3A_464 = tpu.memref_squeeze %dma_start3A_463 : memref<1x125xi32, #tpu.memory_space<vmem>> -> memref<125xi32, #tpu.memory_space<vmem>>
    %dma_start3A_465 = arith.constant 0 : i32
    %dma_start3A_466 = arith.constant 0 : i32
    %dma_start3A_467 = tpu.memref_slice %arg2[%dma_start3A_465, %dma_start3A_466] : memref<10240x32xf32, #tpu.memory_space<hbm>> -> memref<10240x32xf32, #tpu.memory_space<hbm>>
    tpu.enqueue_indirect_dma source(%dma_start3A_467 : memref<10240x32xf32, #tpu.memory_space<hbm>>) target(%dma_start3A_461 : memref<125x32xf32, #tpu.memory_space<vmem>>) offsets(%dma_start3A_464 : memref<125xi32, #tpu.memory_space<vmem>>) semaphore(%arg19 : memref<!tpu.dma_semaphore, #tpu.memory_space<semaphore_mem>>)
    %dma_wait3A_468 = arith.constant 0 : i32
    %dma_wait3A_469 = arith.constant 0 : i32
    %dma_wait3A_470 = arith.constant 0 : i32
    %dma_wait3A_471 = tpu.memref_slice %arg8[%dma_wait3A_469, %dma_wait3A_470] : memref<625x32xf32, #tpu.memory_space<vmem>> -> memref<125x32xf32, #tpu.memory_space<vmem>>
    %dma_wait3A_472 = arith.constant 0 : i32
    %dma_wait3A_473 = tpu.memref_slice %arg15[%dma_wait3A_468, %dma_wait3A_472] : memref<5x125xi32, #tpu.memory_space<vmem>> -> memref<1x125xi32, #tpu.memory_space<vmem>>
    %dma_wait3A_474 = tpu.memref_squeeze %dma_wait3A_473 : memref<1x125xi32, #tpu.memory_space<vmem>> -> memref<125xi32, #tpu.memory_space<vmem>>
    %dma_wait3A_475 = arith.constant 0 : i32
    %dma_wait3A_476 = arith.constant 0 : i32
    %dma_wait3A_477 = tpu.memref_slice %arg2[%dma_wait3A_475, %dma_wait3A_476] : memref<10240x32xf32, #tpu.memory_space<hbm>> -> memref<10240x32xf32, #tpu.memory_space<hbm>>
    tpu.wait_indirect_dma semaphore(%arg19 : memref<!tpu.dma_semaphore, #tpu.memory_space<semaphore_mem>>) src(%dma_wait3A_477 : memref<10240x32xf32, #tpu.memory_space<hbm>>) dst(%dma_wait3A_471 : memref<125x32xf32, #tpu.memory_space<vmem>>)
    %dma_wait3A_478 = arith.constant 0 : i32
    %dma_wait3A_479 = arith.constant 0 : i32
    %dma_wait3A_480 = arith.constant 0 : i32
    %dma_wait3A_481 = tpu.memref_slice %arg9[%dma_wait3A_479, %dma_wait3A_480] : memref<625x32xf32, #tpu.memory_space<vmem>> -> memref<125x32xf32, #tpu.memory_space<vmem>>
    %dma_wait3A_482 = arith.constant 0 : i32
    %dma_wait3A_483 = tpu.memref_slice %arg16[%dma_wait3A_478, %dma_wait3A_482] : memref<5x125xi32, #tpu.memory_space<vmem>> -> memref<1x125xi32, #tpu.memory_space<vmem>>
    %dma_wait3A_484 = tpu.memref_squeeze %dma_wait3A_483 : memref<1x125xi32, #tpu.memory_space<vmem>> -> memref<125xi32, #tpu.memory_space<vmem>>
    %dma_wait3A_485 = arith.constant 0 : i32
    %dma_wait3A_486 = arith.constant 0 : i32
    %dma_wait3A_487 = tpu.memref_slice %arg2[%dma_wait3A_485, %dma_wait3A_486] : memref<10240x32xf32, #tpu.memory_space<hbm>> -> memref<10240x32xf32, #tpu.memory_space<hbm>>
    tpu.wait_indirect_dma semaphore(%arg19 : memref<!tpu.dma_semaphore, #tpu.memory_space<semaphore_mem>>) src(%dma_wait3A_487 : memref<10240x32xf32, #tpu.memory_space<hbm>>) dst(%dma_wait3A_481 : memref<125x32xf32, #tpu.memory_space<vmem>>)
    %dma_wait3A_488 = arith.constant 0 : i32
    %dma_wait3A_489 = arith.constant 0 : i32
    %dma_wait3A_490 = arith.constant 0 : i32
    %dma_wait3A_491 = tpu.memref_slice %arg10[%dma_wait3A_489, %dma_wait3A_490] : memref<625x32xf32, #tpu.memory_space<vmem>> -> memref<125x32xf32, #tpu.memory_space<vmem>>
    %dma_wait3A_492 = arith.constant 0 : i32
    %dma_wait3A_493 = tpu.memref_slice %arg17[%dma_wait3A_488, %dma_wait3A_492] : memref<5x125xi32, #tpu.memory_space<vmem>> -> memref<1x125xi32, #tpu.memory_space<vmem>>
    %dma_wait3A_494 = tpu.memref_squeeze %dma_wait3A_493 : memref<1x125xi32, #tpu.memory_space<vmem>> -> memref<125xi32, #tpu.memory_space<vmem>>
    %dma_wait3A_495 = arith.constant 0 : i32
    %dma_wait3A_496 = arith.constant 0 : i32
    %dma_wait3A_497 = tpu.memref_slice %arg2[%dma_wait3A_495, %dma_wait3A_496] : memref<10240x32xf32, #tpu.memory_space<hbm>> -> memref<10240x32xf32, #tpu.memory_space<hbm>>
    tpu.wait_indirect_dma semaphore(%arg19 : memref<!tpu.dma_semaphore, #tpu.memory_space<semaphore_mem>>) src(%dma_wait3A_497 : memref<10240x32xf32, #tpu.memory_space<hbm>>) dst(%dma_wait3A_491 : memref<125x32xf32, #tpu.memory_space<vmem>>)
    %dma_wait3A_498 = arith.constant 1 : i32
    %dma_wait3A_499 = arith.constant 125 : i32
    %dma_wait3A_500 = arith.constant 0 : i32
    %dma_wait3A_501 = tpu.memref_slice %arg8[%dma_wait3A_499, %dma_wait3A_500] : memref<625x32xf32, #tpu.memory_space<vmem>> -> memref<125x32xf32, #tpu.memory_space<vmem>>
    %dma_wait3A_502 = arith.constant 0 : i32
    %dma_wait3A_503 = tpu.memref_slice %arg15[%dma_wait3A_498, %dma_wait3A_502] : memref<5x125xi32, #tpu.memory_space<vmem>> -> memref<1x125xi32, #tpu.memory_space<vmem>>
    %dma_wait3A_504 = tpu.memref_squeeze %dma_wait3A_503 : memref<1x125xi32, #tpu.memory_space<vmem>> -> memref<125xi32, #tpu.memory_space<vmem>>
    %dma_wait3A_505 = arith.constant 0 : i32
    %dma_wait3A_506 = arith.constant 0 : i32
    %dma_wait3A_507 = tpu.memref_slice %arg2[%dma_wait3A_505, %dma_wait3A_506] : memref<10240x32xf32, #tpu.memory_space<hbm>> -> memref<10240x32xf32, #tpu.memory_space<hbm>>
    tpu.wait_indirect_dma semaphore(%arg19 : memref<!tpu.dma_semaphore, #tpu.memory_space<semaphore_mem>>) src(%dma_wait3A_507 : memref<10240x32xf32, #tpu.memory_space<hbm>>) dst(%dma_wait3A_501 : memref<125x32xf32, #tpu.memory_space<vmem>>)
    %dma_wait3A_508 = arith.constant 1 : i32
    %dma_wait3A_509 = arith.constant 125 : i32
    %dma_wait3A_510 = arith.constant 0 : i32
    %dma_wait3A_511 = tpu.memref_slice %arg9[%dma_wait3A_509, %dma_wait3A_510] : memref<625x32xf32, #tpu.memory_space<vmem>> -> memref<125x32xf32, #tpu.memory_space<vmem>>
    %dma_wait3A_512 = arith.constant 0 : i32
    %dma_wait3A_513 = tpu.memref_slice %arg16[%dma_wait3A_508, %dma_wait3A_512] : memref<5x125xi32, #tpu.memory_space<vmem>> -> memref<1x125xi32, #tpu.memory_space<vmem>>
    %dma_wait3A_514 = tpu.memref_squeeze %dma_wait3A_513 : memref<1x125xi32, #tpu.memory_space<vmem>> -> memref<125xi32, #tpu.memory_space<vmem>>
    %dma_wait3A_515 = arith.constant 0 : i32
    %dma_wait3A_516 = arith.constant 0 : i32
    %dma_wait3A_517 = tpu.memref_slice %arg2[%dma_wait3A_515, %dma_wait3A_516] : memref<10240x32xf32, #tpu.memory_space<hbm>> -> memref<10240x32xf32, #tpu.memory_space<hbm>>
    tpu.wait_indirect_dma semaphore(%arg19 : memref<!tpu.dma_semaphore, #tpu.memory_space<semaphore_mem>>) src(%dma_wait3A_517 : memref<10240x32xf32, #tpu.memory_space<hbm>>) dst(%dma_wait3A_511 : memref<125x32xf32, #tpu.memory_space<vmem>>)
    %dma_wait3A_518 = arith.constant 1 : i32
    %dma_wait3A_519 = arith.constant 125 : i32
    %dma_wait3A_520 = arith.constant 0 : i32
    %dma_wait3A_521 = tpu.memref_slice %arg10[%dma_wait3A_519, %dma_wait3A_520] : memref<625x32xf32, #tpu.memory_space<vmem>> -> memref<125x32xf32, #tpu.memory_space<vmem>>
    %dma_wait3A_522 = arith.constant 0 : i32
    %dma_wait3A_523 = tpu.memref_slice %arg17[%dma_wait3A_518, %dma_wait3A_522] : memref<5x125xi32, #tpu.memory_space<vmem>> -> memref<1x125xi32, #tpu.memory_space<vmem>>
    %dma_wait3A_524 = tpu.memref_squeeze %dma_wait3A_523 : memref<1x125xi32, #tpu.memory_space<vmem>> -> memref<125xi32, #tpu.memory_space<vmem>>
    %dma_wait3A_525 = arith.constant 0 : i32
    %dma_wait3A_526 = arith.constant 0 : i32
    %dma_wait3A_527 = tpu.memref_slice %arg2[%dma_wait3A_525, %dma_wait3A_526] : memref<10240x32xf32, #tpu.memory_space<hbm>> -> memref<10240x32xf32, #tpu.memory_space<hbm>>
    tpu.wait_indirect_dma semaphore(%arg19 : memref<!tpu.dma_semaphore, #tpu.memory_space<semaphore_mem>>) src(%dma_wait3A_527 : memref<10240x32xf32, #tpu.memory_space<hbm>>) dst(%dma_wait3A_521 : memref<125x32xf32, #tpu.memory_space<vmem>>)
    %dma_wait3A_528 = arith.constant 2 : i32
    %dma_wait3A_529 = arith.constant 250 : i32
    %dma_wait3A_530 = arith.constant 0 : i32
    %dma_wait3A_531 = tpu.memref_slice %arg8[%dma_wait3A_529, %dma_wait3A_530] : memref<625x32xf32, #tpu.memory_space<vmem>> -> memref<125x32xf32, #tpu.memory_space<vmem>>
    %dma_wait3A_532 = arith.constant 0 : i32
    %dma_wait3A_533 = tpu.memref_slice %arg15[%dma_wait3A_528, %dma_wait3A_532] : memref<5x125xi32, #tpu.memory_space<vmem>> -> memref<1x125xi32, #tpu.memory_space<vmem>>
    %dma_wait3A_534 = tpu.memref_squeeze %dma_wait3A_533 : memref<1x125xi32, #tpu.memory_space<vmem>> -> memref<125xi32, #tpu.memory_space<vmem>>
    %dma_wait3A_535 = arith.constant 0 : i32
    %dma_wait3A_536 = arith.constant 0 : i32
    %dma_wait3A_537 = tpu.memref_slice %arg2[%dma_wait3A_535, %dma_wait3A_536] : memref<10240x32xf32, #tpu.memory_space<hbm>> -> memref<10240x32xf32, #tpu.memory_space<hbm>>
    tpu.wait_indirect_dma semaphore(%arg19 : memref<!tpu.dma_semaphore, #tpu.memory_space<semaphore_mem>>) src(%dma_wait3A_537 : memref<10240x32xf32, #tpu.memory_space<hbm>>) dst(%dma_wait3A_531 : memref<125x32xf32, #tpu.memory_space<vmem>>)
    %dma_wait3A_538 = arith.constant 2 : i32
    %dma_wait3A_539 = arith.constant 250 : i32
    %dma_wait3A_540 = arith.constant 0 : i32
    %dma_wait3A_541 = tpu.memref_slice %arg9[%dma_wait3A_539, %dma_wait3A_540] : memref<625x32xf32, #tpu.memory_space<vmem>> -> memref<125x32xf32, #tpu.memory_space<vmem>>
    %dma_wait3A_542 = arith.constant 0 : i32
    %dma_wait3A_543 = tpu.memref_slice %arg16[%dma_wait3A_538, %dma_wait3A_542] : memref<5x125xi32, #tpu.memory_space<vmem>> -> memref<1x125xi32, #tpu.memory_space<vmem>>
    %dma_wait3A_544 = tpu.memref_squeeze %dma_wait3A_543 : memref<1x125xi32, #tpu.memory_space<vmem>> -> memref<125xi32, #tpu.memory_space<vmem>>
    %dma_wait3A_545 = arith.constant 0 : i32
    %dma_wait3A_546 = arith.constant 0 : i32
    %dma_wait3A_547 = tpu.memref_slice %arg2[%dma_wait3A_545, %dma_wait3A_546] : memref<10240x32xf32, #tpu.memory_space<hbm>> -> memref<10240x32xf32, #tpu.memory_space<hbm>>
    tpu.wait_indirect_dma semaphore(%arg19 : memref<!tpu.dma_semaphore, #tpu.memory_space<semaphore_mem>>) src(%dma_wait3A_547 : memref<10240x32xf32, #tpu.memory_space<hbm>>) dst(%dma_wait3A_541 : memref<125x32xf32, #tpu.memory_space<vmem>>)
    %dma_wait3A_548 = arith.constant 2 : i32
    %dma_wait3A_549 = arith.constant 250 : i32
    %dma_wait3A_550 = arith.constant 0 : i32
    %dma_wait3A_551 = tpu.memref_slice %arg10[%dma_wait3A_549, %dma_wait3A_550] : memref<625x32xf32, #tpu.memory_space<vmem>> -> memref<125x32xf32, #tpu.memory_space<vmem>>
    %dma_wait3A_552 = arith.constant 0 : i32
    %dma_wait3A_553 = tpu.memref_slice %arg17[%dma_wait3A_548, %dma_wait3A_552] : memref<5x125xi32, #tpu.memory_space<vmem>> -> memref<1x125xi32, #tpu.memory_space<vmem>>
    %dma_wait3A_554 = tpu.memref_squeeze %dma_wait3A_553 : memref<1x125xi32, #tpu.memory_space<vmem>> -> memref<125xi32, #tpu.memory_space<vmem>>
    %dma_wait3A_555 = arith.constant 0 : i32
    %dma_wait3A_556 = arith.constant 0 : i32
    %dma_wait3A_557 = tpu.memref_slice %arg2[%dma_wait3A_555, %dma_wait3A_556] : memref<10240x32xf32, #tpu.memory_space<hbm>> -> memref<10240x32xf32, #tpu.memory_space<hbm>>
    tpu.wait_indirect_dma semaphore(%arg19 : memref<!tpu.dma_semaphore, #tpu.memory_space<semaphore_mem>>) src(%dma_wait3A_557 : memref<10240x32xf32, #tpu.memory_space<hbm>>) dst(%dma_wait3A_551 : memref<125x32xf32, #tpu.memory_space<vmem>>)
    %dma_wait3A_558 = arith.constant 3 : i32
    %dma_wait3A_559 = arith.constant 375 : i32
    %dma_wait3A_560 = arith.constant 0 : i32
    %dma_wait3A_561 = tpu.memref_slice %arg8[%dma_wait3A_559, %dma_wait3A_560] : memref<625x32xf32, #tpu.memory_space<vmem>> -> memref<125x32xf32, #tpu.memory_space<vmem>>
    %dma_wait3A_562 = arith.constant 0 : i32
    %dma_wait3A_563 = tpu.memref_slice %arg15[%dma_wait3A_558, %dma_wait3A_562] : memref<5x125xi32, #tpu.memory_space<vmem>> -> memref<1x125xi32, #tpu.memory_space<vmem>>
    %dma_wait3A_564 = tpu.memref_squeeze %dma_wait3A_563 : memref<1x125xi32, #tpu.memory_space<vmem>> -> memref<125xi32, #tpu.memory_space<vmem>>
    %dma_wait3A_565 = arith.constant 0 : i32
    %dma_wait3A_566 = arith.constant 0 : i32
    %dma_wait3A_567 = tpu.memref_slice %arg2[%dma_wait3A_565, %dma_wait3A_566] : memref<10240x32xf32, #tpu.memory_space<hbm>> -> memref<10240x32xf32, #tpu.memory_space<hbm>>
    tpu.wait_indirect_dma semaphore(%arg19 : memref<!tpu.dma_semaphore, #tpu.memory_space<semaphore_mem>>) src(%dma_wait3A_567 : memref<10240x32xf32, #tpu.memory_space<hbm>>) dst(%dma_wait3A_561 : memref<125x32xf32, #tpu.memory_space<vmem>>)
    %dma_wait3A_568 = arith.constant 3 : i32
    %dma_wait3A_569 = arith.constant 375 : i32
    %dma_wait3A_570 = arith.constant 0 : i32
    %dma_wait3A_571 = tpu.memref_slice %arg9[%dma_wait3A_569, %dma_wait3A_570] : memref<625x32xf32, #tpu.memory_space<vmem>> -> memref<125x32xf32, #tpu.memory_space<vmem>>
    %dma_wait3A_572 = arith.constant 0 : i32
    %dma_wait3A_573 = tpu.memref_slice %arg16[%dma_wait3A_568, %dma_wait3A_572] : memref<5x125xi32, #tpu.memory_space<vmem>> -> memref<1x125xi32, #tpu.memory_space<vmem>>
    %dma_wait3A_574 = tpu.memref_squeeze %dma_wait3A_573 : memref<1x125xi32, #tpu.memory_space<vmem>> -> memref<125xi32, #tpu.memory_space<vmem>>
    %dma_wait3A_575 = arith.constant 0 : i32
    %dma_wait3A_576 = arith.constant 0 : i32
    %dma_wait3A_577 = tpu.memref_slice %arg2[%dma_wait3A_575, %dma_wait3A_576] : memref<10240x32xf32, #tpu.memory_space<hbm>> -> memref<10240x32xf32, #tpu.memory_space<hbm>>
    tpu.wait_indirect_dma semaphore(%arg19 : memref<!tpu.dma_semaphore, #tpu.memory_space<semaphore_mem>>) src(%dma_wait3A_577 : memref<10240x32xf32, #tpu.memory_space<hbm>>) dst(%dma_wait3A_571 : memref<125x32xf32, #tpu.memory_space<vmem>>)
    %dma_wait3A_578 = arith.constant 3 : i32
    %dma_wait3A_579 = arith.constant 375 : i32
    %dma_wait3A_580 = arith.constant 0 : i32
    %dma_wait3A_581 = tpu.memref_slice %arg10[%dma_wait3A_579, %dma_wait3A_580] : memref<625x32xf32, #tpu.memory_space<vmem>> -> memref<125x32xf32, #tpu.memory_space<vmem>>
    %dma_wait3A_582 = arith.constant 0 : i32
    %dma_wait3A_583 = tpu.memref_slice %arg17[%dma_wait3A_578, %dma_wait3A_582] : memref<5x125xi32, #tpu.memory_space<vmem>> -> memref<1x125xi32, #tpu.memory_space<vmem>>
    %dma_wait3A_584 = tpu.memref_squeeze %dma_wait3A_583 : memref<1x125xi32, #tpu.memory_space<vmem>> -> memref<125xi32, #tpu.memory_space<vmem>>
    %dma_wait3A_585 = arith.constant 0 : i32
    %dma_wait3A_586 = arith.constant 0 : i32
    %dma_wait3A_587 = tpu.memref_slice %arg2[%dma_wait3A_585, %dma_wait3A_586] : memref<10240x32xf32, #tpu.memory_space<hbm>> -> memref<10240x32xf32, #tpu.memory_space<hbm>>
    tpu.wait_indirect_dma semaphore(%arg19 : memref<!tpu.dma_semaphore, #tpu.memory_space<semaphore_mem>>) src(%dma_wait3A_587 : memref<10240x32xf32, #tpu.memory_space<hbm>>) dst(%dma_wait3A_581 : memref<125x32xf32, #tpu.memory_space<vmem>>)
    %dma_wait3A_588 = arith.constant 4 : i32
    %dma_wait3A_589 = arith.constant 500 : i32
    %dma_wait3A_590 = arith.constant 0 : i32
    %dma_wait3A_591 = tpu.memref_slice %arg8[%dma_wait3A_589, %dma_wait3A_590] : memref<625x32xf32, #tpu.memory_space<vmem>> -> memref<125x32xf32, #tpu.memory_space<vmem>>
    %dma_wait3A_592 = arith.constant 0 : i32
    %dma_wait3A_593 = tpu.memref_slice %arg15[%dma_wait3A_588, %dma_wait3A_592] : memref<5x125xi32, #tpu.memory_space<vmem>> -> memref<1x125xi32, #tpu.memory_space<vmem>>
    %dma_wait3A_594 = tpu.memref_squeeze %dma_wait3A_593 : memref<1x125xi32, #tpu.memory_space<vmem>> -> memref<125xi32, #tpu.memory_space<vmem>>
    %dma_wait3A_595 = arith.constant 0 : i32
    %dma_wait3A_596 = arith.constant 0 : i32
    %dma_wait3A_597 = tpu.memref_slice %arg2[%dma_wait3A_595, %dma_wait3A_596] : memref<10240x32xf32, #tpu.memory_space<hbm>> -> memref<10240x32xf32, #tpu.memory_space<hbm>>
    tpu.wait_indirect_dma semaphore(%arg19 : memref<!tpu.dma_semaphore, #tpu.memory_space<semaphore_mem>>) src(%dma_wait3A_597 : memref<10240x32xf32, #tpu.memory_space<hbm>>) dst(%dma_wait3A_591 : memref<125x32xf32, #tpu.memory_space<vmem>>)
    %dma_wait3A_598 = arith.constant 4 : i32
    %dma_wait3A_599 = arith.constant 500 : i32
    %dma_wait3A_600 = arith.constant 0 : i32
    %dma_wait3A_601 = tpu.memref_slice %arg9[%dma_wait3A_599, %dma_wait3A_600] : memref<625x32xf32, #tpu.memory_space<vmem>> -> memref<125x32xf32, #tpu.memory_space<vmem>>
    %dma_wait3A_602 = arith.constant 0 : i32
    %dma_wait3A_603 = tpu.memref_slice %arg16[%dma_wait3A_598, %dma_wait3A_602] : memref<5x125xi32, #tpu.memory_space<vmem>> -> memref<1x125xi32, #tpu.memory_space<vmem>>
    %dma_wait3A_604 = tpu.memref_squeeze %dma_wait3A_603 : memref<1x125xi32, #tpu.memory_space<vmem>> -> memref<125xi32, #tpu.memory_space<vmem>>
    %dma_wait3A_605 = arith.constant 0 : i32
    %dma_wait3A_606 = arith.constant 0 : i32
    %dma_wait3A_607 = tpu.memref_slice %arg2[%dma_wait3A_605, %dma_wait3A_606] : memref<10240x32xf32, #tpu.memory_space<hbm>> -> memref<10240x32xf32, #tpu.memory_space<hbm>>
    tpu.wait_indirect_dma semaphore(%arg19 : memref<!tpu.dma_semaphore, #tpu.memory_space<semaphore_mem>>) src(%dma_wait3A_607 : memref<10240x32xf32, #tpu.memory_space<hbm>>) dst(%dma_wait3A_601 : memref<125x32xf32, #tpu.memory_space<vmem>>)
    %dma_wait3A_608 = arith.constant 4 : i32
    %dma_wait3A_609 = arith.constant 500 : i32
    %dma_wait3A_610 = arith.constant 0 : i32
    %dma_wait3A_611 = tpu.memref_slice %arg10[%dma_wait3A_609, %dma_wait3A_610] : memref<625x32xf32, #tpu.memory_space<vmem>> -> memref<125x32xf32, #tpu.memory_space<vmem>>
    %dma_wait3A_612 = arith.constant 0 : i32
    %dma_wait3A_613 = tpu.memref_slice %arg17[%dma_wait3A_608, %dma_wait3A_612] : memref<5x125xi32, #tpu.memory_space<vmem>> -> memref<1x125xi32, #tpu.memory_space<vmem>>
    %dma_wait3A_614 = tpu.memref_squeeze %dma_wait3A_613 : memref<1x125xi32, #tpu.memory_space<vmem>> -> memref<125xi32, #tpu.memory_space<vmem>>
    %dma_wait3A_615 = arith.constant 0 : i32
    %dma_wait3A_616 = arith.constant 0 : i32
    %dma_wait3A_617 = tpu.memref_slice %arg2[%dma_wait3A_615, %dma_wait3A_616] : memref<10240x32xf32, #tpu.memory_space<hbm>> -> memref<10240x32xf32, #tpu.memory_space<hbm>>
    tpu.wait_indirect_dma semaphore(%arg19 : memref<!tpu.dma_semaphore, #tpu.memory_space<semaphore_mem>>) src(%dma_wait3A_617 : memref<10240x32xf32, #tpu.memory_space<hbm>>) dst(%dma_wait3A_611 : memref<125x32xf32, #tpu.memory_space<vmem>>)
    %parallel_loop3A_618 = arith.constant 0 : i32
    %parallel_loop3A_619 = arith.constant 625 : i32
    %parallel_loop3A_620 = arith.constant 1 : i32
    scf.for %parallel_loop3A_627 = %parallel_loop3A_618 to %parallel_loop3A_619 step %parallel_loop3A_620  : i32 {
      %parallel_loop3A_628 = arith.index_cast %parallel_loop3A_627 : i32 to index
      %parallel_loop3A_629 = arith.constant 0 : index
      %parallel_loop3A_630 = tpu.vector_load %arg8[%parallel_loop3A_628, %parallel_loop3A_629] {strides = array<i32>} : memref<625x32xf32, #tpu.memory_space<vmem>>, vector<16xf32>,
      %parallel_loop3A_631 = arith.index_cast %parallel_loop3A_627 : i32 to index
      %parallel_loop3A_632 = arith.constant 0 : index
      %parallel_loop3A_633 = tpu.vector_load %arg9[%parallel_loop3A_631, %parallel_loop3A_632] {strides = array<i32>} : memref<625x32xf32, #tpu.memory_space<vmem>>, vector<16xf32>,
      %parallel_loop3A_634 = arith.minimumf %parallel_loop3A_630, %parallel_loop3A_633 : vector<16xf32>
      %parallel_loop3A_635 = arith.index_cast %parallel_loop3A_627 : i32 to index
      %parallel_loop3A_636 = arith.constant 0 : index
      %parallel_loop3A_637 = tpu.vector_load %arg10[%parallel_loop3A_635, %parallel_loop3A_636] {strides = array<i32>} : memref<625x32xf32, #tpu.memory_space<vmem>>, vector<16xf32>,
      %parallel_loop3A_638 = arith.minimumf %parallel_loop3A_634, %parallel_loop3A_637 : vector<16xf32>
      %parallel_loop3A_639 = arith.index_cast %parallel_loop3A_627 : i32 to index
      %parallel_loop3A_640 = arith.constant 16 : index
      %parallel_loop3A_641 = tpu.vector_load %arg8[%parallel_loop3A_639, %parallel_loop3A_640] {strides = array<i32>} : memref<625x32xf32, #tpu.memory_space<vmem>>, vector<16xf32>,
      %parallel_loop3A_642 = arith.index_cast %parallel_loop3A_627 : i32 to index
      %parallel_loop3A_643 = arith.constant 16 : index
      %parallel_loop3A_644 = tpu.vector_load %arg9[%parallel_loop3A_642, %parallel_loop3A_643] {strides = array<i32>} : memref<625x32xf32, #tpu.memory_space<vmem>>, vector<16xf32>,
      %parallel_loop3A_645 = arith.maximumf %parallel_loop3A_641, %parallel_loop3A_644 : vector<16xf32>
      %parallel_loop3A_646 = arith.index_cast %parallel_loop3A_627 : i32 to index
      %parallel_loop3A_647 = arith.constant 16 : index
      %parallel_loop3A_648 = tpu.vector_load %arg10[%parallel_loop3A_646, %parallel_loop3A_647] {strides = array<i32>} : memref<625x32xf32, #tpu.memory_space<vmem>>, vector<16xf32>,
      %parallel_loop3A_649 = arith.maximumf %parallel_loop3A_645, %parallel_loop3A_648 : vector<16xf32>
      %parallel_loop3A_650 = vector.extract_strided_slice %parallel_loop3A_649 {offsets = [0], sizes = [1], strides = [1]} : vector<16xf32> to vector<1xf32>
      %parallel_loop3A_651 = vector.extract %parallel_loop3A_650[0] : f32 from vector<1xf32>
      %parallel_loop3A_652 = vector.broadcast %parallel_loop3A_651 : f32 to vector<16xf32>
      %parallel_loop3A_653 = vector.extract_strided_slice %parallel_loop3A_641 {offsets = [1], sizes = [1], strides = [1]} : vector<16xf32> to vector<1xf32>
      %parallel_loop3A_654 = vector.extract %parallel_loop3A_653[0] : f32 from vector<1xf32>
      %parallel_loop3A_655 = vector.broadcast %parallel_loop3A_654 : f32 to vector<16xf32>
      %parallel_loop3A_656 = arith.constant 6.81818199 : f32
      %parallel_loop3A_657 = vector.broadcast %parallel_loop3A_656 : f32 to vector<16xf32>
      %parallel_loop3A_658 = arith.mulf %parallel_loop3A_638, %parallel_loop3A_657 : vector<16xf32>
      %parallel_loop3A_659 = arith.constant 8.000000e+00 : f32
      %parallel_loop3A_660 = vector.broadcast %parallel_loop3A_659 : f32 to vector<16xf32>
      %parallel_loop3A_661 = arith.addf %parallel_loop3A_658, %parallel_loop3A_660 : vector<16xf32>
      %parallel_loop3A_662 = arith.constant 0.000000e+00 : f32
      %parallel_loop3A_663 = vector.broadcast %parallel_loop3A_662 : f32 to vector<16xf32>
      %parallel_loop3A_664 = arith.maximumf %parallel_loop3A_661, %parallel_loop3A_663 : vector<16xf32>
      %parallel_loop3A_665 = arith.constant 1.500000e+01 : f32
      %parallel_loop3A_666 = vector.broadcast %parallel_loop3A_665 : f32 to vector<16xf32>
      %parallel_loop3A_667 = arith.minimumf %parallel_loop3A_664, %parallel_loop3A_666 : vector<16xf32>
      %parallel_loop3A_668 = arith.fptosi %parallel_loop3A_667 : vector<16xf32> to vector<16xi32>
      %parallel_loop3A_669 = arith.sitofp %parallel_loop3A_668 : vector<16xi32> to vector<16xf32>
      %parallel_loop3A_670 = arith.constant -73.3333359 : f32
      %parallel_loop3A_671 = vector.broadcast %parallel_loop3A_670 : f32 to vector<16xf32>
      %parallel_loop3A_672 = arith.mulf %parallel_loop3A_669, %parallel_loop3A_671 : vector<16xf32>
      %parallel_loop3A_673 = arith.constant 5.000000e+02 : f32
      %parallel_loop3A_674 = vector.broadcast %parallel_loop3A_673 : f32 to vector<16xf32>
      %parallel_loop3A_675 = arith.mulf %parallel_loop3A_638, %parallel_loop3A_674 : vector<16xf32>
      %parallel_loop3A_676 = arith.constant 5.500000e+02 : f32
      %parallel_loop3A_677 = vector.broadcast %parallel_loop3A_676 : f32 to vector<16xf32>
      %parallel_loop3A_678 = arith.addf %parallel_loop3A_675, %parallel_loop3A_677 : vector<16xf32>
      %parallel_loop3A_679 = arith.addf %parallel_loop3A_672, %parallel_loop3A_678 : vector<16xf32>
      %parallel_loop3A_680 = arith.constant 3.000000e+01 : f32
      %parallel_loop3A_681 = vector.broadcast %parallel_loop3A_680 : f32 to vector<16xf32>
      %parallel_loop3A_682 = arith.minimumf %parallel_loop3A_679, %parallel_loop3A_681 : vector<16xf32>
      %parallel_loop3A_683 = math.exp %parallel_loop3A_682 : vector<16xf32>
      %parallel_loop3A_684 = arith.constant 1.000000e+00 : f32
      %parallel_loop3A_685 = vector.broadcast %parallel_loop3A_684 : f32 to vector<16xf32>
      %parallel_loop3A_686 = arith.addf %parallel_loop3A_685, %parallel_loop3A_683 : vector<16xf32>
      %parallel_loop3A_687 = arith.divf %parallel_loop3A_652, %parallel_loop3A_686 : vector<16xf32>
      %parallel_loop3A_688 = arith.fptosi %parallel_loop3A_655 : vector<16xf32> to vector<16xi32>
      %parallel_loop3A_689 = arith.constant 16 : i32
      %parallel_loop3A_690 = vector.broadcast %parallel_loop3A_689 : i32 to vector<16xi32>
      %parallel_loop3A_691 = arith.muli %parallel_loop3A_668, %parallel_loop3A_690 : vector<16xi32>
      %parallel_loop3A_692 = arith.addi %parallel_loop3A_688, %parallel_loop3A_691 : vector<16xi32>
      %parallel_loop3A_693 = arith.addi %parallel_loop3A_692, %iota3A : vector<16xi32>
      tpu.vector_store_idx %arg6[%parallel_loop3A_693], %parallel_loop3A_687 {add = true} : memref<4096xf32, #tpu.memory_space<vmem>>[vector<16xi32>], vector<16xf32>,
      %parallel_loop3A_694 = arith.constant 2048 : i32
      %parallel_loop3A_695 = vector.broadcast %parallel_loop3A_694 : i32 to vector<16xi32>
      %parallel_loop3A_696 = arith.addi %parallel_loop3A_693, %parallel_loop3A_695 : vector<16xi32>
      tpu.vector_store_idx %arg6[%parallel_loop3A_696], %parallel_loop3A_652 {add = true} : memref<4096xf32, #tpu.memory_space<vmem>>[vector<16xi32>], vector<16xf32>,
    } {sc.loop_unroll_factor = 8 : i64, sc.parallel_access}
    %parallel_loop3A_621 = arith.constant 0 : i32
    %parallel_loop3A_622 = arith.constant 320 : i32
    %parallel_loop3A_623 = arith.constant 1 : i32
    scf.for %parallel_loop3A_627 = %parallel_loop3A_621 to %parallel_loop3A_622 step %parallel_loop3A_623  : i32 {
      %parallel_loop3A_628 = arith.index_cast %parallel_loop3A_627 : i32 to index
      %parallel_loop3A_629 = arith.constant 0 : index
      %parallel_loop3A_630 = tpu.vector_load %arg12[%parallel_loop3A_628, %parallel_loop3A_629] {strides = array<i32>} : memref<320x32xf32, #tpu.memory_space<vmem>>, vector<16xf32>,
      %parallel_loop3A_631 = arith.index_cast %parallel_loop3A_627 : i32 to index
      %parallel_loop3A_632 = arith.constant 16 : index
      %parallel_loop3A_633 = tpu.vector_load %arg12[%parallel_loop3A_631, %parallel_loop3A_632] {strides = array<i32>} : memref<320x32xf32, #tpu.memory_space<vmem>>, vector<16xf32>,
      %parallel_loop3A_634 = vector.extract_strided_slice %parallel_loop3A_633 {offsets = [0], sizes = [1], strides = [1]} : vector<16xf32> to vector<1xf32>
      %parallel_loop3A_635 = vector.extract %parallel_loop3A_634[0] : f32 from vector<1xf32>
      %parallel_loop3A_636 = vector.broadcast %parallel_loop3A_635 : f32 to vector<16xf32>
      %parallel_loop3A_637 = vector.extract_strided_slice %parallel_loop3A_633 {offsets = [1], sizes = [1], strides = [1]} : vector<16xf32> to vector<1xf32>
      %parallel_loop3A_638 = vector.extract %parallel_loop3A_637[0] : f32 from vector<1xf32>
      %parallel_loop3A_639 = vector.broadcast %parallel_loop3A_638 : f32 to vector<16xf32>
      %parallel_loop3A_640 = arith.constant 6.81818199 : f32
      %parallel_loop3A_641 = vector.broadcast %parallel_loop3A_640 : f32 to vector<16xf32>
      %parallel_loop3A_642 = arith.mulf %parallel_loop3A_630, %parallel_loop3A_641 : vector<16xf32>
      %parallel_loop3A_643 = arith.constant 8.000000e+00 : f32
      %parallel_loop3A_644 = vector.broadcast %parallel_loop3A_643 : f32 to vector<16xf32>
      %parallel_loop3A_645 = arith.addf %parallel_loop3A_642, %parallel_loop3A_644 : vector<16xf32>
      %parallel_loop3A_646 = arith.constant 0.000000e+00 : f32
      %parallel_loop3A_647 = vector.broadcast %parallel_loop3A_646 : f32 to vector<16xf32>
      %parallel_loop3A_648 = arith.maximumf %parallel_loop3A_645, %parallel_loop3A_647 : vector<16xf32>
      %parallel_loop3A_649 = arith.constant 1.500000e+01 : f32
      %parallel_loop3A_650 = vector.broadcast %parallel_loop3A_649 : f32 to vector<16xf32>
      %parallel_loop3A_651 = arith.minimumf %parallel_loop3A_648, %parallel_loop3A_650 : vector<16xf32>
      %parallel_loop3A_652 = arith.fptosi %parallel_loop3A_651 : vector<16xf32> to vector<16xi32>
      %parallel_loop3A_653 = arith.sitofp %parallel_loop3A_652 : vector<16xi32> to vector<16xf32>
      %parallel_loop3A_654 = arith.constant -73.3333359 : f32
      %parallel_loop3A_655 = vector.broadcast %parallel_loop3A_654 : f32 to vector<16xf32>
      %parallel_loop3A_656 = arith.mulf %parallel_loop3A_653, %parallel_loop3A_655 : vector<16xf32>
      %parallel_loop3A_657 = arith.constant 5.000000e+02 : f32
      %parallel_loop3A_658 = vector.broadcast %parallel_loop3A_657 : f32 to vector<16xf32>
      %parallel_loop3A_659 = arith.mulf %parallel_loop3A_630, %parallel_loop3A_658 : vector<16xf32>
      %parallel_loop3A_660 = arith.constant 5.500000e+02 : f32
      %parallel_loop3A_661 = vector.broadcast %parallel_loop3A_660 : f32 to vector<16xf32>
      %parallel_loop3A_662 = arith.addf %parallel_loop3A_659, %parallel_loop3A_661 : vector<16xf32>
      %parallel_loop3A_663 = arith.addf %parallel_loop3A_656, %parallel_loop3A_662 : vector<16xf32>
      %parallel_loop3A_664 = arith.constant 3.000000e+01 : f32
      %parallel_loop3A_665 = vector.broadcast %parallel_loop3A_664 : f32 to vector<16xf32>
      %parallel_loop3A_666 = arith.minimumf %parallel_loop3A_663, %parallel_loop3A_665 : vector<16xf32>
      %parallel_loop3A_667 = math.exp %parallel_loop3A_666 : vector<16xf32>
      %parallel_loop3A_668 = arith.constant 1.000000e+00 : f32
      %parallel_loop3A_669 = vector.broadcast %parallel_loop3A_668 : f32 to vector<16xf32>
      %parallel_loop3A_670 = arith.addf %parallel_loop3A_669, %parallel_loop3A_667 : vector<16xf32>
      %parallel_loop3A_671 = arith.divf %parallel_loop3A_636, %parallel_loop3A_670 : vector<16xf32>
      %parallel_loop3A_672 = arith.fptosi %parallel_loop3A_639 : vector<16xf32> to vector<16xi32>
      %parallel_loop3A_673 = arith.constant 16 : i32
      %parallel_loop3A_674 = vector.broadcast %parallel_loop3A_673 : i32 to vector<16xi32>
      %parallel_loop3A_675 = arith.muli %parallel_loop3A_652, %parallel_loop3A_674 : vector<16xi32>
      %parallel_loop3A_676 = arith.addi %parallel_loop3A_672, %parallel_loop3A_675 : vector<16xi32>
      %parallel_loop3A_677 = arith.addi %parallel_loop3A_676, %iota3A : vector<16xi32>
      tpu.vector_store_idx %arg6[%parallel_loop3A_677], %parallel_loop3A_671 {add = true} : memref<4096xf32, #tpu.memory_space<vmem>>[vector<16xi32>], vector<16xf32>,
      %parallel_loop3A_678 = arith.constant 2048 : i32
      %parallel_loop3A_679 = vector.broadcast %parallel_loop3A_678 : i32 to vector<16xi32>
      %parallel_loop3A_680 = arith.addi %parallel_loop3A_677, %parallel_loop3A_679 : vector<16xi32>
      tpu.vector_store_idx %arg6[%parallel_loop3A_680], %parallel_loop3A_636 {add = true} : memref<4096xf32, #tpu.memory_space<vmem>>[vector<16xi32>], vector<16xf32>,
    } {sc.loop_unroll_factor = 8 : i64, sc.parallel_access}
    %parallel_loop3A_624 = arith.constant 0 : i32
    %parallel_loop3A_625 = arith.constant 256 : i32
    %parallel_loop3A_626 = arith.constant 1 : i32
    scf.for %parallel_loop3A_627 = %parallel_loop3A_624 to %parallel_loop3A_625 step %parallel_loop3A_626  : i32 {
      %parallel_loop3A_628 = arith.constant 16 : i32
      %parallel_loop3A_629 = arith.muli %parallel_loop3A_627, %parallel_loop3A_628 : i32
      %parallel_loop3A_630 = arith.index_cast %parallel_loop3A_629 : i32 to index
      %parallel_loop3A_631 = tpu.vector_load %arg6[%parallel_loop3A_630] {strides = array<i32>} : memref<4096xf32, #tpu.memory_space<vmem>>, vector<16xf32>,
      %parallel_loop3A_632 = arith.index_cast %parallel_loop3A_627 : i32 to index
      %parallel_loop3A_633 = arith.constant 0 : index
      %parallel_loop3A_634 = tpu.vector_load %arg7[%parallel_loop3A_632, %parallel_loop3A_633] {strides = array<i32>} : memref<256x16xf32, #tpu.memory_space<vmem>>, vector<16xf32>,
      tpu.vector_store %arg7[%parallel_loop3A_632, %parallel_loop3A_633], %parallel_loop3A_631 {strides = array<i32>} : memref<256x16xf32, #tpu.memory_space<vmem>>, vector<16xf32>,
    } {sc.loop_unroll_factor = 8 : i64, sc.parallel_access}
    "tpu.region"() ({
      %run_scoped3A = tpu.sem_alloc : memref<!tpu.dma_semaphore, #tpu.memory_space<semaphore_mem>>
      %dma_start3A_627 = arith.constant 0 : i32
      %dma_start3A_628 = arith.constant 0 : i32
      %dma_start3A_629 = tpu.memref_slice %arg5[%add3A, %dma_start3A_627, %dma_start3A_628] : memref<32x256x16xf32, #tpu.memory_space<hbm>> -> memref<1x256x16xf32, #tpu.memory_space<hbm>>
      %dma_start3A_630 = tpu.memref_squeeze %dma_start3A_629 : memref<1x256x16xf32, #tpu.memory_space<hbm>> -> memref<256x16xf32, #tpu.memory_space<hbm>>
      %dma_start3A_631 = arith.constant 0 : i32
      %dma_start3A_632 = arith.constant 0 : i32
      %dma_start3A_633 = tpu.memref_slice %arg5[%add3A, %dma_start3A_631, %dma_start3A_632] : memref<32x256x16xf32, #tpu.memory_space<hbm>> -> memref<1x256x16xf32, #tpu.memory_space<hbm>>
      %dma_start3A_634 = tpu.memref_squeeze %dma_start3A_633 : memref<1x256x16xf32, #tpu.memory_space<hbm>> -> memref<256x16xf32, #tpu.memory_space<hbm>>
      tpu.enqueue_dma source(%arg7 : memref<256x16xf32, #tpu.memory_space<vmem>>) target(%dma_start3A_634 : memref<256x16xf32, #tpu.memory_space<hbm>>) target_semaphore(%run_scoped3A : memref<!tpu.dma_semaphore, #tpu.memory_space<semaphore_mem>>)
      %dma_wait3A_635 = arith.constant 0 : i32
      %dma_wait3A_636 = arith.constant 0 : i32
      %dma_wait3A_637 = tpu.memref_slice %arg5[%add3A, %dma_wait3A_635, %dma_wait3A_636] : memref<32x256x16xf32, #tpu.memory_space<hbm>> -> memref<1x256x16xf32, #tpu.memory_space<hbm>>
      %dma_wait3A_638 = tpu.memref_squeeze %dma_wait3A_637 : memref<1x256x16xf32, #tpu.memory_space<hbm>> -> memref<256x16xf32, #tpu.memory_space<hbm>>
      %dma_wait3A_639 = arith.constant 0 : i32
      %dma_wait3A_640 = arith.constant 0 : i32
      %dma_wait3A_641 = tpu.memref_slice %arg5[%add3A, %dma_wait3A_639, %dma_wait3A_640] : memref<32x256x16xf32, #tpu.memory_space<hbm>> -> memref<1x256x16xf32, #tpu.memory_space<hbm>>
      %dma_wait3A_642 = tpu.memref_squeeze %dma_wait3A_641 : memref<1x256x16xf32, #tpu.memory_space<hbm>> -> memref<256x16xf32, #tpu.memory_space<hbm>>
      tpu.wait_dma2 semaphore(%run_scoped3A : memref<!tpu.dma_semaphore, #tpu.memory_space<semaphore_mem>>) src(%arg7 : memref<256x16xf32, #tpu.memory_space<vmem>>) dst(%dma_wait3A_642 : memref<256x16xf32, #tpu.memory_space<hbm>>)
      tpu.yield
    }) : () -> ()
    return
  }
}

module attributes {stable_mosaic.version = 14 : i64} {
  func.func @_pack_body(%arg0: memref<10000x3xf32, #tpu.memory_space<vmem>>, %arg1: memref<3x16xf32, #tpu.memory_space<vmem>>, %arg2: memref<10000x1xf32, #tpu.memory_space<vmem>>, %arg3: memref<10000x1xi32, #tpu.memory_space<vmem>>, %arg4: memref<10240x32xf32, #tpu.memory_space<vmem>>) attributes {dimension_semantics = [], scalar_prefetch = 0 : i64, scratch_operands = 0 : i64, tpu.core_type = #tpu.core_type<tc>} {
    %get3A = arith.constant 0 : index
    %get3A_0 = arith.constant 0 : index
    %get3A_1 = vector.load %arg0[%get3A, %get3A_0] : memref<10000x3xf32, #tpu.memory_space<vmem>>, vector<10000x3xf32>
    %get3A_2 = arith.constant 0 : index
    %get3A_3 = arith.constant 0 : index
    %get3A_4 = vector.load %arg1[%get3A_2, %get3A_3] : memref<3x16xf32, #tpu.memory_space<vmem>>, vector<3x16xf32>
    %dot_general3A = arith.constant dense<0.000000e+00> : vector<10000x16xf32>
    %dot_general3A_5 = tpu.matmul %get3A_1, %get3A_4, %dot_general3A {dimension_numbers = #tpu.dot_dimension_numbers<[1], [0], [0], [1], [0, 0, 1, 1], [], []>, transpose_lhs_hint = false} : vector<10000x3xf32>, vector<3x16xf32>, vector<10000x16xf32> -> vector<10000x16xf32>
    %get3A_6 = arith.constant 0 : index
    %get3A_7 = arith.constant 0 : index
    %get3A_8 = vector.load %arg2[%get3A_6, %get3A_7] : memref<10000x1xf32, #tpu.memory_space<vmem>>, vector<10000x1xf32>
    %get3A_9 = arith.constant 0 : index
    %get3A_10 = arith.constant 0 : index
    %get3A_11 = vector.load %arg3[%get3A_9, %get3A_10] : memref<10000x1xi32, #tpu.memory_space<vmem>>, vector<10000x1xi32>
    %convert_element_type3A = arith.sitofp %get3A_11 : vector<10000x1xi32> to vector<10000x1xf32>
    %mul3A = arith.constant 2.560000e+02 : f32
    %mul3A_12 = vector.broadcast %mul3A : f32 to vector<10000x1xf32>
    %mul3A_13 = arith.mulf %convert_element_type3A, %mul3A_12 : vector<10000x1xf32>
    %broadcast_in_dim3A = arith.constant 0.000000e+00 : f32
    %broadcast_in_dim3A_14 = vector.broadcast %broadcast_in_dim3A : f32 to vector<10000x14xf32>
    %concatenate3A = tpu.concatenate %dot_general3A_5, %get3A_8, %mul3A_13, %broadcast_in_dim3A_14 in 1 : vector<10000x16xf32>, vector<10000x1xf32>, vector<10000x1xf32>, vector<10000x14xf32> -> vector<10000x32xf32>
    %swap3A = arith.constant 0 : index
    %swap3A_15 = arith.constant 0 : index
    %swap3A_16 = vector.load %arg4[%swap3A, %swap3A_15] : memref<10240x32xf32, #tpu.memory_space<vmem>>, vector<10000x32xf32>
    tpu.vector_store %arg4[%swap3A, %swap3A_15], %concatenate3A {strides = array<i32>} : memref<10240x32xf32, #tpu.memory_space<vmem>>, vector<10000x32xf32>,
    %broadcast_in_dim3A_17 = arith.constant 0.000000e+00 : f32
    %broadcast_in_dim3A_18 = vector.broadcast %broadcast_in_dim3A_17 : f32 to vector<240x32xf32>
    %swap3A_19 = arith.constant 10000 : index
    %swap3A_20 = arith.constant 0 : index
    %swap3A_21 = vector.load %arg4[%swap3A_19, %swap3A_20] : memref<10240x32xf32, #tpu.memory_space<vmem>>, vector<240x32xf32>
    tpu.vector_store %arg4[%swap3A_19, %swap3A_20], %broadcast_in_dim3A_18 {strides = array<i32>} : memref<10240x32xf32, #tpu.memory_space<vmem>>, vector<240x32xf32>,
    return
  }
}

module attributes {stable_mosaic.version = 14 : i64} {
  func.func @_fin_body(%arg0: memref<32x256x16xf32, #tpu.memory_space<vmem>>, %arg1: memref<128x16xf32, #tpu.memory_space<vmem>>) attributes {dimension_semantics = [], scalar_prefetch = 0 : i64, scratch_operands = 0 : i64, tpu.core_type = #tpu.core_type<tc>} {
    %get3A = arith.constant 0 : index
    %get3A_0 = arith.constant 0 : index
    %get3A_1 = arith.constant 0 : index
    %get3A_2 = vector.load %arg0[%get3A, %get3A_0, %get3A_1] : memref<32x256x16xf32, #tpu.memory_space<vmem>>, vector<32x256x16xf32>
    %reduce_sum3A = arith.constant dense<0.000000e+00> : vector<256x16xf32>
    %reduce_sum3A_3 = vector.multi_reduction <add>, %get3A_2, %reduce_sum3A [0] : vector<32x256x16xf32> to vector<256x16xf32>
    %slice3A = vector.extract_strided_slice %reduce_sum3A_3 {offsets = [0, 0], sizes = [128, 16], strides = [1, 1]} : vector<256x16xf32> to vector<128x16xf32>
    %slice3A_4 = vector.extract_strided_slice %reduce_sum3A_3 {offsets = [128, 0], sizes = [128, 16], strides = [1, 1]} : vector<256x16xf32> to vector<128x16xf32>
    %iota3A = tpu.iota {dimensions = array<i32: 0>} : vector<128x128xi32>
    %iota3A_5 = tpu.iota {dimensions = array<i32: 1>} : vector<128x128xi32>
    %shift_right_arithmetic3A = arith.constant 4 : i32
    %shift_right_arithmetic3A_6 = vector.broadcast %shift_right_arithmetic3A : i32 to vector<128x128xi32>
    %shift_right_arithmetic3A_7 = arith.shrsi %iota3A, %shift_right_arithmetic3A_6 : vector<128x128xi32>
    %shift_right_arithmetic3A_8 = arith.constant 4 : i32
    %shift_right_arithmetic3A_9 = vector.broadcast %shift_right_arithmetic3A_8 : i32 to vector<128x128xi32>
    %shift_right_arithmetic3A_10 = arith.shrsi %iota3A_5, %shift_right_arithmetic3A_9 : vector<128x128xi32>
    %eq3A = arith.cmpi eq, %shift_right_arithmetic3A_7, %shift_right_arithmetic3A_10 : vector<128x128xi32>
    %and3A = arith.constant 15 : i32
    %and3A_11 = vector.broadcast %and3A : i32 to vector<128x128xi32>
    %and3A_12 = arith.andi %iota3A_5, %and3A_11 : vector<128x128xi32>
    %and3A_13 = arith.constant 15 : i32
    %and3A_14 = vector.broadcast %and3A_13 : i32 to vector<128x128xi32>
    %and3A_15 = arith.andi %iota3A, %and3A_14 : vector<128x128xi32>
    %lt3A = arith.cmpi slt, %and3A_12, %and3A_15 : vector<128x128xi32>
    %and3A_16 = arith.andi %eq3A, %lt3A : vector<128x128xi1>
    %convert_element_type3A = arith.extui %and3A_16 : vector<128x128xi1> to vector<128x128xi32>
    %convert_element_type3A_17 = arith.sitofp %convert_element_type3A : vector<128x128xi32> to vector<128x128xf32>
    %dot_general3A = arith.constant dense<0.000000e+00> : vector<128x16xf32>
    %dot_general3A_18 = tpu.matmul %convert_element_type3A_17, %slice3A_4, %dot_general3A {dimension_numbers = #tpu.dot_dimension_numbers<[1], [0], [0], [1], [0, 0, 1, 1], [], []>, transpose_lhs_hint = false} : vector<128x128xf32>, vector<128x16xf32>, vector<128x16xf32> -> vector<128x16xf32>
    %add3A = arith.addf %slice3A, %dot_general3A_18 : vector<128x16xf32>
    %swap3A = arith.constant 0 : index
    %swap3A_19 = arith.constant 0 : index
    %swap3A_20 = vector.load %arg1[%swap3A, %swap3A_19] : memref<128x16xf32, #tpu.memory_space<vmem>>, vector<128x16xf32>
    tpu.vector_store %arg1[%swap3A, %swap3A_19], %add3A {strides = array<i32>} : memref<128x16xf32, #tpu.memory_space<vmem>>, vector<128x16xf32>,
    return
  }
}

</mosaic_0001>

<sc_bundles>
// kernel: kernel.5.cloned.1.call-start
scs
__scs_entry_jumppad:
0x0: {  	(pc) =	sbr.rel $0x88, $3  }
0x1: {  	(tag) =	ssettag $0x0;
	lr =	simm.s32 $0x1  }
0x2: {  	[smem:$0x3F9B] =	sst lr;
	_ =	strace $0xD0000000  }
0x3: {  	_ = 	snop  }
0x4: {  	_ = 	snop  }
0x5: {  	_ = 	snop  }
0x6: {  	_ = 	snop  }
0x7: {  	_ = 	snop  }
__scs_overlays_trampoline_lowered:
0x8: {  	[smem:$0x3FAA] =	sst s0  }
0x9: {  	[smem:$0x3FAB] =	sst s1  }
0xa: {  	[smem:$0x3FAC] =	sst s2  }
0xb: {  	[smem:$0x3FAD] =	sst s3  }
0xc: {  	[smem:$0x3FAE] =	sst s4  }
0xd: {  	[smem:$0x3FAF] =	sst s5  }
0xe: {  	[smem:$0x3FB0] =	sst s6  }
0xf: {  	[smem:$0x3FB1] =	sst s7  }
0x10: {  	[smem:$0x3FB2] =	sst s8  }
0x11: {  	[smem:$0x3FB3] =	sst s9;
	s0 =	simm.s32 @!p0 $0x0  }
0x12: {  	s1 =	sld [smem:$0x3F99];
	s0 =	simm.s32 @p0 $0x1  }
0x13: {  	[smem:$0x3FB4] =	sst s0;
	s0 =	simm.s32 @!p1 $0x0  }
0x14: {  	s2 =	sld [smem:$0x3F98];
	s0 =	simm.s32 @p1 $0x1  }
0x15: {  	[smem:$0x3FB5] =	sst s0;
	s0 =	simm.s32 @!p2 $0x0  }
0x16: {  	s3 =	sld [smem:$0x3FDB];
	s0 =	simm.s32 @p2 $0x1  }
0x17: {  	s4 =	simm.s32 $0x1BF5;
	[smem:$0x3FB7] =	sst s0  }
0x18: {  	s0 =	sld [smem:$0x3F9A];
	_ =	swait.ge [sflag:s4], $0x0  }
0x19: {  	s7 =	sld [smem:$0x3F9B]  }
0x1a: {  	s8 =	sadd.s32 $0xFFFFE003, lr  }
0x1b: {  	s9 =	sadd.s32 $0xFFFFFEF7, lr;
	s5 =	simm.s32 $0xFFFFFFFF;
	p2 =	slt.u32 s8, $0xFFFFF086  }
0x1c: {  	p1 =	slt.u32 s9, $0xF7A;
	s5 =	simm.s32 @!p2 $0x0  }
0x1d: {  	s5 =	simm.s32 @p1 $0x1;
	p0 =	seq.s32 s7, s2  }
0x1e: {  	s7 =	smul.u32 @!p0 $0xF7A, s2;
	p2 =	seq.s32 @!p0 s5, $0x0  }
0x1f: {  	s9 =	smul.u32 $0xF7A, s1;
	s8 =	simm.s32 @!p0 $0x1BF5;
	p2 =	por !p2, p0  }
0x20: {  	[sflag:s8] =	ssyncset.s32 @!p0 $0xFFFFF086;
	s6 =	sadd.s32 @!p0 s3, s7;
	s7 =	simm.s32 @!p0 $0x108  }
0x21: {  	s3 =	sadd.s32 s3, s9;
	s6 =	sadd.s32 @!p0 $0x88, s6;
	s7 =	simm.s32 @p2 $0x1082  }
0x22: {  	[simem:s7], [sflag:s8] =	dma.local @!p0 [hbm:s6], $0xF7A  }
0x23: {  	s9 =	sor.u32 $0xD0000000, s2;
	s6 =	simm.s32 $0x108;
	_ =	swait.ge @!p0 [sflag:s8], $0x0  }
0x24: {  	s3 =	sadd.s32 $0x88, s3;
	s6 =	simm.s32 @!p1 $0x1082;
	[sflag:s4] =	ssyncset.s32 $0xFFFFF086  }
0x25: {  	[simem:s6], [sflag:s4] =	dma.local [hbm:s3], $0xF7A  }
0x26: {  	[smem:$0x3F9B] =	sst s1;
	(tag) =	ssettag s2;
	_ =	strace s9  }
0x27: {  	s1 =	sld [smem:$0x3FAB]  }
0x28: {  	s2 =	sld [smem:$0x3FAC]  }
0x29: {  	s4 =	sld [smem:$0x3FAE]  }
0x2a: {  	p0 =	seq.s32 s5, $0x0;
	s5 =	sld [smem:$0x3FAF]  }
0x2b: {  	s6 =	sld [smem:$0x3FB0]  }
0x2c: {  	s7 =	sld [smem:$0x3FB1]  }
0x2d: {  	s3 =	simm.s32 $0x108;
	s8 =	sld [smem:$0x3FB2]  }
0x2e: {  	s3 =	simm.s32 @!p0 $0x1082;
	s9 =	sld [smem:$0x3FB3]  }
0x2f: {  	lr =	sadd.s32 s0, s3;
	s0 =	sld [smem:$0x3FAA]  }
0x30: {  	s3 =	sld [smem:$0x3FAD]  }
0x31: {  	[smem:$0x3FB6] =	sst s10  }
0x32: {  	s10 =	sld [smem:$0x3FB4];
	_ =	sdelay $0x3  }
0x33: {  	p0 =	seq.s32 s10, $0x1;
	s10 =	sld [smem:$0x3FB6];
	_ =	sdelay $0x3  }
0x34: {  	[smem:$0x3FB6] =	sst s10  }
0x35: {  	s10 =	sld [smem:$0x3FB5];
	_ =	sdelay $0x3  }
0x36: {  	p1 =	seq.s32 s10, $0x1;
	s10 =	sld [smem:$0x3FB6];
	_ =	sdelay $0x3  }
0x37: {  	[smem:$0x3FB6] =	sst s10  }
0x38: {  	s10 =	sld [smem:$0x3FB7]  }
0x39: {  	_ = 	snop;
	(pc) =	sbr.ind lr, $3  }
0x3a: {  	_ = 	snop  }
0x3b: {  	_ = 	snop  }
0x3c: {  	p2 =	seq.s32 s10, $0x1;
	s10 =	sld [smem:$0x3FB6]  }
0x3d: {  	_ =	shalt  }
0x3e: {  	_ =	shalt  }
0x3f: {  	_ =	shalt  }
0x40: {  	_ =	shalt  }
0x41: {  	_ =	shalt  }
0x42: {  	_ =	shalt  }
0x43: {  	_ =	shalt  }
0x44: {  	_ =	shalt  }
0x45: {  	_ =	shalt  }
0x46: {  	_ =	shalt  }
0x47: {  	_ =	shalt  }
0x48: {  	_ =	shalt  }
0x49: {  	_ =	shalt  }
0x4a: {  	_ =	shalt  }
0x4b: {  	_ =	shalt  }
0x4c: {  	_ =	shalt  }
0x4d: {  	_ =	shalt  }
0x4e: {  	_ =	shalt  }
0x4f: {  	_ =	shalt  }
0x50: {  	_ =	shalt  }
0x51: {  	_ =	shalt  }
0x52: {  	_ =	shalt  }
0x53: {  	_ =	shalt  }
0x54: {  	_ =	shalt  }
0x55: {  	_ =	shalt  }
0x56: {  	_ =	shalt  }
0x57: {  	_ =	shalt  }
0x58: {  	_ =	shalt  }
0x59: {  	_ =	shalt  }
0x5a: {  	_ =	shalt  }
0x5b: {  	_ =	shalt  }
0x5c: {  	_ =	shalt  }
0x5d: {  	_ =	shalt  }
0x5e: {  	_ =	shalt  }
0x5f: {  	_ =	shalt  }
0x60: {  	_ =	shalt  }
0x61: {  	_ =	shalt  }
0x62: {  	_ =	shalt  }
0x63: {  	_ =	shalt  }
0x64: {  	_ =	shalt  }
0x65: {  	_ =	shalt  }
0x66: {  	_ =	shalt  }
0x67: {  	_ =	shalt  }
0x68: {  	_ =	shalt  }
0x69: {  	_ =	shalt  }
0x6a: {  	_ =	shalt  }
0x6b: {  	_ =	shalt  }
0x6c: {  	_ =	shalt  }
0x6d: {  	_ =	shalt  }
0x6e: {  	_ =	shalt  }
0x6f: {  	_ =	shalt  }
0x70: {  	_ =	shalt  }
0x71: {  	_ =	shalt  }
0x72: {  	_ =	shalt  }
0x73: {  	_ =	shalt  }
0x74: {  	_ =	shalt  }
0x75: {  	_ =	shalt  }
0x76: {  	_ =	shalt  }
0x77: {  	_ =	shalt  }
0x78: {  	_ =	shalt  }
0x79: {  	_ =	shalt  }
0x7a: {  	_ =	shalt  }
0x7b: {  	_ =	shalt  }
0x7c: {  	_ =	shalt  }
0x7d: {  	_ =	shalt  }
0x7e: {  	_ =	shalt  }
0x7f: {  	_ =	shalt  }
0x80: {  	_ =	shalt  }
0x81: {  	_ =	shalt  }
0x82: {  	_ =	shalt  }
0x83: {  	_ =	shalt  }
0x84: {  	_ =	shalt  }
0x85: {  	_ =	shalt  }
0x86: {  	_ =	shalt  }
0x87: {  	_ =	shalt  }
.Lfunc_end0:
.L_simem_size_0:
called_computation_lowered:
.L_overlay_start_0:
0x88: {  	s2 =	sld [smem:$0x3FD9]  }
0x89: {  	s3 =	sld [smem:$0x3FFE];
	_ =	sdelay $0x1  }
0x8a: {  	s1 =	srdreg.scid  }
0x8b: {  	s0 =	sand.u32 $0x1, s1  }
0x8c: {  	s16 =	sshll.u32 s0, $0xA;
	s2 =	sadd.s32 s3, s2  }
0x8d: {  	s2 =	sadd.s32 s2, s16  }
0x8e: {  	[smem:$0x3FC2] =	sst s2  }
0x8f: {  	_ = 	snop  }
0x90: {  	(tm) =	ssettm $0x1  }
0x91: {  	s17 =	sld [smem:$0x3FFB];
	_ =	sdelay $0x3  }
0x92: {  	_ =	strace s17  }
0x93: {  	s2 =	sld [smem:$0x3FFC];
	_ =	sdelay $0x3  }
0x94: {  	_ =	strace s2  }
0x95: {  	s2 =	sld [smem:$0x3FFD];
	_ =	sdelay $0x3  }
0x96: {  	_ =	strace s2  }
0x97: {  	_ =	strace $0x8FFFFFFF  }
0x98: {  	s18 =	sld [smem:$0x3FDB];
	_ =	sdelay $0x1  }
0x99: {  	s19 =	simm.s32 $_scs_section_size  }
0x9a: {  	s4 =	simm.s32 $_size__tile_overlayer_lowered;
	s5 =	simm.s32 $_tile_overlayer_lowered  }
0x9b: {  	s22 =	simm.s32 $0x1BFF;
	s21 =	sshll.u32 s5, $0x1;
	s2 =	sadd.s32 s19, s18  }
0x9c: {  	s6 =	simm.s32 $0x0;
	s20 =	sshll.u32 s4, $0x1;
	s4 =	sadd.s32 s21, s2  }
0x9d: {  	[timem:s6], [sflag:s22] =	dma.local [hbm:s4], s20  }
0x9e: {  	_ =	swait.ge [sflag:s22], s20  }
0x9f: {  	s3 =	ssub.s32 $0x0, s20;
	[sflag:s22] =	ssyncset.done $0x0  }
0xa0: {  	[sflag:s22] =	ssyncadd.s32 s3;
	_ =	sdelay $0x1  }
0xa1: {  	s23 =	simm.s32 $0x1B8B  }
0xa2: {  	_ =	swait.ge [sflag:s23], $0x1  }
0xa3: {  	[sflag:s23] =	ssyncset.done $0x0  }
0xa4: {  	s25 =	simm.s32 $0x1B8E;
	s24 =	sld [smem:$0x3FFE];
	[sflag:s23] =	ssyncadd.s32 $0xFFFFFFFF  }
0xa5: {  	s26 =	simm.s32 $execute0_lowered;
	[smem:$0x3FD2] =	sst s25  }
0xa6: {  	s4 =	sshll.u32 s26, $0x1;
	_ =	strace $0x80000046;
	[dreg:$0x1] =	wrdreg $0xFFFFFFFF  }
0xa7: {  	s28 =	simm.s32 $_size_execute0_lowered;
	s2 =	sadd.s32 s2, s4;
	[dreg:$0x0] =	wrdreg $0x0  }
0xa8: {  	s4 =	sshll.u32 s28, $0x1;
	[dreg:$0x2] =	wrdreg s2  }
0xa9: {  	[dreg:$0x3] =	wrdreg s4  }
0xaa: {  	[dreg:$0x4] =	wrdreg $0xC0  }
0xab: {  	_ =	task [dreg:s6], $0x5FFFF  }
0xac: {  	[dreg:$0x1] =	wrdreg $0xFFFFFFFF  }
0xad: {  	[dreg:$0x0] =	wrdreg $0x60  }
0xae: {  	[dreg:$0x2] =	wrdreg s24  }
0xaf: {  	[dreg:$0x3] =	wrdreg $0x9  }
0xb0: {  	_ =	task.clear_ibuf [dreg:s6], $0x4FFFF;
	_ =	strace $0x90000046  }
0xb1: {  	s29 =	simm.s32 $0x9;
	_ =	strace $0x80000048  }
0xb2: {  	_ =	swait.ge [sflag:s29], $0x1  }
0xb3: {  	[sflag:s29] =	ssyncadd.s32 $0xFFFFFFFF  }
0xb4: {  	_ =	strace $0x90000048  }
0xb5: {  	_ =	sfence  }
0xb6: {  	s30 =	sld [smem:$0x0];
	_ =	sdelay $0x2  }
0xb7: {  	s31 =	sshll.u32 s1, $0xD;
	s1 =	sshrl.u32 s1, $0x2  }
0xb8: {  	s3 =	sand.u32 $0x4000, s31;
	s1 =	sadd.s32 s1, s30  }
0xb9: {  	s0 =	sor.u32 s3, s0;
	s1 =	sshll.u32 s1, $0x11  }
0xba: {  	s0 =	sor.u32 s1, s0  }
0xbb: {  	s0 =	sadd.s32 $0x8F2B, s0  }
0xbc: {  	[sflag:s0] =	ssyncadd.remote.s32 $0x1  }
0xbd: {  	_ =	sfence.sel $0xFFFF  }
0xbe: {  	[dreg:$0x0] =	wrdreg $0xFFFFFFFF;
	(pc) =	sbr.abs _section_cstart, $3  }
0xbf: {  	[dreg:$0x1] =	wrdreg $0xFFFFFFFF  }
0xc0: {  	_ =	task.clear_ibuf [dreg:s6], $0x2FFFF;
	_ =	strace $0x9FFFFFFF  }
0xc1: {  	(tm) =	ssettm $0x7FFFFFFF  }
tec
execute0_lowered:
.L_overlay_start_1:
0x0: {  	(tag) =	ssettag $0x1  }
0x1: {  	s0 =	rddreg [dreg:$0x0];
	s2 =	simm.s32 $0x0;
	s1 =	srdreg.scid  }
0x2: {  	s3 =	stileid.u32;
	s24 =	simm.s32 $0x18080;
	s29 =	simm.s32 $0x19480  }
0x3: {  	s18 =	simm.s32 $0x1;
	s19 =	simm.s32 $0x7D;
	s22 =	simm.s32 $0xCBE0  }
0x4: {  	s31 =	simm.s32 $0x11A00;
	s12 =	simm.s32 $0xDB80;
	s13 =	simm.s32 $0x129A0  }
0x5: {  	s14 =	simm.s32 $0xEB20;
	s15 =	simm.s32 $0x13940;
	s16 =	simm.s32 $0xFAC0  }
0x6: {  	s20 =	simm.s32 $0x148E0;
	s21 =	simm.s32 $0x2;
	s23 =	simm.s32 $0x3  }
0x7: {  	s25 =	simm.s32 $0x4;
	s1 =	sand.u32 $0x1, s1;
	s3 =	sshll.u32 s3, $0x1  }
0x8: {  	s28 =	simm.s32 $0x0;
	[smem:$0x7FF] =	sst s2;
	s6 =	sor.u32 s1, s3  }
0x9: {  	s5 =	sadd.s32 $0xAE00, s0;
	s9 =	sadd.s32 $0x14E00, s0;
	s7 =	smul.u32 $0x280, s6  }
0xa: {  	_ =	strace $0x80000047;
	s3 =	sadd.s32 $0xE00, s0;
	s8 =	smul.u32 $0x1400, s6  }
0xb: {  	s1 =	ssub.s32 $0x2, s1;
	s4 =	sshll.u32 s6, $0x9;
	s30 =	smul.u32 $0x50, s6  }
0xc: {  	s26 =	sshrl.u32 s1, $0x1;
	s11 =	smul.u32 $0x500, s6;
	s0 =	sadd.s32 s4, s0  }
0xd: {  	s1 =	ssub.s32 s1, s26;
	s26 =	simm.s32 $0x10A60;
	s4 =	sadd.s32 s5, s7  }
0xe: {  	s8 =	sshrl.u32 s8, $0x3;
	s7 =	sshrl.u32 s7, $0x3;
	s6 =	sadd.s32 s9, s30  }
0xf: {  	s5 =	sadd.s32 s5, s8;
	s10 =	sadd.s32 s9, s7;
	s9 =	sadd.s32 s3, s11  }
0x10: {  	v0 =	vlaneseq.u32;
	s11 =	smax.u32 s1, $0x1;
	s1 =	simm.s32 $0xBC40;
	s5 =	sadd.s32 $0x5000, s5  }
0x11: {  	v1 =	vimm.f32 $0.0e+00;
	v2 =	vor.u32 $0x800, v0;
	s7 =	sadd.s32 $0xA00, s10;
	s8 =	sadd.s32 $0x1400, s10;
	s10 =	sadd.s32 $0x16C00, s0  }
.LBB2_1:
0x12: {  	[tilespmem:s24], [sflag:$0x1] =	stream.linear.gather [hbm4b:s4+s2], $0x1400, $0x38;
	[tilespmem:$0x1B000] =	vst v63  }
0x13: {  	_ = 	snop  }
0x14: {  	[tilespmem:s29], [sflag:$0x1] =	stream.linear.gather [hbm4b:s5+s2], $0x1400, $0x38;
	[tilespmem:$0x1B000] =	vst v63  }
0x15: {  	s0 =	simm.s32 $0x1A880  }
0x16: {  	[tilespmem:s0], [sflag:$0x1] =	stream.linear.gather [hbm4b:s6+s2], $0x280, $0x38;
	[tilespmem:$0x1B000] =	vst v63  }
0x17: {  	s30 =	simm.s32 $0x1AB00  }
0x18: {  	[tilespmem:s30], [sflag:$0x1] =	stream.linear.gather [hbm4b:s7+s2], $0x280, $0x38;
	[tilespmem:$0x1B000] =	vst v63  }
0x19: {  	s17 =	simm.s32 $0x1AD80  }
0x1a: {  	[tilespmem:s17], [sflag:$0x1] =	stream.linear.gather [hbm4b:s8+s2], $0x280, $0x38;
	[tilespmem:$0x1B000] =	vst v63  }
0x1b: {  	s0 =	simm.s32 $0x40;
	s30 =	simm.s32 $0x15880  }
0x1c: {  	[tilespmem:s30], [sflag:$0x1] =	stream.linear.gather [hbm4b:s9+s2], $0x2800, $0x38;
	[tilespmem:$0x1B000] =	vst v63  }
0x1d: {  	[tilespmem:s0+$0xFFFFFFC0] =	vst v1  }
0x1e: {  	[tilespmem:s0+$0x30] =	vst v1  }
0x1f: {  	[tilespmem:s0+$0x20] =	vst v1  }
0x20: {  	[tilespmem:s0+$0x10] =	vst v1  }
0x21: {  	[tilespmem:s0+$0x0] =	vst v1  }
0x22: {  	[tilespmem:s0+$0xFFFFFFF0] =	vst v1  }
0x23: {  	s17 =	simm.s32 $0x0;
	[tilespmem:s0+$0xFFFFFFE0] =	vst v1  }
.LBB2_2:
0x24: {  	s17 =	sadd.s32 $0x8, s17;
	[tilespmem:s0+$0xFFFFFFD0] =	vst v1;
	s0 =	sadd.s32 $0x80, s0  }
0x25: {  	[tilespmem:s0+$0xFFFFFFC0] =	vst v1;
	p0 =	slt.u32 s17, $0xF8  }
0x26: {  	[tilespmem:s0+$0x30] =	vst v1  }
.Ltmp0:
0x27: {  	[tilespmem:s0+$0x20] =	vst v1;
	(pc) =	sbr.rel @p0 .LBB2_2-.Ltmp0, $4  }
0x28: {  	[tilespmem:s0+$0x10] =	vst v1  }
0x29: {  	[tilespmem:s0+$0x0] =	vst v1  }
0x2a: {  	[tilespmem:s0+$0xFFFFFFF0] =	vst v1  }
0x2b: {  	[tilespmem:s0+$0xFFFFFFE0] =	vst v1  }
0x2c: {  	[tilespmem:s0+$0xFFFFFFD0] =	vst v1  }
0x2d: {  	_ =	swait.ge [sflag:s18], $0x1400  }
0x2e: {  	[sflag:s18] =	ssyncset.done $0x0  }
0x2f: {  	[sflag:s18] =	ssyncadd.s32 $0xFFFFEC00  }
0x30: {  	_ =	swait.ge [sflag:s18], $0x1400  }
0x31: {  	[sflag:s18] =	ssyncset.done $0x0  }
0x32: {  	[sflag:s18] =	ssyncadd.s32 $0xFFFFEC00  }
0x33: {  	_ =	swait.ge [sflag:s18], $0x280  }
0x34: {  	[sflag:s18] =	ssyncset.done $0x0  }
0x35: {  	[sflag:s18] =	ssyncadd.s32 $0xFFFFFD80  }
0x36: {  	_ =	swait.ge [sflag:s18], $0x280  }
0x37: {  	[sflag:s18] =	ssyncset.done $0x0  }
0x38: {  	[sflag:s18] =	ssyncadd.s32 $0xFFFFFD80  }
0x39: {  	_ =	swait.ge [sflag:s18], $0x280  }
0x3a: {  	[sflag:s18] =	ssyncset.done $0x0  }
0x3b: {  	[sflag:s18] =	ssyncadd.s32 $0xFFFFFD80  }
0x3c: {  	_ =	swait.ge [sflag:s18], $0x2800  }
0x3d: {  	[sflag:s18] =	ssyncset.done $0x0  }
0x3e: {  	s17 =	simm.s32 $0x2000;
	[sflag:s18] =	ssyncadd.s32 $0xFFFFD800  }
0x3f: {  	[tilespmem:s17], [sflag:$0x2] =	stream.indirect.gather [hbm4b:s3+s19], $0x20, s24, s19, $0xb8;
	[tilespmem:$0x1B000] =	vst v63  }
0x40: {  	s24 =	simm.s32 $0x6E20  }
0x41: {  	[tilespmem:s24], [sflag:$0x2] =	stream.indirect.gather [hbm4b:s3+s19], $0x20, s29, s19, $0xb8;
	[tilespmem:$0x1B000] =	vst v63  }
0x42: {  	s17 =	simm.s32 $0x2FA0;
	s29 =	simm.s32 $0x18100  }
0x43: {  	[tilespmem:s17], [sflag:$0x2] =	stream.indirect.gather [hbm4b:s3+s19], $0x20, s29, s19, $0xb8;
	[tilespmem:$0x1B000] =	vst v63  }
0x44: {  	s24 =	simm.s32 $0x19500;
	s29 =	simm.s32 $0x7DC0  }
0x45: {  	[tilespmem:s29], [sflag:$0x2] =	stream.indirect.gather [hbm4b:s3+s19], $0x20, s24, s19, $0xb8;
	[tilespmem:$0x1B000] =	vst v63  }
0x46: {  	s24 =	simm.s32 $0x18180;
	s29 =	simm.s32 $0x3F40  }
0x47: {  	[tilespmem:s29], [sflag:$0x2] =	stream.indirect.gather [hbm4b:s3+s19], $0x20, s24, s19, $0xb8;
	[tilespmem:$0x1B000] =	vst v63  }
0x48: {  	s24 =	simm.s32 $0x19580;
	s29 =	simm.s32 $0x8D60  }
0x49: {  	[tilespmem:s29], [sflag:$0x2] =	stream.indirect.gather [hbm4b:s3+s19], $0x20, s24, s19, $0xb8;
	[tilespmem:$0x1B000] =	vst v63  }
0x4a: {  	s24 =	simm.s32 $0x18200;
	s29 =	simm.s32 $0x4EE0  }
0x4b: {  	[tilespmem:s29], [sflag:$0x2] =	stream.indirect.gather [hbm4b:s3+s19], $0x20, s24, s19, $0xb8;
	[tilespmem:$0x1B000] =	vst v63  }
0x4c: {  	s24 =	simm.s32 $0x19600;
	s29 =	simm.s32 $0x9D00  }
0x4d: {  	[tilespmem:s29], [sflag:$0x2] =	stream.indirect.gather [hbm4b:s3+s19], $0x20, s24, s19, $0xb8;
	[tilespmem:$0x1B000] =	vst v63  }
0x4e: {  	s24 =	simm.s32 $0x18280;
	s29 =	simm.s32 $0x5E80  }
0x4f: {  	[tilespmem:s29], [sflag:$0x2] =	stream.indirect.gather [hbm4b:s3+s19], $0x20, s24, s19, $0xb8;
	[tilespmem:$0x1B000] =	vst v63  }
0x50: {  	s17 =	simm.s32 $0x19680;
	s24 =	simm.s32 $0xACA0  }
0x51: {  	[tilespmem:s24], [sflag:$0x2] =	stream.indirect.gather [hbm4b:s3+s19], $0x20, s17, s19, $0xb8;
	[tilespmem:$0x1B000] =	vst v63  }
0x52: {  	s29 =	simm.s32 $0x18300  }
0x53: {  	[tilespmem:s1], [sflag:$0x3] =	stream.indirect.gather [hbm4b:s3+s19], $0x20, s29, s19, $0xb8;
	[tilespmem:$0x1B000] =	vst v63  }
0x54: {  	s17 =	simm.s32 $0x19700  }
0x55: {  	[tilespmem:s26], [sflag:$0x3] =	stream.indirect.gather [hbm4b:s3+s19], $0x20, s17, s19, $0xb8;
	[tilespmem:$0x1B000] =	vst v63  }
0x56: {  	s24 =	simm.s32 $0x18380  }
0x57: {  	[tilespmem:s22], [sflag:$0x3] =	stream.indirect.gather [hbm4b:s3+s19], $0x20, s24, s19, $0xb8;
	[tilespmem:$0x1B000] =	vst v63  }
0x58: {  	s29 =	simm.s32 $0x19780  }
0x59: {  	[tilespmem:s31], [sflag:$0x3] =	stream.indirect.gather [hbm4b:s3+s19], $0x20, s29, s19, $0xb8;
	[tilespmem:$0x1B000] =	vst v63  }
0x5a: {  	s17 =	simm.s32 $0x18400  }
0x5b: {  	[tilespmem:s12], [sflag:$0x3] =	stream.indirect.gather [hbm4b:s3+s19], $0x20, s17, s19, $0xb8;
	[tilespmem:$0x1B000] =	vst v63  }
0x5c: {  	s24 =	simm.s32 $0x19800  }
0x5d: {  	[tilespmem:s13], [sflag:$0x3] =	stream.indirect.gather [hbm4b:s3+s19], $0x20, s24, s19, $0xb8;
	[tilespmem:$0x1B000] =	vst v63  }
0x5e: {  	s29 =	simm.s32 $0x18480  }
0x5f: {  	[tilespmem:s14], [sflag:$0x3] =	stream.indirect.gather [hbm4b:s3+s19], $0x20, s29, s19, $0xb8;
	[tilespmem:$0x1B000] =	vst v63  }
0x60: {  	s17 =	simm.s32 $0x19880  }
0x61: {  	[tilespmem:s15], [sflag:$0x3] =	stream.indirect.gather [hbm4b:s3+s19], $0x20, s17, s19, $0xb8;
	[tilespmem:$0x1B000] =	vst v63  }
0x62: {  	s24 =	simm.s32 $0x18500  }
0x63: {  	[tilespmem:s16], [sflag:$0x3] =	stream.indirect.gather [hbm4b:s3+s19], $0x20, s24, s19, $0xb8;
	[tilespmem:$0x1B000] =	vst v63  }
0x64: {  	s30 =	simm.s32 $0x0;
	s29 =	simm.s32 $0x19900  }
0x65: {  	[tilespmem:s20], [sflag:$0x3] =	stream.indirect.gather [hbm4b:s3+s19], $0x20, s29, s19, $0xb8;
	[tilespmem:$0x1B000] =	vst v63  }
.LBB2_4:
0x66: {  	_ =	swait.ge [sflag:s21], $0x4E20  }
0x67: {  	[sflag:s21] =	ssyncset.done $0x0  }
0x68: {  	[sflag:s21] =	ssyncadd.s32 $0xFFFFB1E0  }
0x69: {  	_ =	swait.ge [sflag:s21], $0x4E20  }
0x6a: {  	[sflag:s21] =	ssyncset.done $0x0  }
0x6b: {  	s17 =	simm.s32 $0x2080;
	[sflag:s21] =	ssyncadd.s32 $0xFFFFB1E0  }
0x6c: {  	s0 =	simm.s32 $0x6EA0;
	v3 =	vld [tilespmem:s17+$0x60]  }
0x6d: {  	v4 =	vld [tilespmem:s0+$0x60]  }
0x6e: {  	v5 =	vld [tilespmem:s0+$0xFFFFFF80]  }
0x6f: {  	v6 =	vld [tilespmem:s17+$0xFFFFFFA0]  }
0x70: {  	v7 =	vld [tilespmem:s0+$0xFFFFFFA0]  }
0x71: {  	v8 =	vld [tilespmem:s17+$0xFFFFFFC0]  }
0x72: {  	v9 =	vld [tilespmem:s0+$0xFFFFFFC0]  }
0x73: {  	v18 =	vld [tilespmem:s17+$0xFFFFFF80]  }
0x74: {  	v20 =	vld [tilespmem:s17+$0xFFFFFF90]  }
0x75: {  	v22 =	vld [tilespmem:s17+$0xFFFFFFF0]  }
0x76: {  	v23 =	vld [tilespmem:s17+$0x10]  }
0x77: {  	v24 =	vld [tilespmem:s17+$0x30]  }
0x78: {  	v25 =	vld [tilespmem:s0+$0xFFFFFF90]  }
0x79: {  	v27 =	vld [tilespmem:s0+$0xFFFFFFF0]  }
0x7a: {  	v28 =	vld [tilespmem:s0+$0x10]  }
0x7b: {  	v32 =	vld [tilespmem:s17+$0x70]  }
0x7c: {  	v30 =	vld [tilespmem:s0+$0x30]  }
0x7d: {  	v41 =	vld [tilespmem:s0+$0x70]  }
0x7e: {  	v3 =	vmin.f32 v3, v4;
	v6 =	vmin.f32 v6, v7  }
0x7f: {  	v11 =	vld [tilespmem:s0+$0xFFFFFFE0];
	v8 =	vmin.f32 v8, v9;
	v5 =	vmin.f32 v18, v5;
	v25 =	vmax.f32 v20, v25  }
0x80: {  	v13 =	vld [tilespmem:s0+$0x0];
	v27 =	vmax.f32 v22, v27;
	v28 =	vmax.f32 v23, v28;
	v56 =	vtrunc.f32 v32  }
0x81: {  	v29 =	vld [tilespmem:s17+$0x50];
	v30 =	vmax.f32 v24, v30;
	v10 =	vmul.f32 $6.818181990e+00, v3;
	v12 =	vmul.f32 $6.818181990e+00, v6  }
0x82: {  	v31 =	vld [tilespmem:s0+$0x50];
	v32 =	vmax.f32 v32, v41;
	v6 =	vmul.f32 $5.000000000e+02, v6;
	v14 =	vmul.f32 $6.818181990e+00, v8  }
0x83: {  	v15 =	vld [tilespmem:s0+$0x20];
	v8 =	vmul.f32 $5.000000000e+02, v8;
	v25 =	vsub.f32 $0.0e+00, v25;
	v32 =	vsub.f32 $0.0e+00, v32  }
0x84: {  	v4 =	vld [tilespmem:s17+$0xFFFFFFE0];
	v3 =	vmul.f32 $5.000000000e+02, v3;
	v27 =	vsub.f32 $0.0e+00, v27;
	v28 =	vsub.f32 $0.0e+00, v28  }
0x85: {  	v7 =	vld [tilespmem:s17+$0x0];
	v21 =	vmul.f32 $6.818181990e+00, v5;
	v10 =	vadd.f32 $8.000000000e+00, v10;
	v12 =	vadd.f32 $8.000000000e+00, v12  }
0x86: {  	v9 =	vld [tilespmem:s17+$0x20];
	v5 =	vmul.f32 $5.000000000e+02, v5;
	v14 =	vadd.f32 $8.000000000e+00, v14;
	v3 =	vadd.f32 $5.500000000e+02, v3  }
0x87: {  	v31 =	vmax.f32 v29, v31;
	v21 =	vadd.f32 $8.000000000e+00, v21;
	v6 =	vadd.f32 $5.500000000e+02, v6  }
0x88: {  	v20 =	vtrunc.f32 v20;
	v8 =	vadd.f32 $5.500000000e+02, v8;
	v5 =	vadd.f32 $5.500000000e+02, v5  }
0x89: {  	v32 =	vbroadcast v32, $0x0;
	v10 =	vmax.f32 v10, $0.0e+00;
	v4 =	vmin.f32 v4, v11  }
0x8a: {  	v12 =	vmax.f32 v12, $0.0e+00;
	v7 =	vmin.f32 v7, v13;
	v14 =	vmax.f32 v14, $0.0e+00  }
0x8b: {  	v9 =	vmin.f32 v9, v15;
	v21 =	vmax.f32 v21, $0.0e+00;
	v16 =	vmul.f32 $6.818181990e+00, v4  }
0x8c: {  	v10 =	vmin.f32 v10, $1.500000000e+01;
	v4 =	vmul.f32 $5.000000000e+02, v4;
	v19 =	vmul.f32 $6.818181990e+00, v7  }
0x8d: {  	v15 =	vmul.f32 $6.818181990e+00, v9;
	v12 =	vmin.f32 v12, $1.500000000e+01;
	v10 =	vtrunc.f32 v10  }
0x8e: {  	v21 =	vmin.f32 v21, $1.500000000e+01;
	v7 =	vmul.f32 $5.000000000e+02, v7;
	v10 =	vcvt.f32.s32 v10  }
0x8f: {  	v17 =	vld [tilespmem:s0+$0x40];
	v14 =	vmin.f32 v14, $1.500000000e+01;
	v9 =	vmul.f32 $5.000000000e+02, v9;
	v21 =	vtrunc.f32 v21  }
0x90: {  	v11 =	vld [tilespmem:s17+$0x40];
	v12 =	vtrunc.f32 v12;
	v13 =	vadd.f32 $8.000000000e+00, v16;
	v16 =	vcvt.s32.f32 v10  }
0x91: {  	v14 =	vtrunc.f32 v14;
	v19 =	vadd.f32 $8.000000000e+00, v19;
	v15 =	vadd.f32 $8.000000000e+00, v15  }
0x92: {  	v4 =	vadd.f32 $5.500000000e+02, v4;
	v21 =	vcvt.f32.s32 v21;
	v16 =	vmul.f32 $7.333333590e+01, v16  }
0x93: {  	v12 =	vcvt.f32.s32 v12;
	v14 =	vcvt.f32.s32 v14;
	v7 =	vadd.f32 $5.500000000e+02, v7  }
0x94: {  	v9 =	vadd.f32 $5.500000000e+02, v9;
	v13 =	vmax.f32 v13, $0.0e+00;
	v3 =	vsub.f32 v3, v16  }
0x95: {  	v11 =	vmin.f32 v11, v17;
	v19 =	vmax.f32 v19, $0.0e+00;
	v33 =	vcvt.s32.f32 v21  }
0x96: {  	v34 =	vcvt.s32.f32 v12;
	v36 =	vcvt.s32.f32 v14;
	v3 =	vmin.f32 v3, $3.000000000e+01  }
0x97: {  	v15 =	vmax.f32 v15, $0.0e+00;
	v18 =	vmul.f32 $6.818181990e+00, v11;
	v3 =	vmul.f32 $1.442695020e+00, v3  }
0x98: {  	v13 =	vmin.f32 v13, $1.500000000e+01;
	v19 =	vmin.f32 v19, $1.500000000e+01;
	v11 =	vmul.f32 $5.000000000e+02, v11  }
0x99: {  	v15 =	vmin.f32 v15, $1.500000000e+01;
	v13 =	vtrunc.f32 v13;
	(erf) = vpow2.f32 v3  }
0x9a: {  	v10 =	vshll.u32 v10, $0x4;
	v19 =	vtrunc.f32 v19;
	v15 =	vtrunc.f32 v15  }
0x9b: {  	v21 =	vshll.u32 v21, $0x4;
	v33 =	vmul.f32 $7.333333590e+01, v33;
	v34 =	vmul.f32 $7.333333590e+01, v34  }
0x9c: {  	v36 =	vmul.f32 $7.333333590e+01, v36;
	v18 =	vadd.f32 $8.000000000e+00, v18;
	v13 =	vcvt.f32.s32 v13  }
0x9d: {  	v19 =	vcvt.f32.s32 v19;
	v11 =	vadd.f32 $5.500000000e+02, v11;
	v5 =	vsub.f32 v5, v33  }
0x9e: {  	v26 =	vld [tilespmem:s0+$0xFFFFFFD0];
	v15 =	vcvt.f32.s32 v15;
	v6 =	vsub.f32 v6, v34;
	v8 =	vsub.f32 v8, v36  }
0x9f: {  	v16 =	vld [tilespmem:s17+$0xFFFFFFD0];
	v18 =	vmax.f32 v18, $0.0e+00;
	v37 =	vcvt.s32.f32 v13;
	v38 =	vcvt.s32.f32 v19  }
0xa0: {  	v39 =	vcvt.s32.f32 v15;
	v13 =	vshll.u32 v13, $0x4;
	v18 =	vmin.f32 v18, $1.500000000e+01  }
0xa1: {  	v5 =	vmin.f32 v5, $3.000000000e+01;
	v18 =	vtrunc.f32 v18;
	v57 =	vmul.f32 $7.333333590e+01, v37  }
0xa2: {  	v6 =	vmin.f32 v6, $3.000000000e+01;
	v58 =	vmul.f32 $7.333333590e+01, v38;
	v39 =	vmul.f32 $7.333333590e+01, v39;
	v35 =	vpop (erf)  }
0xa3: {  	v5 =	vmul.f32 $1.442695020e+00, v5;
	v6 =	vmul.f32 $1.442695020e+00, v6;
	v35 =	vadd.f32 $1.000000000e+00, v35  }
0xa4: {  	v18 =	vcvt.f32.s32 v18;
	v26 =	vmax.f32 v16, v26;
	v4 =	vsub.f32 v4, v57  }
0xa5: {  	v7 =	vsub.f32 v7, v58;
	(erf) = vrcp.f32 v35;
	v35 =	vcvt.f32.s32 v56  }
0xa6: {  	v9 =	vsub.f32 v9, v39;
	v16 =	vtrunc.f32 v16;
	v40 =	vcvt.s32.f32 v18  }
0xa7: {  	v17 =	vld [tilespmem:s17+$0xFFFFFFB0];
	v16 =	vcvt.f32.s32 v16;
	v4 =	vmin.f32 v4, $3.000000000e+01;
	v35 =	vbroadcast v35, $0x1  }
0xa8: {  	v7 =	vmin.f32 v7, $3.000000000e+01;
	v9 =	vmin.f32 v9, $3.000000000e+01;
	v4 =	vmul.f32 $1.442695020e+00, v4  }
0xa9: {  	v3 =	vld [tilespmem:s0+$0xFFFFFFB0];
	v7 =	vmul.f32 $1.442695020e+00, v7;
	v9 =	vmul.f32 $1.442695020e+00, v9;
	v10 =	vadd.s32 v35, v10  }
0xaa: {  	v59 =	vadd.s32 v0, v10;
	v60 =	vadd.s32 v2, v10;
	v10 =	vmul.f32 $7.333333590e+01, v40  }
0xab: {  	v8 =	vmin.f32 v8, $3.000000000e+01;
	v63 =	vbroadcast v16, $0x1;
	(erf) = vpow2.f32 v5  }
0xac: {  	v5 =	vtrunc.f32 v17;
	v10 =	vsub.f32 v11, v10;
	v11 =	vmul.f32 $1.442695020e+00, v8  }
0xad: {  	v26 =	vsub.f32 $0.0e+00, v26;
	(erf) = vpow2.f32 v6;
	v5 =	vcvt.f32.s32 v5  }
0xae: {  	v3 =	vmax.f32 v17, v3;
	v17 =	vtrunc.f32 v23;
	(erf) = vpow2.f32 v11  }
0xaf: {  	v5 =	vbroadcast v5, $0x1;
	v10 =	vmin.f32 v10, $3.000000000e+01;
	(erf) = vpow2.f32 v4  }
0xb0: {  	v3 =	vsub.f32 $0.0e+00, v3;
	v10 =	vmul.f32 $1.442695020e+00, v10;
	(erf) = vpow2.f32 v7  }
0xb1: {  	v6 =	vsub.f32 $0.0e+00, v31;
	v11 =	vtrunc.f32 v22;
	(erf) = vpow2.f32 v9  }
0xb2: {  	v22 =	vshll.u32 v14, $0x4;
	v14 =	vcvt.f32.s32 v20;
	(erf) = vpow2.f32 v10  }
0xb3: {  	v4 =	vshll.u32 v12, $0x4;
	v12 =	vshll.u32 v19, $0x4;
	v19 =	vcvt.f32.s32 v11  }
0xb4: {  	v61 =	vpop (erf);
	v11 =	vshll.u32 v15, $0x4;
	v15 =	vcvt.f32.s32 v17;
	v7 =	vtrunc.f32 v24  }
0xb5: {  	v8 =	vsub.f32 $0.0e+00, v30;
	v17 =	vpop (erf);
	v20 =	vbroadcast v14, $0x1;
	v9 =	vtrunc.f32 v29  }
0xb6: {  	v7 =	vcvt.f32.s32 v7;
	v10 =	vshll.u32 v18, $0x4;
	v18 =	vadd.f32 $1.000000000e+00, v17;
	v14 =	vpop (erf)  }
0xb7: {  	v62 =	vmul.f32 v61, v32;
	v9 =	vcvt.f32.s32 v9;
	v23 =	vadd.f32 $1.000000000e+00, v14;
	v14 =	vpop (erf)  }
0xb8: {  	v17 =	vbroadcast v19, $0x1;
	(erf) = vrcp.f32 v18;
	v16 =	vadd.f32 $1.000000000e+00, v14;
	v14 =	vpop (erf)  }
0xb9: {  	(erf) = vrcp.f32 v23;
	v18 =	vadd.f32 $1.000000000e+00, v14;
	v14 =	vbroadcast v15, $0x1;
	v15 =	vpop (erf)  }
0xba: {  	v19 =	vadd.f32 $1.000000000e+00, v15;
	v15 =	vbroadcast v7, $0x1;
	(erf) = vrcp.f32 v16;
	v7 =	vpop (erf)  }
0xbb: {  	v16 =	vbroadcast v9, $0x1;
	v23 =	vadd.f32 $1.000000000e+00, v7;
	(erf) = vrcp.f32 v18;
	v7 =	vpop (erf)  }
0xbc: {  	v9 =	vbroadcast v25, $0x0;
	v18 =	vadd.f32 $1.000000000e+00, v7;
	(erf) = vrcp.f32 v19  }
0xbd: {  	v20 =	vadd.s32 v20, v21;
	v7 =	vbroadcast v3, $0x0;
	(erf) = vrcp.f32 v23  }
0xbe: {  	[tilespmem:v59+s2+$0x0] =	vst.idx.add.f32.msk $0xffff, v62;
	v19 =	vadd.s32 v5, v4;
	v5 =	vbroadcast v26, $0x0;
	(erf) = vrcp.f32 v18  }
0xbf: {  	s24 =	simm.s32 $0x2180;
	s17 =	simm.s32 $0x0;
	[tilespmem:v60+s2+$0x0] =	vst.idx.add.f32.msk $0xffff, v32;
	v4 =	vbroadcast v27, $0x0;
	v3 =	vbroadcast v28, $0x0;
	v18 =	vadd.s32 v63, v22  }
.LBB2_5:
0xc0: {  	v22 =	vld [tilespmem:s24+$0x60];
	v13 =	vadd.s32 v17, v13;
	v8 =	vbroadcast v8, $0x0;
	v6 =	vbroadcast v6, $0x0;
	s0 =	sadd.s32 $0x100, s0  }
0xc1: {  	v12 =	vadd.s32 v14, v12;
	v11 =	vadd.s32 v15, v11;
	v10 =	vadd.s32 v16, v10;
	v17 =	vld [tilespmem:s0+$0x60];
	v14 =	vpop (erf)  }
0xc2: {  	s17 =	sadd.s32 $0x8, s17;
	v37 =	vadd.s32 v0, v20;
	v33 =	vadd.s32 v2, v20;
	v15 =	vld [tilespmem:s0+$0xFFFFFF80];
	v36 =	vmul.f32 v14, v9;
	v14 =	vpop (erf)  }
0xc3: {  	v35 =	vadd.s32 v0, v19;
	v31 =	vadd.s32 v2, v19;
	p0 =	slt.u32 s17, $0x268;
	v20 =	vld [tilespmem:s24+$0xFFFFFFA0];
	v34 =	vmul.f32 v14, v7;
	v14 =	vpop (erf)  }
0xc4: {  	v32 =	vadd.s32 v0, v18;
	v28 =	vadd.s32 v2, v18;
	v19 =	vld [tilespmem:s0+$0xFFFFFFA0];
	v29 =	vmul.f32 v14, v5;
	v14 =	vpop (erf)  }
0xc5: {  	v27 =	vadd.s32 v0, v13;
	v21 =	vadd.s32 v2, v13;
	v30 =	vld [tilespmem:s24+$0xFFFFFFC0];
	v26 =	vmul.f32 v14, v4;
	v13 =	vpop (erf)  }
0xc6: {  	v23 =	vadd.s32 v0, v12;
	v14 =	vld [tilespmem:s0+$0xFFFFFFC0];
	v39 =	vmin.f32 v22, v17;
	v22 =	vmul.f32 v13, v3;
	v13 =	vpop (erf)  }
0xc7: {  	v24 =	vadd.s32 v2, v12;
	v38 =	vld [tilespmem:s24+$0xFFFFFFE0];
	v40 =	vmul.f32 $6.818181990e+00, v39;
	v17 =	vmul.f32 v13, v8;
	v12 =	vpop (erf)  }
0xc8: {  	v25 =	vadd.s32 v0, v11;
	v18 =	vadd.s32 v2, v11;
	v13 =	vld [tilespmem:s0+$0xFFFFFFE0];
	v16 =	vmul.f32 v12, v6  }
0xc9: {  	v11 =	vmin.f32 v20, v19;
	v12 =	vld [tilespmem:s24+$0x0];
	v40 =	vadd.f32 $8.000000000e+00, v40;
	v19 =	vadd.s32 v0, v10  }
0xca: {  	v20 =	vadd.s32 v2, v10;
	v41 =	vmul.f32 $6.818181990e+00, v11;
	v42 =	vmul.f32 $5.000000000e+02, v11;
	v11 =	vld [tilespmem:s0+$0x0]  }
0xcb: {  	v10 =	vmin.f32 v30, v14;
	v14 =	vld [tilespmem:s24+$0x20];
	v30 =	vmax.f32 v40, $0.0e+00  }
0xcc: {  	v40 =	vadd.f32 $8.000000000e+00, v41;
	v41 =	vmul.f32 $6.818181990e+00, v10;
	v43 =	vld [tilespmem:s0+$0x20];
	v30 =	vmin.f32 v30, $1.500000000e+01  }
0xcd: {  	v44 =	vmul.f32 $5.000000000e+02, v10;
	v10 =	vmin.f32 v38, v13;
	v13 =	vld [tilespmem:s24+$0x40];
	v30 =	vtrunc.f32 v30  }
0xce: {  	v41 =	vadd.f32 $8.000000000e+00, v41;
	v45 =	vmul.f32 $6.818181990e+00, v10;
	v46 =	vld [tilespmem:s0+$0x40];
	v38 =	vcvt.f32.s32 v30  }
0xcf: {  	v40 =	vmax.f32 v40, $0.0e+00;
	v48 =	vmul.f32 $5.000000000e+02, v10;
	v47 =	vld [tilespmem:s24+$0xFFFFFF80];
	v49 =	vmin.f32 v12, v11  }
0xd0: {  	v39 =	vmul.f32 $5.000000000e+02, v39;
	v30 =	vld [tilespmem:s24+$0xFFFFFF90];
	v45 =	vadd.f32 $8.000000000e+00, v45;
	v12 =	vcvt.s32.f32 v38  }
0xd1: {  	v41 =	vmax.f32 v41, $0.0e+00;
	v50 =	vmul.f32 $6.818181990e+00, v49;
	v10 =	vld [tilespmem:s24+$0xFFFFFFB0];
	v43 =	vmin.f32 v14, v43  }
0xd2: {  	v39 =	vadd.f32 $5.500000000e+02, v39;
	v11 =	vld [tilespmem:s24+$0xFFFFFFD0];
	v51 =	vmul.f32 $6.818181990e+00, v43;
	v14 =	vmul.f32 $7.333333590e+01, v12  }
0xd3: {  	v45 =	vmax.f32 v45, $0.0e+00;
	v50 =	vadd.f32 $8.000000000e+00, v50;
	v12 =	vld [tilespmem:s24+$0xFFFFFFF0];
	v46 =	vmin.f32 v13, v46  }
0xd4: {  	v47 =	vmin.f32 v47, v15;
	v13 =	vld [tilespmem:s24+$0x10];
	v52 =	vmul.f32 $6.818181990e+00, v46;
	v39 =	vsub.f32 v39, v14  }
0xd5: {  	v50 =	vmax.f32 v50, $0.0e+00;
	v51 =	vadd.f32 $8.000000000e+00, v51;
	v53 =	vmul.f32 $6.818181990e+00, v47;
	v14 =	vld [tilespmem:s24+$0x30]  }
0xd6: {  	v40 =	vmin.f32 v40, $1.500000000e+01;
	v15 =	vld [tilespmem:s24+$0x50];
	v52 =	vadd.f32 $8.000000000e+00, v52;
	v39 =	vmin.f32 v39, $3.000000000e+01  }
0xd7: {  	v51 =	vmax.f32 v51, $0.0e+00;
	v54 =	vld [tilespmem:s0+$0xFFFFFF90];
	v53 =	vadd.f32 $8.000000000e+00, v53;
	v39 =	vmul.f32 $1.442695020e+00, v39  }
0xd8: {  	v41 =	vmin.f32 v41, $1.500000000e+01;
	v45 =	vmin.f32 v45, $1.500000000e+01;
	v55 =	vld [tilespmem:s0+$0xFFFFFFB0];
	v52 =	vmax.f32 v52, $0.0e+00  }
0xd9: {  	v50 =	vmin.f32 v50, $1.500000000e+01;
	v53 =	vmax.f32 v53, $0.0e+00;
	v56 =	vld [tilespmem:s0+$0xFFFFFFD0];
	(erf) = vpow2.f32 v39  }
0xda: {  	v51 =	vmin.f32 v51, $1.500000000e+01;
	v52 =	vmin.f32 v52, $1.500000000e+01;
	v39 =	vmin.f32 v53, $1.500000000e+01;
	v53 =	vld [tilespmem:s0+$0xFFFFFFF0]  }
0xdb: {  	v42 =	vadd.f32 $5.500000000e+02, v42;
	v40 =	vtrunc.f32 v40;
	v39 =	vtrunc.f32 v39;
	v57 =	vld [tilespmem:s0+$0x10]  }
0xdc: {  	v44 =	vadd.f32 $5.500000000e+02, v44;
	v41 =	vtrunc.f32 v41;
	v45 =	vtrunc.f32 v45;
	v58 =	vld [tilespmem:s0+$0x30]  }
0xdd: {  	v48 =	vadd.f32 $5.500000000e+02, v48;
	v50 =	vtrunc.f32 v50;
	v51 =	vtrunc.f32 v51;
	v59 =	vld [tilespmem:s0+$0x50]  }
0xde: {  	v52 =	vtrunc.f32 v52;
	v54 =	vmax.f32 v30, v54;
	v39 =	vcvt.f32.s32 v39;
	[tilespmem:v37+s2+$0x0] =	vst.idx.add.f32.msk $0xffff, v36  }
0xdf: {  	v40 =	vcvt.f32.s32 v40;
	v55 =	vmax.f32 v10, v55;
	v36 =	vcvt.f32.s32 v41;
	[tilespmem:v33+s2+$0x0] =	vst.idx.add.f32.msk $0xffff, v9  }
0xe0: {  	v41 =	vmax.f32 v11, v56;
	v37 =	vcvt.f32.s32 v45;
	v33 =	vcvt.f32.s32 v50;
	[tilespmem:v35+s2+$0x0] =	vst.idx.add.f32.msk $0xffff, v34  }
0xe1: {  	v9 =	vcvt.f32.s32 v52;
	v35 =	vmax.f32 v12, v53;
	v34 =	vcvt.f32.s32 v51;
	v45 =	vld [tilespmem:s24+$0x70]  }
0xe2: {  	v50 =	vcvt.s32.f32 v39;
	v51 =	vcvt.s32.f32 v40;
	v52 =	vmax.f32 v13, v57;
	v53 =	vpop (erf);
	[tilespmem:v31+s2+$0x0] =	vst.idx.add.f32.msk $0xffff, v7  }
0xe3: {  	v56 =	vcvt.s32.f32 v37;
	v31 =	vcvt.s32.f32 v36;
	v7 =	vadd.f32 $1.000000000e+00, v53;
	[tilespmem:v32+s2+$0x0] =	vst.idx.add.f32.msk $0xffff, v29  }
0xe4: {  	v29 =	vcvt.s32.f32 v33;
	v32 =	vmax.f32 v14, v58;
	v53 =	vcvt.s32.f32 v34;
	[tilespmem:v28+s2+$0x0] =	vst.idx.add.f32.msk $0xffff, v5  }
0xe5: {  	v57 =	vcvt.s32.f32 v9;
	v28 =	vmax.f32 v15, v59;
	v58 =	vld [tilespmem:s0+$0x70];
	(erf) = vrcp.f32 v7  }
0xe6: {  	v47 =	vmul.f32 $5.000000000e+02, v47;
	v5 =	vsub.f32 $0.0e+00, v54;
	v54 =	vtrunc.f32 v45;
	[tilespmem:v27+s2+$0x0] =	vst.idx.add.f32.msk $0xffff, v26  }
0xe7: {  	v7 =	vsub.f32 $0.0e+00, v55;
	v26 =	vmul.f32 $5.000000000e+02, v49;
	v27 =	vcvt.f32.s32 v54;
	[tilespmem:v21+s2+$0x0] =	vst.idx.add.f32.msk $0xffff, v4  }
0xe8: {  	v4 =	vadd.f32 $5.500000000e+02, v47;
	v21 =	vmul.f32 $5.000000000e+02, v43;
	v43 =	vmul.f32 $5.000000000e+02, v46;
	[tilespmem:v23+s2+$0x0] =	vst.idx.add.f32.msk $0xffff, v22  }
0xe9: {  	v22 =	vmul.f32 $7.333333590e+01, v50;
	v23 =	vadd.f32 $5.500000000e+02, v26;
	v26 =	vbroadcast v27, $0x1;
	[tilespmem:v24+s2+$0x0] =	vst.idx.add.f32.msk $0xffff, v3  }
0xea: {  	v3 =	vmul.f32 $7.333333590e+01, v51;
	v27 =	vshll.u32 v38, $0x4;
	v24 =	vmax.f32 v45, v58;
	[tilespmem:v25+s2+$0x0] =	vst.idx.add.f32.msk $0xffff, v17  }
0xeb: {  	v17 =	vmul.f32 $7.333333590e+01, v31;
	v24 =	vsub.f32 $0.0e+00, v24;
	v25 =	vadd.s32 v26, v27;
	[tilespmem:v18+s2+$0x0] =	vst.idx.add.f32.msk $0xffff, v8  }
0xec: {  	v8 =	vmul.f32 $7.333333590e+01, v56;
	v18 =	vmul.f32 $7.333333590e+01, v29;
	v26 =	vadd.s32 v0, v25;
	[tilespmem:v19+s2+$0x0] =	vst.idx.add.f32.msk $0xffff, v16  }
0xed: {  	v16 =	vmul.f32 $7.333333590e+01, v53;
	v19 =	vbroadcast v24, $0x0;
	v24 =	vadd.s32 v2, v25;
	[tilespmem:v20+s2+$0x0] =	vst.idx.add.f32.msk $0xffff, v6  }
0xee: {  	v6 =	vadd.f32 $5.500000000e+02, v21;
	v20 =	vmul.f32 $7.333333590e+01, v57;
	v21 =	vadd.f32 $5.500000000e+02, v43;
	v25 =	vpop (erf)  }
0xef: {  	v4 =	vsub.f32 v4, v22;
	v3 =	vsub.f32 v42, v3;
	v22 =	vmul.f32 v25, v19  }
0xf0: {  	v17 =	vsub.f32 v44, v17;
	v8 =	vsub.f32 v48, v8;
	v25 =	vtrunc.f32 v30  }
0xf1: {  	v4 =	vmin.f32 v4, $3.000000000e+01;
	v18 =	vsub.f32 v23, v18;
	v6 =	vsub.f32 v6, v16;
	[tilespmem:v26+s2+$0x0] =	vst.idx.add.f32.msk $0xffff, v22  }
0xf2: {  	v3 =	vmin.f32 v3, $3.000000000e+01;
	v16 =	vmin.f32 v17, $3.000000000e+01;
	v17 =	vsub.f32 v21, v20;
	[tilespmem:v24+s2+$0x0] =	vst.idx.add.f32.msk $0xffff, v19  }
0xf3: {  	v8 =	vmin.f32 v8, $3.000000000e+01;
	v18 =	vmin.f32 v18, $3.000000000e+01;
	v6 =	vmin.f32 v6, $3.000000000e+01  }
0xf4: {  	v4 =	vmul.f32 $1.442695020e+00, v4;
	v3 =	vmul.f32 $1.442695020e+00, v3;
	v17 =	vmin.f32 v17, $3.000000000e+01  }
0xf5: {  	v21 =	vsub.f32 $0.0e+00, v41;
	v16 =	vmul.f32 $1.442695020e+00, v16;
	v19 =	vmul.f32 $1.442695020e+00, v8  }
0xf6: {  	v18 =	vmul.f32 $1.442695020e+00, v18;
	v22 =	vsub.f32 $0.0e+00, v35;
	v20 =	vmul.f32 $1.442695020e+00, v6  }
0xf7: {  	v23 =	vsub.f32 $0.0e+00, v52;
	v17 =	vmul.f32 $1.442695020e+00, v17;
	(erf) = vpow2.f32 v4  }
0xf8: {  	v8 =	vsub.f32 $0.0e+00, v32;
	v4 =	vtrunc.f32 v10;
	(erf) = vpow2.f32 v3  }
0xf9: {  	v6 =	vsub.f32 $0.0e+00, v28;
	v3 =	vtrunc.f32 v11;
	(erf) = vpow2.f32 v16  }
0xfa: {  	v24 =	vshll.u32 v39, $0x4;
	v10 =	vtrunc.f32 v12;
	(erf) = vpow2.f32 v19  }
0xfb: {  	v16 =	vtrunc.f32 v13;
	v19 =	vshll.u32 v40, $0x4;
	(erf) = vpow2.f32 v18  }
0xfc: {  	v14 =	vtrunc.f32 v14;
	v18 =	vshll.u32 v36, $0x4;
	(erf) = vpow2.f32 v20  }
0xfd: {  	v15 =	vtrunc.f32 v15;
	v13 =	vshll.u32 v37, $0x4;
	(erf) = vpow2.f32 v17  }
0xfe: {  	v12 =	vshll.u32 v33, $0x4;
	v4 =	vcvt.f32.s32 v4;
	v17 =	vcvt.f32.s32 v25  }
0xff: {  	v11 =	vshll.u32 v34, $0x4;
	v3 =	vcvt.f32.s32 v3;
	v20 =	vcvt.f32.s32 v10  }
0x100: {  	v16 =	vcvt.f32.s32 v16;
	v10 =	vshll.u32 v9, $0x4;
	v25 =	vcvt.f32.s32 v14;
	v9 =	vpop (erf)  }
0x101: {  	v27 =	vcvt.f32.s32 v15;
	v26 =	vbroadcast v17, $0x1;
	v1 =	vadd.f32 $1.000000000e+00, v9;
	v14 =	vpop (erf)  }
0x102: {  	v4 =	vbroadcast v4, $0x1;
	v3 =	vbroadcast v3, $0x1;
	v29 =	vadd.f32 $1.000000000e+00, v14;
	v14 =	vpop (erf)  }
0x103: {  	v17 =	vbroadcast v20, $0x1;
	v28 =	vadd.f32 $1.000000000e+00, v14;
	(erf) = vrcp.f32 v1;
	v9 =	vpop (erf)  }
0x104: {  	v14 =	vbroadcast v16, $0x1;
	v9 =	vadd.f32 $1.000000000e+00, v9;
	(erf) = vrcp.f32 v29;
	v15 =	vpop (erf)  }
0x105: {  	v20 =	vadd.f32 $1.000000000e+00, v15;
	v15 =	vbroadcast v25, $0x1;
	(erf) = vrcp.f32 v28;
	v16 =	vpop (erf)  }
.Ltmp1:
0x106: {  	v25 =	vadd.f32 $1.000000000e+00, v16;
	v16 =	vbroadcast v27, $0x1;
	(erf) = vrcp.f32 v9;
	v27 =	vpop (erf);
	(pc) =	sbr.rel @p0 .LBB2_5-.Ltmp1, $4  }
0x107: {  	v9 =	vbroadcast v5, $0x0;
	v27 =	vadd.f32 $1.000000000e+00, v27;
	(erf) = vrcp.f32 v20  }
0x108: {  	v7 =	vbroadcast v7, $0x0;
	v20 =	vadd.s32 v26, v24;
	(erf) = vrcp.f32 v25  }
0x109: {  	v19 =	vadd.s32 v4, v19;
	v5 =	vbroadcast v21, $0x0;
	(erf) = vrcp.f32 v27  }
0x10a: {  	s24 =	sadd.s32 $0x100, s24;
	v4 =	vbroadcast v22, $0x0;
	v18 =	vadd.s32 v3, v18;
	v3 =	vbroadcast v23, $0x0  }
0x10b: {  	v21 =	vadd.s32 v0, v20  }
0x10c: {  	v23 =	vadd.s32 v0, v19  }
0x10d: {  	v20 =	vadd.s32 v2, v20;
	v22 =	vpop (erf)  }
0x10e: {  	v19 =	vadd.s32 v2, v19;
	v13 =	vadd.s32 v17, v13;
	v22 =	vmul.f32 v22, v9;
	v17 =	vpop (erf)  }
0x10f: {  	v24 =	vadd.s32 v0, v18;
	v17 =	vmul.f32 v17, v7  }
0x110: {  	v18 =	vadd.s32 v2, v18;
	v12 =	vadd.s32 v14, v12;
	[tilespmem:v21+s2+$0x0] =	vst.idx.add.f32.msk $0xffff, v22  }
0x111: {  	v11 =	vadd.s32 v15, v11;
	v14 =	vpop (erf);
	v21 =	vadd.s32 v0, v13;
	[tilespmem:v23+s2+$0x0] =	vst.idx.add.f32.msk $0xffff, v17  }
0x112: {  	v13 =	vadd.s32 v2, v13;
	[tilespmem:v20+s2+$0x0] =	vst.idx.add.f32.msk $0xffff, v9;
	v9 =	vmul.f32 v14, v5;
	v14 =	vpop (erf)  }
0x113: {  	v15 =	vadd.s32 v0, v12;
	[tilespmem:v19+s2+$0x0] =	vst.idx.add.f32.msk $0xffff, v7;
	v7 =	vmul.f32 v14, v4  }
0x114: {  	v12 =	vadd.s32 v2, v12;
	[tilespmem:v24+s2+$0x0] =	vst.idx.add.f32.msk $0xffff, v9;
	v9 =	vadd.s32 v16, v10;
	v10 =	vpop (erf)  }
0x115: {  	v14 =	vadd.s32 v0, v11;
	[tilespmem:v18+s2+$0x0] =	vst.idx.add.f32.msk $0xffff, v5;
	v5 =	vbroadcast v8, $0x0;
	v8 =	vmul.f32 v10, v3  }
0x116: {  	v10 =	vadd.s32 v2, v11;
	[tilespmem:v21+s2+$0x0] =	vst.idx.add.f32.msk $0xffff, v7  }
0x117: {  	v11 =	vadd.s32 v0, v9;
	v7 =	vpop (erf);
	[tilespmem:v13+s2+$0x0] =	vst.idx.add.f32.msk $0xffff, v4  }
0x118: {  	v4 =	vbroadcast v6, $0x0;
	[tilespmem:v15+s2+$0x0] =	vst.idx.add.f32.msk $0xffff, v8;
	v6 =	vmul.f32 v7, v5;
	v7 =	vadd.s32 v2, v9  }
0x119: {  	[tilespmem:v12+s2+$0x0] =	vst.idx.add.f32.msk $0xffff, v3;
	v8 =	vpop (erf)  }
0x11a: {  	v3 =	vmul.f32 v8, v4;
	[tilespmem:v14+s2+$0x0] =	vst.idx.add.f32.msk $0xffff, v6  }
0x11b: {  	[tilespmem:v10+s2+$0x0] =	vst.idx.add.f32.msk $0xffff, v5  }
0x11c: {  	[tilespmem:v11+s2+$0x0] =	vst.idx.add.f32.msk $0xffff, v3  }
0x11d: {  	[tilespmem:v7+s2+$0x0] =	vst.idx.add.f32.msk $0xffff, v4  }
0x11e: {  	v3 =	vld [tilespmem:$0x6E00]  }
0x11f: {  	v4 =	vld [tilespmem:$0xBC20];
	_ =	sdelay $0x4  }
0x120: {  	v3 =	vmin.f32 v3, v4  }
0x121: {  	v4 =	vmul.f32 $6.818181990e+00, v3;
	_ =	sdelay $0x1  }
0x122: {  	v4 =	vadd.f32 $8.000000000e+00, v4;
	_ =	sdelay $0x1  }
0x123: {  	v4 =	vmax.f32 v4, $0.0e+00  }
0x124: {  	v4 =	vmin.f32 v4, $1.500000000e+01  }
0x125: {  	v4 =	vtrunc.f32 v4  }
0x126: {  	v4 =	vcvt.f32.s32 v4;
	_ =	sdelay $0x1  }
0x127: {  	v3 =	vmul.f32 $5.000000000e+02, v3;
	v5 =	vcvt.s32.f32 v4;
	_ =	sdelay $0x1  }
0x128: {  	v3 =	vadd.f32 $5.500000000e+02, v3;
	v5 =	vmul.f32 $-7.333333590e+01, v5;
	_ =	sdelay $0x1  }
0x129: {  	v3 =	vadd.f32 v5, v3;
	_ =	sdelay $0x1  }
0x12a: {  	v3 =	vmin.f32 v3, $3.000000000e+01  }
0x12b: {  	v3 =	vmul.f32 $1.442695020e+00, v3;
	_ =	sdelay $0x1  }
0x12c: {  	(erf) = vpow2.f32 v3;
	_ =	sdelay $0x7  }
0x12d: {  	v3 =	vld [tilespmem:$0x6E10]  }
0x12e: {  	v5 =	vpop (erf)  }
0x12f: {  	v5 =	vadd.f32 $1.000000000e+00, v5;
	_ =	sdelay $0x1  }
0x130: {  	v6 =	vld [tilespmem:$0xBC30];
	(erf) = vrcp.f32 v5  }
0x131: {  	v5 =	vtrunc.f32 v3  }
0x132: {  	v5 =	vcvt.f32.s32 v5;
	_ =	sdelay $0x1  }
0x133: {  	v5 =	vbroadcast v5, $0x1  }
0x134: {  	v4 =	vshll.u32 v4, $0x4;
	v3 =	vmax.f32 v3, v6  }
0x135: {  	v3 =	vsub.f32 $0.0e+00, v3;
	v4 =	vadd.s32 v5, v4  }
0x136: {  	v5 =	vadd.s32 v0, v4  }
0x137: {  	v3 =	vbroadcast v3, $0x0;
	v4 =	vadd.s32 v2, v4  }
0x138: {  	v6 =	vpop (erf)  }
0x139: {  	p0 =	seq.s32 s30, $0x3;
	v6 =	vmul.f32 v6, v3  }
0x13a: {  	s0 =	smul.u32 @!p0 $0x500, s30  }
0x13b: {  	[tilespmem:v5+s2+$0x0] =	vst.idx.add.f32.msk $0xffff, v6  }
0x13c: {  	s24 =	simm.s32 @!p0 $0x7D;
	s29 =	simm.s32 @!p0 $0x2000;
	s17 =	sadd.s32 @!p0 $0x18580, s0;
	[tilespmem:v4+s2+$0x0] =	vst.idx.add.f32.msk $0xffff, v3  }
0x13d: {  	[tilespmem:s29], [sflag:$0x2] =	stream.indirect.gather @!p0 [hbm4b:s3+s24], $0x20, s17, s24, $0xb8;
	[tilespmem:$0x1B000] =	vst v63  }
0x13e: {  	s17 =	sadd.s32 @!p0 $0x19980, s0;
	s29 =	simm.s32 @!p0 $0x6E20  }
0x13f: {  	[tilespmem:s29], [sflag:$0x2] =	stream.indirect.gather @!p0 [hbm4b:s3+s24], $0x20, s17, s24, $0xb8;
	[tilespmem:$0x1B000] =	vst v63  }
0x140: {  	s17 =	sadd.s32 @!p0 $0x18600, s0;
	s29 =	simm.s32 @!p0 $0x2FA0  }
0x141: {  	[tilespmem:s29], [sflag:$0x2] =	stream.indirect.gather @!p0 [hbm4b:s3+s24], $0x20, s17, s24, $0xb8;
	[tilespmem:$0x1B000] =	vst v63  }
0x142: {  	s17 =	sadd.s32 @!p0 $0x19A00, s0;
	s29 =	simm.s32 @!p0 $0x7DC0  }
0x143: {  	[tilespmem:s29], [sflag:$0x2] =	stream.indirect.gather @!p0 [hbm4b:s3+s24], $0x20, s17, s24, $0xb8;
	[tilespmem:$0x1B000] =	vst v63  }
0x144: {  	s17 =	sadd.s32 @!p0 $0x18680, s0;
	s29 =	simm.s32 @!p0 $0x3F40  }
0x145: {  	[tilespmem:s29], [sflag:$0x2] =	stream.indirect.gather @!p0 [hbm4b:s3+s24], $0x20, s17, s24, $0xb8;
	[tilespmem:$0x1B000] =	vst v63  }
0x146: {  	s17 =	sadd.s32 @!p0 $0x19A80, s0;
	s29 =	simm.s32 @!p0 $0x8D60  }
0x147: {  	[tilespmem:s29], [sflag:$0x2] =	stream.indirect.gather @!p0 [hbm4b:s3+s24], $0x20, s17, s24, $0xb8;
	[tilespmem:$0x1B000] =	vst v63  }
0x148: {  	s17 =	sadd.s32 @!p0 $0x18700, s0;
	s29 =	simm.s32 @!p0 $0x4EE0  }
0x149: {  	[tilespmem:s29], [sflag:$0x2] =	stream.indirect.gather @!p0 [hbm4b:s3+s24], $0x20, s17, s24, $0xb8;
	[tilespmem:$0x1B000] =	vst v63  }
0x14a: {  	s17 =	sadd.s32 @!p0 $0x19B00, s0;
	s29 =	simm.s32 @!p0 $0x9D00  }
0x14b: {  	[tilespmem:s29], [sflag:$0x2] =	stream.indirect.gather @!p0 [hbm4b:s3+s24], $0x20, s17, s24, $0xb8;
	[tilespmem:$0x1B000] =	vst v63  }
0x14c: {  	s17 =	sadd.s32 @!p0 $0x18780, s0;
	s29 =	simm.s32 @!p0 $0x5E80  }
0x14d: {  	[tilespmem:s29], [sflag:$0x2] =	stream.indirect.gather @!p0 [hbm4b:s3+s24], $0x20, s17, s24, $0xb8;
	[tilespmem:$0x1B000] =	vst v63  }
0x14e: {  	s0 =	sadd.s32 @!p0 $0x19B80, s0;
	s17 =	simm.s32 @!p0 $0xACA0  }
0x14f: {  	[tilespmem:s17], [sflag:$0x2] =	stream.indirect.gather @!p0 [hbm4b:s3+s24], $0x20, s0, s24, $0xb8;
	[tilespmem:$0x1B000] =	vst v63  }
0x150: {  	_ =	swait.ge [sflag:s23], $0x4E20  }
0x151: {  	[sflag:s23] =	ssyncset.done $0x0  }
0x152: {  	[sflag:s23] =	ssyncadd.s32 $0xFFFFB1E0  }
0x153: {  	_ =	swait.ge [sflag:s23], $0x4E20  }
0x154: {  	[sflag:s23] =	ssyncset.done $0x0  }
0x155: {  	s29 =	simm.s32 $0xBCC0;
	[sflag:s23] =	ssyncadd.s32 $0xFFFFB1E0  }
0x156: {  	s0 =	simm.s32 $0x10AE0;
	v3 =	vld [tilespmem:s29+$0x60]  }
0x157: {  	v4 =	vld [tilespmem:s0+$0x60]  }
0x158: {  	v5 =	vld [tilespmem:s0+$0xFFFFFF80]  }
0x159: {  	v6 =	vld [tilespmem:s29+$0xFFFFFFA0]  }
0x15a: {  	v7 =	vld [tilespmem:s0+$0xFFFFFFA0]  }
0x15b: {  	v8 =	vld [tilespmem:s29+$0xFFFFFFC0]  }
0x15c: {  	v9 =	vld [tilespmem:s0+$0xFFFFFFC0]  }
0x15d: {  	v18 =	vld [tilespmem:s29+$0xFFFFFF80]  }
0x15e: {  	v20 =	vld [tilespmem:s29+$0xFFFFFF90]  }
0x15f: {  	v22 =	vld [tilespmem:s29+$0xFFFFFFF0]  }
0x160: {  	v23 =	vld [tilespmem:s29+$0x10]  }
0x161: {  	v55 =	vld [tilespmem:s29+$0x30]  }
0x162: {  	v25 =	vld [tilespmem:s0+$0xFFFFFF90]  }
0x163: {  	v27 =	vld [tilespmem:s0+$0xFFFFFFF0]  }
0x164: {  	v28 =	vld [tilespmem:s0+$0x10]  }
0x165: {  	v32 =	vld [tilespmem:s29+$0x70]  }
0x166: {  	v30 =	vld [tilespmem:s0+$0x30]  }
0x167: {  	v41 =	vld [tilespmem:s0+$0x70]  }
0x168: {  	v3 =	vmin.f32 v3, v4;
	v6 =	vmin.f32 v6, v7  }
0x169: {  	v11 =	vld [tilespmem:s0+$0xFFFFFFE0];
	v8 =	vmin.f32 v8, v9;
	v5 =	vmin.f32 v18, v5;
	v25 =	vmax.f32 v20, v25  }
0x16a: {  	v13 =	vld [tilespmem:s0+$0x0];
	v27 =	vmax.f32 v22, v27;
	v28 =	vmax.f32 v23, v28;
	v56 =	vtrunc.f32 v32  }
0x16b: {  	v29 =	vld [tilespmem:s29+$0x50];
	v30 =	vmax.f32 v55, v30;
	v10 =	vmul.f32 $6.818181990e+00, v3;
	v12 =	vmul.f32 $6.818181990e+00, v6  }
0x16c: {  	v31 =	vld [tilespmem:s0+$0x50];
	v32 =	vmax.f32 v32, v41;
	v6 =	vmul.f32 $5.000000000e+02, v6;
	v14 =	vmul.f32 $6.818181990e+00, v8  }
0x16d: {  	v15 =	vld [tilespmem:s0+$0x20];
	v8 =	vmul.f32 $5.000000000e+02, v8;
	v25 =	vsub.f32 $0.0e+00, v25;
	v32 =	vsub.f32 $0.0e+00, v32  }
0x16e: {  	v4 =	vld [tilespmem:s29+$0xFFFFFFE0];
	v3 =	vmul.f32 $5.000000000e+02, v3;
	v27 =	vsub.f32 $0.0e+00, v27;
	v28 =	vsub.f32 $0.0e+00, v28  }
0x16f: {  	v7 =	vld [tilespmem:s29+$0x0];
	v21 =	vmul.f32 $6.818181990e+00, v5;
	v10 =	vadd.f32 $8.000000000e+00, v10;
	v12 =	vadd.f32 $8.000000000e+00, v12  }
0x170: {  	v9 =	vld [tilespmem:s29+$0x20];
	v5 =	vmul.f32 $5.000000000e+02, v5;
	v14 =	vadd.f32 $8.000000000e+00, v14;
	v3 =	vadd.f32 $5.500000000e+02, v3  }
0x171: {  	v31 =	vmax.f32 v29, v31;
	v21 =	vadd.f32 $8.000000000e+00, v21;
	v6 =	vadd.f32 $5.500000000e+02, v6  }
0x172: {  	v20 =	vtrunc.f32 v20;
	v8 =	vadd.f32 $5.500000000e+02, v8;
	v5 =	vadd.f32 $5.500000000e+02, v5  }
0x173: {  	v32 =	vbroadcast v32, $0x0;
	v10 =	vmax.f32 v10, $0.0e+00;
	v4 =	vmin.f32 v4, v11  }
0x174: {  	v12 =	vmax.f32 v12, $0.0e+00;
	v7 =	vmin.f32 v7, v13;
	v14 =	vmax.f32 v14, $0.0e+00  }
0x175: {  	v9 =	vmin.f32 v9, v15;
	v21 =	vmax.f32 v21, $0.0e+00;
	v16 =	vmul.f32 $6.818181990e+00, v4  }
0x176: {  	v10 =	vmin.f32 v10, $1.500000000e+01;
	v4 =	vmul.f32 $5.000000000e+02, v4;
	v19 =	vmul.f32 $6.818181990e+00, v7  }
0x177: {  	v15 =	vmul.f32 $6.818181990e+00, v9;
	v12 =	vmin.f32 v12, $1.500000000e+01;
	v10 =	vtrunc.f32 v10  }
0x178: {  	v21 =	vmin.f32 v21, $1.500000000e+01;
	v7 =	vmul.f32 $5.000000000e+02, v7;
	v10 =	vcvt.f32.s32 v10  }
0x179: {  	v17 =	vld [tilespmem:s0+$0x40];
	v14 =	vmin.f32 v14, $1.500000000e+01;
	v9 =	vmul.f32 $5.000000000e+02, v9;
	v21 =	vtrunc.f32 v21  }
0x17a: {  	v11 =	vld [tilespmem:s29+$0x40];
	v12 =	vtrunc.f32 v12;
	v13 =	vadd.f32 $8.000000000e+00, v16;
	v16 =	vcvt.s32.f32 v10  }
0x17b: {  	v14 =	vtrunc.f32 v14;
	v19 =	vadd.f32 $8.000000000e+00, v19;
	v15 =	vadd.f32 $8.000000000e+00, v15  }
0x17c: {  	v4 =	vadd.f32 $5.500000000e+02, v4;
	v21 =	vcvt.f32.s32 v21;
	v16 =	vmul.f32 $7.333333590e+01, v16  }
0x17d: {  	v12 =	vcvt.f32.s32 v12;
	v14 =	vcvt.f32.s32 v14;
	v7 =	vadd.f32 $5.500000000e+02, v7  }
0x17e: {  	v9 =	vadd.f32 $5.500000000e+02, v9;
	v13 =	vmax.f32 v13, $0.0e+00;
	v3 =	vsub.f32 v3, v16  }
0x17f: {  	v11 =	vmin.f32 v11, v17;
	v19 =	vmax.f32 v19, $0.0e+00;
	v33 =	vcvt.s32.f32 v21  }
0x180: {  	v34 =	vcvt.s32.f32 v12;
	v36 =	vcvt.s32.f32 v14;
	v3 =	vmin.f32 v3, $3.000000000e+01  }
0x181: {  	v15 =	vmax.f32 v15, $0.0e+00;
	v18 =	vmul.f32 $6.818181990e+00, v11;
	v3 =	vmul.f32 $1.442695020e+00, v3  }
0x182: {  	v13 =	vmin.f32 v13, $1.500000000e+01;
	v19 =	vmin.f32 v19, $1.500000000e+01;
	v11 =	vmul.f32 $5.000000000e+02, v11  }
0x183: {  	v15 =	vmin.f32 v15, $1.500000000e+01;
	v13 =	vtrunc.f32 v13;
	(erf) = vpow2.f32 v3  }
0x184: {  	v10 =	vshll.u32 v10, $0x4;
	v19 =	vtrunc.f32 v19;
	v15 =	vtrunc.f32 v15  }
0x185: {  	v21 =	vshll.u32 v21, $0x4;
	v33 =	vmul.f32 $7.333333590e+01, v33;
	v34 =	vmul.f32 $7.333333590e+01, v34  }
0x186: {  	v36 =	vmul.f32 $7.333333590e+01, v36;
	v18 =	vadd.f32 $8.000000000e+00, v18;
	v13 =	vcvt.f32.s32 v13  }
0x187: {  	v19 =	vcvt.f32.s32 v19;
	v11 =	vadd.f32 $5.500000000e+02, v11;
	v5 =	vsub.f32 v5, v33  }
0x188: {  	v26 =	vld [tilespmem:s0+$0xFFFFFFD0];
	v15 =	vcvt.f32.s32 v15;
	v6 =	vsub.f32 v6, v34;
	v8 =	vsub.f32 v8, v36  }
0x189: {  	v16 =	vld [tilespmem:s29+$0xFFFFFFD0];
	v18 =	vmax.f32 v18, $0.0e+00;
	v37 =	vcvt.s32.f32 v13;
	v38 =	vcvt.s32.f32 v19  }
0x18a: {  	v39 =	vcvt.s32.f32 v15;
	v13 =	vshll.u32 v13, $0x4;
	v18 =	vmin.f32 v18, $1.500000000e+01  }
0x18b: {  	v5 =	vmin.f32 v5, $3.000000000e+01;
	v18 =	vtrunc.f32 v18;
	v57 =	vmul.f32 $7.333333590e+01, v37  }
0x18c: {  	v6 =	vmin.f32 v6, $3.000000000e+01;
	v58 =	vmul.f32 $7.333333590e+01, v38;
	v39 =	vmul.f32 $7.333333590e+01, v39;
	v35 =	vpop (erf)  }
0x18d: {  	v5 =	vmul.f32 $1.442695020e+00, v5;
	v6 =	vmul.f32 $1.442695020e+00, v6;
	v35 =	vadd.f32 $1.000000000e+00, v35  }
0x18e: {  	v18 =	vcvt.f32.s32 v18;
	v26 =	vmax.f32 v16, v26;
	v4 =	vsub.f32 v4, v57  }
0x18f: {  	v7 =	vsub.f32 v7, v58;
	(erf) = vrcp.f32 v35;
	v35 =	vcvt.f32.s32 v56  }
0x190: {  	v9 =	vsub.f32 v9, v39;
	v16 =	vtrunc.f32 v16;
	v40 =	vcvt.s32.f32 v18  }
0x191: {  	v17 =	vld [tilespmem:s29+$0xFFFFFFB0];
	v16 =	vcvt.f32.s32 v16;
	v4 =	vmin.f32 v4, $3.000000000e+01;
	v35 =	vbroadcast v35, $0x1  }
0x192: {  	v7 =	vmin.f32 v7, $3.000000000e+01;
	v9 =	vmin.f32 v9, $3.000000000e+01;
	v4 =	vmul.f32 $1.442695020e+00, v4  }
0x193: {  	v3 =	vld [tilespmem:s0+$0xFFFFFFB0];
	v7 =	vmul.f32 $1.442695020e+00, v7;
	v9 =	vmul.f32 $1.442695020e+00, v9;
	v10 =	vadd.s32 v35, v10  }
0x194: {  	v59 =	vadd.s32 v0, v10;
	v60 =	vadd.s32 v2, v10;
	v10 =	vmul.f32 $7.333333590e+01, v40  }
0x195: {  	v8 =	vmin.f32 v8, $3.000000000e+01;
	v63 =	vbroadcast v16, $0x1;
	(erf) = vpow2.f32 v5  }
0x196: {  	v5 =	vtrunc.f32 v17;
	v10 =	vsub.f32 v11, v10;
	v11 =	vmul.f32 $1.442695020e+00, v8  }
0x197: {  	v26 =	vsub.f32 $0.0e+00, v26;
	(erf) = vpow2.f32 v6;
	v5 =	vcvt.f32.s32 v5  }
0x198: {  	v3 =	vmax.f32 v17, v3;
	v17 =	vtrunc.f32 v23;
	(erf) = vpow2.f32 v11  }
0x199: {  	v5 =	vbroadcast v5, $0x1;
	v10 =	vmin.f32 v10, $3.000000000e+01;
	(erf) = vpow2.f32 v4  }
0x19a: {  	v3 =	vsub.f32 $0.0e+00, v3;
	v10 =	vmul.f32 $1.442695020e+00, v10;
	(erf) = vpow2.f32 v7  }
0x19b: {  	v6 =	vsub.f32 $0.0e+00, v31;
	v11 =	vtrunc.f32 v22;
	(erf) = vpow2.f32 v9  }
0x19c: {  	v61 =	vpop (erf);
	v22 =	vshll.u32 v14, $0x4;
	v14 =	vcvt.f32.s32 v20;
	(erf) = vpow2.f32 v10  }
0x19d: {  	v4 =	vshll.u32 v12, $0x4;
	v12 =	vshll.u32 v19, $0x4;
	v19 =	vcvt.f32.s32 v11  }
0x19e: {  	v11 =	vshll.u32 v15, $0x4;
	v15 =	vcvt.f32.s32 v17;
	v7 =	vtrunc.f32 v55  }
0x19f: {  	v8 =	vsub.f32 $0.0e+00, v30;
	v17 =	vpop (erf);
	v20 =	vbroadcast v14, $0x1;
	v9 =	vtrunc.f32 v29  }
0x1a0: {  	v7 =	vcvt.f32.s32 v7;
	v10 =	vshll.u32 v18, $0x4;
	v18 =	vadd.f32 $1.000000000e+00, v17;
	v14 =	vpop (erf)  }
0x1a1: {  	v62 =	vmul.f32 v61, v32;
	v9 =	vcvt.f32.s32 v9;
	v23 =	vadd.f32 $1.000000000e+00, v14;
	v14 =	vpop (erf)  }
0x1a2: {  	v17 =	vbroadcast v19, $0x1;
	(erf) = vrcp.f32 v18;
	v16 =	vadd.f32 $1.000000000e+00, v14;
	v14 =	vpop (erf)  }
0x1a3: {  	(erf) = vrcp.f32 v23;
	v18 =	vadd.f32 $1.000000000e+00, v14;
	v14 =	vbroadcast v15, $0x1;
	v15 =	vpop (erf)  }
0x1a4: {  	v19 =	vadd.f32 $1.000000000e+00, v15;
	v15 =	vbroadcast v7, $0x1;
	(erf) = vrcp.f32 v16;
	v7 =	vpop (erf)  }
0x1a5: {  	v16 =	vbroadcast v9, $0x1;
	v23 =	vadd.f32 $1.000000000e+00, v7;
	(erf) = vrcp.f32 v18;
	v7 =	vpop (erf)  }
0x1a6: {  	v9 =	vbroadcast v25, $0x0;
	v18 =	vadd.f32 $1.000000000e+00, v7;
	(erf) = vrcp.f32 v19  }
0x1a7: {  	v20 =	vadd.s32 v20, v21;
	v7 =	vbroadcast v3, $0x0;
	(erf) = vrcp.f32 v23  }
0x1a8: {  	[tilespmem:v59+s2+$0x0] =	vst.idx.add.f32.msk $0xffff, v62;
	v19 =	vadd.s32 v5, v4;
	v5 =	vbroadcast v26, $0x0;
	(erf) = vrcp.f32 v18  }
0x1a9: {  	s17 =	simm.s32 $0x0;
	s24 =	simm.s32 $0xBDC0;
	[tilespmem:v60+s2+$0x0] =	vst.idx.add.f32.msk $0xffff, v32;
	v4 =	vbroadcast v27, $0x0;
	v3 =	vbroadcast v28, $0x0;
	v18 =	vadd.s32 v63, v22  }
.LBB2_7:
0x1aa: {  	v22 =	vld [tilespmem:s24+$0x60];
	v13 =	vadd.s32 v17, v13;
	v8 =	vbroadcast v8, $0x0;
	v6 =	vbroadcast v6, $0x0;
	s0 =	sadd.s32 $0x100, s0  }
0x1ab: {  	v12 =	vadd.s32 v14, v12;
	v11 =	vadd.s32 v15, v11;
	v10 =	vadd.s32 v16, v10;
	v17 =	vld [tilespmem:s0+$0x60];
	v14 =	vpop (erf)  }
0x1ac: {  	s17 =	sadd.s32 $0x8, s17;
	v37 =	vadd.s32 v0, v20;
	v33 =	vadd.s32 v2, v20;
	v15 =	vld [tilespmem:s0+$0xFFFFFF80];
	v36 =	vmul.f32 v14, v9;
	v14 =	vpop (erf)  }
0x1ad: {  	v35 =	vadd.s32 v0, v19;
	v31 =	vadd.s32 v2, v19;
	p1 =	slt.u32 s17, $0x268;
	v20 =	vld [tilespmem:s24+$0xFFFFFFA0];
	v34 =	vmul.f32 v14, v7;
	v14 =	vpop (erf)  }
0x1ae: {  	v32 =	vadd.s32 v0, v18;
	v28 =	vadd.s32 v2, v18;
	v19 =	vld [tilespmem:s0+$0xFFFFFFA0];
	v29 =	vmul.f32 v14, v5;
	v14 =	vpop (erf)  }
0x1af: {  	v27 =	vadd.s32 v0, v13;
	v21 =	vadd.s32 v2, v13;
	v30 =	vld [tilespmem:s24+$0xFFFFFFC0];
	v26 =	vmul.f32 v14, v4;
	v13 =	vpop (erf)  }
0x1b0: {  	v23 =	vadd.s32 v0, v12;
	v14 =	vld [tilespmem:s0+$0xFFFFFFC0];
	v39 =	vmin.f32 v22, v17;
	v22 =	vmul.f32 v13, v3;
	v13 =	vpop (erf)  }
0x1b1: {  	v24 =	vadd.s32 v2, v12;
	v38 =	vld [tilespmem:s24+$0xFFFFFFE0];
	v40 =	vmul.f32 $6.818181990e+00, v39;
	v17 =	vmul.f32 v13, v8;
	v12 =	vpop (erf)  }
0x1b2: {  	v25 =	vadd.s32 v0, v11;
	v18 =	vadd.s32 v2, v11;
	v13 =	vld [tilespmem:s0+$0xFFFFFFE0];
	v16 =	vmul.f32 v12, v6  }
0x1b3: {  	v11 =	vmin.f32 v20, v19;
	v12 =	vld [tilespmem:s24+$0x0];
	v40 =	vadd.f32 $8.000000000e+00, v40;
	v19 =	vadd.s32 v0, v10  }
0x1b4: {  	v20 =	vadd.s32 v2, v10;
	v41 =	vmul.f32 $6.818181990e+00, v11;
	v42 =	vmul.f32 $5.000000000e+02, v11;
	v11 =	vld [tilespmem:s0+$0x0]  }
0x1b5: {  	v10 =	vmin.f32 v30, v14;
	v14 =	vld [tilespmem:s24+$0x20];
	v30 =	vmax.f32 v40, $0.0e+00  }
0x1b6: {  	v40 =	vadd.f32 $8.000000000e+00, v41;
	v41 =	vmul.f32 $6.818181990e+00, v10;
	v43 =	vld [tilespmem:s0+$0x20];
	v30 =	vmin.f32 v30, $1.500000000e+01  }
0x1b7: {  	v44 =	vmul.f32 $5.000000000e+02, v10;
	v10 =	vmin.f32 v38, v13;
	v13 =	vld [tilespmem:s24+$0x40];
	v30 =	vtrunc.f32 v30  }
0x1b8: {  	v41 =	vadd.f32 $8.000000000e+00, v41;
	v45 =	vmul.f32 $6.818181990e+00, v10;
	v46 =	vld [tilespmem:s0+$0x40];
	v38 =	vcvt.f32.s32 v30  }
0x1b9: {  	v40 =	vmax.f32 v40, $0.0e+00;
	v48 =	vmul.f32 $5.000000000e+02, v10;
	v47 =	vld [tilespmem:s24+$0xFFFFFF80];
	v49 =	vmin.f32 v12, v11  }
0x1ba: {  	v39 =	vmul.f32 $5.000000000e+02, v39;
	v30 =	vld [tilespmem:s24+$0xFFFFFF90];
	v45 =	vadd.f32 $8.000000000e+00, v45;
	v12 =	vcvt.s32.f32 v38  }
0x1bb: {  	v41 =	vmax.f32 v41, $0.0e+00;
	v50 =	vmul.f32 $6.818181990e+00, v49;
	v10 =	vld [tilespmem:s24+$0xFFFFFFB0];
	v43 =	vmin.f32 v14, v43  }
0x1bc: {  	v39 =	vadd.f32 $5.500000000e+02, v39;
	v11 =	vld [tilespmem:s24+$0xFFFFFFD0];
	v51 =	vmul.f32 $6.818181990e+00, v43;
	v14 =	vmul.f32 $7.333333590e+01, v12  }
0x1bd: {  	v45 =	vmax.f32 v45, $0.0e+00;
	v50 =	vadd.f32 $8.000000000e+00, v50;
	v12 =	vld [tilespmem:s24+$0xFFFFFFF0];
	v46 =	vmin.f32 v13, v46  }
0x1be: {  	v47 =	vmin.f32 v47, v15;
	v13 =	vld [tilespmem:s24+$0x10];
	v52 =	vmul.f32 $6.818181990e+00, v46;
	v39 =	vsub.f32 v39, v14  }
0x1bf: {  	v50 =	vmax.f32 v50, $0.0e+00;
	v51 =	vadd.f32 $8.000000000e+00, v51;
	v53 =	vmul.f32 $6.818181990e+00, v47;
	v14 =	vld [tilespmem:s24+$0x30]  }
0x1c0: {  	v40 =	vmin.f32 v40, $1.500000000e+01;
	v15 =	vld [tilespmem:s24+$0x50];
	v52 =	vadd.f32 $8.000000000e+00, v52;
	v39 =	vmin.f32 v39, $3.000000000e+01  }
0x1c1: {  	v51 =	vmax.f32 v51, $0.0e+00;
	v54 =	vld [tilespmem:s0+$0xFFFFFF90];
	v53 =	vadd.f32 $8.000000000e+00, v53;
	v39 =	vmul.f32 $1.442695020e+00, v39  }
0x1c2: {  	v41 =	vmin.f32 v41, $1.500000000e+01;
	v45 =	vmin.f32 v45, $1.500000000e+01;
	v55 =	vld [tilespmem:s0+$0xFFFFFFB0];
	v52 =	vmax.f32 v52, $0.0e+00  }
0x1c3: {  	v50 =	vmin.f32 v50, $1.500000000e+01;
	v53 =	vmax.f32 v53, $0.0e+00;
	v56 =	vld [tilespmem:s0+$0xFFFFFFD0];
	(erf) = vpow2.f32 v39  }
0x1c4: {  	v51 =	vmin.f32 v51, $1.500000000e+01;
	v52 =	vmin.f32 v52, $1.500000000e+01;
	v39 =	vmin.f32 v53, $1.500000000e+01;
	v53 =	vld [tilespmem:s0+$0xFFFFFFF0]  }
0x1c5: {  	v42 =	vadd.f32 $5.500000000e+02, v42;
	v40 =	vtrunc.f32 v40;
	v39 =	vtrunc.f32 v39;
	v57 =	vld [tilespmem:s0+$0x10]  }
0x1c6: {  	v44 =	vadd.f32 $5.500000000e+02, v44;
	v41 =	vtrunc.f32 v41;
	v45 =	vtrunc.f32 v45;
	v58 =	vld [tilespmem:s0+$0x30]  }
0x1c7: {  	v48 =	vadd.f32 $5.500000000e+02, v48;
	v50 =	vtrunc.f32 v50;
	v51 =	vtrunc.f32 v51;
	v59 =	vld [tilespmem:s0+$0x50]  }
0x1c8: {  	v52 =	vtrunc.f32 v52;
	v54 =	vmax.f32 v30, v54;
	v39 =	vcvt.f32.s32 v39;
	[tilespmem:v37+s2+$0x0] =	vst.idx.add.f32.msk $0xffff, v36  }
0x1c9: {  	v40 =	vcvt.f32.s32 v40;
	v55 =	vmax.f32 v10, v55;
	v36 =	vcvt.f32.s32 v41;
	[tilespmem:v33+s2+$0x0] =	vst.idx.add.f32.msk $0xffff, v9  }
0x1ca: {  	v41 =	vmax.f32 v11, v56;
	v37 =	vcvt.f32.s32 v45;
	v33 =	vcvt.f32.s32 v50;
	[tilespmem:v35+s2+$0x0] =	vst.idx.add.f32.msk $0xffff, v34  }
0x1cb: {  	v9 =	vcvt.f32.s32 v52;
	v35 =	vmax.f32 v12, v53;
	v34 =	vcvt.f32.s32 v51;
	v45 =	vld [tilespmem:s24+$0x70]  }
0x1cc: {  	v50 =	vcvt.s32.f32 v39;
	v51 =	vcvt.s32.f32 v40;
	v52 =	vmax.f32 v13, v57;
	v53 =	vpop (erf);
	[tilespmem:v31+s2+$0x0] =	vst.idx.add.f32.msk $0xffff, v7  }
0x1cd: {  	v56 =	vcvt.s32.f32 v37;
	v31 =	vcvt.s32.f32 v36;
	v7 =	vadd.f32 $1.000000000e+00, v53;
	[tilespmem:v32+s2+$0x0] =	vst.idx.add.f32.msk $0xffff, v29  }
0x1ce: {  	v29 =	vcvt.s32.f32 v33;
	v32 =	vmax.f32 v14, v58;
	v53 =	vcvt.s32.f32 v34;
	[tilespmem:v28+s2+$0x0] =	vst.idx.add.f32.msk $0xffff, v5  }
0x1cf: {  	v57 =	vcvt.s32.f32 v9;
	v28 =	vmax.f32 v15, v59;
	v58 =	vld [tilespmem:s0+$0x70];
	(erf) = vrcp.f32 v7  }
0x1d0: {  	v47 =	vmul.f32 $5.000000000e+02, v47;
	v5 =	vsub.f32 $0.0e+00, v54;
	v54 =	vtrunc.f32 v45;
	[tilespmem:v27+s2+$0x0] =	vst.idx.add.f32.msk $0xffff, v26  }
0x1d1: {  	v7 =	vsub.f32 $0.0e+00, v55;
	v26 =	vmul.f32 $5.000000000e+02, v49;
	v27 =	vcvt.f32.s32 v54;
	[tilespmem:v21+s2+$0x0] =	vst.idx.add.f32.msk $0xffff, v4  }
0x1d2: {  	v4 =	vadd.f32 $5.500000000e+02, v47;
	v21 =	vmul.f32 $5.000000000e+02, v43;
	v43 =	vmul.f32 $5.000000000e+02, v46;
	[tilespmem:v23+s2+$0x0] =	vst.idx.add.f32.msk $0xffff, v22  }
0x1d3: {  	v22 =	vmul.f32 $7.333333590e+01, v50;
	v23 =	vadd.f32 $5.500000000e+02, v26;
	v26 =	vbroadcast v27, $0x1;
	[tilespmem:v24+s2+$0x0] =	vst.idx.add.f32.msk $0xffff, v3  }
0x1d4: {  	v3 =	vmul.f32 $7.333333590e+01, v51;
	v27 =	vshll.u32 v38, $0x4;
	v24 =	vmax.f32 v45, v58;
	[tilespmem:v25+s2+$0x0] =	vst.idx.add.f32.msk $0xffff, v17  }
0x1d5: {  	v17 =	vmul.f32 $7.333333590e+01, v31;
	v24 =	vsub.f32 $0.0e+00, v24;
	v25 =	vadd.s32 v26, v27;
	[tilespmem:v18+s2+$0x0] =	vst.idx.add.f32.msk $0xffff, v8  }
0x1d6: {  	v8 =	vmul.f32 $7.333333590e+01, v56;
	v18 =	vmul.f32 $7.333333590e+01, v29;
	v26 =	vadd.s32 v0, v25;
	[tilespmem:v19+s2+$0x0] =	vst.idx.add.f32.msk $0xffff, v16  }
0x1d7: {  	v16 =	vmul.f32 $7.333333590e+01, v53;
	v19 =	vbroadcast v24, $0x0;
	v24 =	vadd.s32 v2, v25;
	[tilespmem:v20+s2+$0x0] =	vst.idx.add.f32.msk $0xffff, v6  }
0x1d8: {  	v6 =	vadd.f32 $5.500000000e+02, v21;
	v20 =	vmul.f32 $7.333333590e+01, v57;
	v21 =	vadd.f32 $5.500000000e+02, v43;
	v25 =	vpop (erf)  }
0x1d9: {  	v4 =	vsub.f32 v4, v22;
	v3 =	vsub.f32 v42, v3;
	v22 =	vmul.f32 v25, v19  }
0x1da: {  	v17 =	vsub.f32 v44, v17;
	v8 =	vsub.f32 v48, v8;
	v25 =	vtrunc.f32 v30  }
0x1db: {  	v4 =	vmin.f32 v4, $3.000000000e+01;
	v18 =	vsub.f32 v23, v18;
	v6 =	vsub.f32 v6, v16;
	[tilespmem:v26+s2+$0x0] =	vst.idx.add.f32.msk $0xffff, v22  }
0x1dc: {  	v3 =	vmin.f32 v3, $3.000000000e+01;
	v16 =	vmin.f32 v17, $3.000000000e+01;
	v17 =	vsub.f32 v21, v20;
	[tilespmem:v24+s2+$0x0] =	vst.idx.add.f32.msk $0xffff, v19  }
0x1dd: {  	v8 =	vmin.f32 v8, $3.000000000e+01;
	v18 =	vmin.f32 v18, $3.000000000e+01;
	v6 =	vmin.f32 v6, $3.000000000e+01  }
0x1de: {  	v4 =	vmul.f32 $1.442695020e+00, v4;
	v3 =	vmul.f32 $1.442695020e+00, v3;
	v17 =	vmin.f32 v17, $3.000000000e+01  }
0x1df: {  	v21 =	vsub.f32 $0.0e+00, v41;
	v16 =	vmul.f32 $1.442695020e+00, v16;
	v19 =	vmul.f32 $1.442695020e+00, v8  }
0x1e0: {  	v18 =	vmul.f32 $1.442695020e+00, v18;
	v22 =	vsub.f32 $0.0e+00, v35;
	v20 =	vmul.f32 $1.442695020e+00, v6  }
0x1e1: {  	v23 =	vsub.f32 $0.0e+00, v52;
	v17 =	vmul.f32 $1.442695020e+00, v17;
	(erf) = vpow2.f32 v4  }
0x1e2: {  	v8 =	vsub.f32 $0.0e+00, v32;
	v4 =	vtrunc.f32 v10;
	(erf) = vpow2.f32 v3  }
0x1e3: {  	v6 =	vsub.f32 $0.0e+00, v28;
	v3 =	vtrunc.f32 v11;
	(erf) = vpow2.f32 v16  }
0x1e4: {  	v24 =	vshll.u32 v39, $0x4;
	v10 =	vtrunc.f32 v12;
	(erf) = vpow2.f32 v19  }
0x1e5: {  	v16 =	vtrunc.f32 v13;
	v19 =	vshll.u32 v40, $0x4;
	(erf) = vpow2.f32 v18  }
0x1e6: {  	v14 =	vtrunc.f32 v14;
	v18 =	vshll.u32 v36, $0x4;
	(erf) = vpow2.f32 v20  }
0x1e7: {  	v15 =	vtrunc.f32 v15;
	v13 =	vshll.u32 v37, $0x4;
	(erf) = vpow2.f32 v17  }
0x1e8: {  	v12 =	vshll.u32 v33, $0x4;
	v4 =	vcvt.f32.s32 v4;
	v17 =	vcvt.f32.s32 v25  }
0x1e9: {  	v11 =	vshll.u32 v34, $0x4;
	v3 =	vcvt.f32.s32 v3;
	v20 =	vcvt.f32.s32 v10  }
0x1ea: {  	v16 =	vcvt.f32.s32 v16;
	v10 =	vshll.u32 v9, $0x4;
	v25 =	vcvt.f32.s32 v14;
	v9 =	vpop (erf)  }
0x1eb: {  	v27 =	vcvt.f32.s32 v15;
	v26 =	vbroadcast v17, $0x1;
	v1 =	vadd.f32 $1.000000000e+00, v9;
	v14 =	vpop (erf)  }
0x1ec: {  	v4 =	vbroadcast v4, $0x1;
	v3 =	vbroadcast v3, $0x1;
	v29 =	vadd.f32 $1.000000000e+00, v14;
	v14 =	vpop (erf)  }
0x1ed: {  	v17 =	vbroadcast v20, $0x1;
	v28 =	vadd.f32 $1.000000000e+00, v14;
	(erf) = vrcp.f32 v1;
	v9 =	vpop (erf)  }
0x1ee: {  	v14 =	vbroadcast v16, $0x1;
	v9 =	vadd.f32 $1.000000000e+00, v9;
	(erf) = vrcp.f32 v29;
	v15 =	vpop (erf)  }
0x1ef: {  	v20 =	vadd.f32 $1.000000000e+00, v15;
	v15 =	vbroadcast v25, $0x1;
	(erf) = vrcp.f32 v28;
	v16 =	vpop (erf)  }
.Ltmp2:
0x1f0: {  	v25 =	vadd.f32 $1.000000000e+00, v16;
	v16 =	vbroadcast v27, $0x1;
	(erf) = vrcp.f32 v9;
	v27 =	vpop (erf);
	(pc) =	sbr.rel @p1 .LBB2_7-.Ltmp2, $4  }
0x1f1: {  	v9 =	vbroadcast v5, $0x0;
	v27 =	vadd.f32 $1.000000000e+00, v27;
	(erf) = vrcp.f32 v20  }
0x1f2: {  	v7 =	vbroadcast v7, $0x0;
	v20 =	vadd.s32 v26, v24;
	(erf) = vrcp.f32 v25  }
0x1f3: {  	v19 =	vadd.s32 v4, v19;
	v5 =	vbroadcast v21, $0x0;
	(erf) = vrcp.f32 v27  }
0x1f4: {  	s24 =	sadd.s32 $0x100, s24;
	v4 =	vbroadcast v22, $0x0;
	v18 =	vadd.s32 v3, v18;
	v3 =	vbroadcast v23, $0x0  }
0x1f5: {  	v21 =	vadd.s32 v0, v20  }
0x1f6: {  	v23 =	vadd.s32 v0, v19  }
0x1f7: {  	v38 =	vadd.s32 v2, v20;
	v22 =	vpop (erf)  }
0x1f8: {  	v39 =	vadd.s32 v2, v19;
	v22 =	vmul.f32 v22, v9;
	v40 =	vpop (erf)  }
0x1f9: {  	v13 =	vadd.s32 v17, v13;
	v24 =	vadd.s32 v0, v18;
	v17 =	vmul.f32 v40, v7  }
0x1fa: {  	v41 =	vadd.s32 v2, v18;
	[tilespmem:v21+s2+$0x0] =	vst.idx.add.f32.msk $0xffff, v22  }
0x1fb: {  	v12 =	vadd.s32 v14, v12;
	v43 =	vadd.s32 v0, v13;
	v42 =	vpop (erf);
	[tilespmem:v23+s2+$0x0] =	vst.idx.add.f32.msk $0xffff, v17  }
0x1fc: {  	v13 =	vadd.s32 v2, v13;
	v44 =	vmul.f32 v42, v5;
	[tilespmem:v38+s2+$0x0] =	vst.idx.add.f32.msk $0xffff, v9  }
0x1fd: {  	v11 =	vadd.s32 v15, v11;
	v46 =	vadd.s32 v0, v12;
	v45 =	vpop (erf);
	[tilespmem:v39+s2+$0x0] =	vst.idx.add.f32.msk $0xffff, v7  }
0x1fe: {  	v12 =	vadd.s32 v2, v12;
	v47 =	vmul.f32 v45, v4;
	[tilespmem:v24+s2+$0x0] =	vst.idx.add.f32.msk $0xffff, v44  }
0x1ff: {  	v48 =	vadd.s32 v16, v10;
	v50 =	vadd.s32 v0, v11;
	v49 =	vpop (erf);
	[tilespmem:v41+s2+$0x0] =	vst.idx.add.f32.msk $0xffff, v5  }
0x200: {  	v51 =	vbroadcast v8, $0x0;
	v53 =	vadd.s32 v2, v11;
	v52 =	vmul.f32 v49, v3;
	[tilespmem:v43+s2+$0x0] =	vst.idx.add.f32.msk $0xffff, v47  }
0x201: {  	v55 =	vadd.s32 v0, v48;
	v54 =	vpop (erf);
	[tilespmem:v13+s2+$0x0] =	vst.idx.add.f32.msk $0xffff, v4  }
0x202: {  	v56 =	vbroadcast v6, $0x0;
	v58 =	vadd.s32 v2, v48;
	v57 =	vmul.f32 v54, v51;
	[tilespmem:v46+s2+$0x0] =	vst.idx.add.f32.msk $0xffff, v52  }
0x203: {  	v59 =	vpop (erf);
	[tilespmem:v12+s2+$0x0] =	vst.idx.add.f32.msk $0xffff, v3  }
0x204: {  	v3 =	vmul.f32 v59, v56;
	[tilespmem:v50+s2+$0x0] =	vst.idx.add.f32.msk $0xffff, v57  }
0x205: {  	[tilespmem:v53+s2+$0x0] =	vst.idx.add.f32.msk $0xffff, v51  }
0x206: {  	[tilespmem:v55+s2+$0x0] =	vst.idx.add.f32.msk $0xffff, v3  }
0x207: {  	[tilespmem:v58+s2+$0x0] =	vst.idx.add.f32.msk $0xffff, v56  }
0x208: {  	v3 =	vld [tilespmem:$0x10A40]  }
0x209: {  	v4 =	vld [tilespmem:$0x15860];
	_ =	sdelay $0x4  }
0x20a: {  	v3 =	vmin.f32 v3, v4  }
0x20b: {  	v4 =	vmul.f32 $6.818181990e+00, v3;
	_ =	sdelay $0x1  }
0x20c: {  	v4 =	vadd.f32 $8.000000000e+00, v4;
	_ =	sdelay $0x1  }
0x20d: {  	v4 =	vmax.f32 v4, $0.0e+00  }
0x20e: {  	v4 =	vmin.f32 v4, $1.500000000e+01  }
0x20f: {  	v4 =	vtrunc.f32 v4  }
0x210: {  	v4 =	vcvt.f32.s32 v4;
	_ =	sdelay $0x1  }
0x211: {  	v3 =	vmul.f32 $5.000000000e+02, v3;
	v60 =	vcvt.s32.f32 v4;
	_ =	sdelay $0x1  }
0x212: {  	v3 =	vadd.f32 $5.500000000e+02, v3;
	v5 =	vmul.f32 $-7.333333590e+01, v60;
	_ =	sdelay $0x1  }
0x213: {  	v3 =	vadd.f32 v5, v3;
	_ =	sdelay $0x1  }
0x214: {  	v3 =	vmin.f32 v3, $3.000000000e+01  }
0x215: {  	v3 =	vmul.f32 $1.442695020e+00, v3;
	_ =	sdelay $0x1  }
0x216: {  	(erf) = vpow2.f32 v3;
	_ =	sdelay $0x7  }
0x217: {  	v3 =	vld [tilespmem:$0x10A50]  }
0x218: {  	v61 =	vpop (erf)  }
0x219: {  	v5 =	vadd.f32 $1.000000000e+00, v61;
	_ =	sdelay $0x1  }
0x21a: {  	v6 =	vld [tilespmem:$0x15870];
	(erf) = vrcp.f32 v5  }
0x21b: {  	v62 =	vtrunc.f32 v3  }
0x21c: {  	v5 =	vcvt.f32.s32 v62;
	_ =	sdelay $0x1  }
0x21d: {  	v5 =	vbroadcast v5, $0x1  }
0x21e: {  	v4 =	vshll.u32 v4, $0x4;
	v3 =	vmax.f32 v3, v6  }
0x21f: {  	v3 =	vsub.f32 $0.0e+00, v3;
	v4 =	vadd.s32 v5, v4  }
0x220: {  	v5 =	vadd.s32 v0, v4  }
0x221: {  	v3 =	vbroadcast v3, $0x0;
	v4 =	vadd.s32 v2, v4  }
.Ltmp3:
0x222: {  	v63 =	vpop (erf);
	(pc) =	sbr.rel @p0 .LBB2_10-.Ltmp3, $3  }
0x223: {  	v6 =	vmul.f32 v63, v3;
	_ =	sdelay $0x1  }
0x224: {  	[tilespmem:v5+s2+$0x0] =	vst.idx.add.f32.msk $0xffff, v6  }
0x225: {  	[tilespmem:v4+s2+$0x0] =	vst.idx.add.f32.msk $0xffff, v3  }
0x226: {  	s0 =	smul.u32 $0x500, s30;
	_ =	sdelay $0x1  }
0x227: {  	s17 =	sadd.s32 $0x18800, s0  }
0x228: {  	[tilespmem:s1], [sflag:$0x3] =	stream.indirect.gather [hbm4b:s3+s19], $0x20, s17, s19, $0xb8;
	[tilespmem:$0x1B000] =	vst v63  }
0x229: {  	s24 =	sadd.s32 $0x19C00, s0  }
0x22a: {  	[tilespmem:s26], [sflag:$0x3] =	stream.indirect.gather [hbm4b:s3+s19], $0x20, s24, s19, $0xb8;
	[tilespmem:$0x1B000] =	vst v63  }
0x22b: {  	s29 =	sadd.s32 $0x18880, s0  }
0x22c: {  	[tilespmem:s22], [sflag:$0x3] =	stream.indirect.gather [hbm4b:s3+s19], $0x20, s29, s19, $0xb8;
	[tilespmem:$0x1B000] =	vst v63  }
0x22d: {  	s24 =	sadd.s32 $0x19C80, s0  }
0x22e: {  	[tilespmem:s31], [sflag:$0x3] =	stream.indirect.gather [hbm4b:s3+s19], $0x20, s24, s19, $0xb8;
	[tilespmem:$0x1B000] =	vst v63  }
0x22f: {  	s29 =	sadd.s32 $0x18900, s0  }
0x230: {  	[tilespmem:s12], [sflag:$0x3] =	stream.indirect.gather [hbm4b:s3+s19], $0x20, s29, s19, $0xb8;
	[tilespmem:$0x1B000] =	vst v63  }
0x231: {  	s24 =	sadd.s32 $0x19D00, s0  }
0x232: {  	[tilespmem:s13], [sflag:$0x3] =	stream.indirect.gather [hbm4b:s3+s19], $0x20, s24, s19, $0xb8;
	[tilespmem:$0x1B000] =	vst v63  }
0x233: {  	s29 =	sadd.s32 $0x18980, s0  }
0x234: {  	[tilespmem:s14], [sflag:$0x3] =	stream.indirect.gather [hbm4b:s3+s19], $0x20, s29, s19, $0xb8;
	[tilespmem:$0x1B000] =	vst v63  }
0x235: {  	s24 =	sadd.s32 $0x19D80, s0  }
0x236: {  	[tilespmem:s15], [sflag:$0x3] =	stream.indirect.gather [hbm4b:s3+s19], $0x20, s24, s19, $0xb8;
	[tilespmem:$0x1B000] =	vst v63  }
.Ltmp4:
0x237: {  	_ = 	snop;
	(pc) =	sbr.rel .LBB2_4-.Ltmp4, $4  }
0x238: {  	s29 =	sadd.s32 $0x18A00, s0  }
0x239: {  	[tilespmem:s16], [sflag:$0x3] =	stream.indirect.gather [hbm4b:s3+s19], $0x20, s29, s19, $0xb8;
	[tilespmem:$0x1B000] =	vst v63  }
0x23a: {  	s30 =	sadd.s32 $0x1, s30;
	s0 =	sadd.s32 $0x19E00, s0  }
0x23b: {  	[tilespmem:s20], [sflag:$0x3] =	stream.indirect.gather [hbm4b:s3+s19], $0x20, s0, s19, $0xb8;
	[tilespmem:$0x1B000] =	vst v63  }
.LBB2_10:
0x23c: {  	s0 =	simm.s32 $0x1A880;
	s17 =	simm.s32 $0x2000  }
0x23d: {  	[tilespmem:s17], [sflag:$0x2] =	stream.indirect.gather [hbm4b:s3+s19], $0x20, s0, s19, $0xb8;
	[tilespmem:$0x1B000] =	vst v63  }
0x23e: {  	s24 =	simm.s32 $0x1AB00;
	s29 =	simm.s32 $0x6E20  }
0x23f: {  	[tilespmem:s29], [sflag:$0x2] =	stream.indirect.gather [hbm4b:s3+s19], $0x20, s24, s19, $0xb8;
	[tilespmem:$0x1B000] =	vst v63  }
0x240: {  	s17 =	simm.s32 $0x1AD80  }
0x241: {  	[tilespmem:s1], [sflag:$0x2] =	stream.indirect.gather [hbm4b:s3+s19], $0x20, s17, s19, $0xb8;
	[tilespmem:$0x1B000] =	vst v63  }
0x242: {  	s24 =	simm.s32 $0x2FA0;
	s29 =	simm.s32 $0x1A900  }
0x243: {  	[tilespmem:s24], [sflag:$0x2] =	stream.indirect.gather [hbm4b:s3+s19], $0x20, s29, s19, $0xb8;
	[tilespmem:$0x1B000] =	vst v63  }
0x244: {  	s24 =	simm.s32 $0x7DC0;
	s29 =	simm.s32 $0x1AB80  }
0x245: {  	[tilespmem:s24], [sflag:$0x2] =	stream.indirect.gather [hbm4b:s3+s19], $0x20, s29, s19, $0xb8;
	[tilespmem:$0x1B000] =	vst v63  }
0x246: {  	s17 =	simm.s32 $0x1AE00  }
0x247: {  	[tilespmem:s22], [sflag:$0x2] =	stream.indirect.gather [hbm4b:s3+s19], $0x20, s17, s19, $0xb8;
	[tilespmem:$0x1B000] =	vst v63  }
0x248: {  	s24 =	simm.s32 $0x3F40;
	s29 =	simm.s32 $0x1A980  }
0x249: {  	[tilespmem:s24], [sflag:$0x2] =	stream.indirect.gather [hbm4b:s3+s19], $0x20, s29, s19, $0xb8;
	[tilespmem:$0x1B000] =	vst v63  }
0x24a: {  	s24 =	simm.s32 $0x8D60;
	s29 =	simm.s32 $0x1AC00  }
0x24b: {  	[tilespmem:s24], [sflag:$0x2] =	stream.indirect.gather [hbm4b:s3+s19], $0x20, s29, s19, $0xb8;
	[tilespmem:$0x1B000] =	vst v63  }
0x24c: {  	s17 =	simm.s32 $0x1AE80  }
0x24d: {  	[tilespmem:s12], [sflag:$0x2] =	stream.indirect.gather [hbm4b:s3+s19], $0x20, s17, s19, $0xb8;
	[tilespmem:$0x1B000] =	vst v63  }
0x24e: {  	s24 =	simm.s32 $0x4EE0;
	s29 =	simm.s32 $0x1AA00  }
0x24f: {  	[tilespmem:s24], [sflag:$0x2] =	stream.indirect.gather [hbm4b:s3+s19], $0x20, s29, s19, $0xb8;
	[tilespmem:$0x1B000] =	vst v63  }
0x250: {  	s24 =	simm.s32 $0x9D00;
	s29 =	simm.s32 $0x1AC80  }
0x251: {  	[tilespmem:s24], [sflag:$0x2] =	stream.indirect.gather [hbm4b:s3+s19], $0x20, s29, s19, $0xb8;
	[tilespmem:$0x1B000] =	vst v63  }
0x252: {  	s17 =	simm.s32 $0x1AF00  }
0x253: {  	[tilespmem:s14], [sflag:$0x2] =	stream.indirect.gather [hbm4b:s3+s19], $0x20, s17, s19, $0xb8;
	[tilespmem:$0x1B000] =	vst v63  }
0x254: {  	s24 =	simm.s32 $0x5E80;
	s29 =	simm.s32 $0x1AA80  }
0x255: {  	[tilespmem:s24], [sflag:$0x2] =	stream.indirect.gather [hbm4b:s3+s19], $0x20, s29, s19, $0xb8;
	[tilespmem:$0x1B000] =	vst v63  }
0x256: {  	s24 =	simm.s32 $0xACA0;
	s29 =	simm.s32 $0x1AD00  }
0x257: {  	[tilespmem:s24], [sflag:$0x2] =	stream.indirect.gather [hbm4b:s3+s19], $0x20, s29, s19, $0xb8;
	[tilespmem:$0x1B000] =	vst v63  }
0x258: {  	s24 =	simm.s32 $0x1AF80  }
0x259: {  	[tilespmem:s16], [sflag:$0x2] =	stream.indirect.gather [hbm4b:s3+s19], $0x20, s24, s19, $0xb8;
	[tilespmem:$0x1B000] =	vst v63  }
0x25a: {  	_ =	swait.ge [sflag:s21], $0xFA0  }
0x25b: {  	[sflag:s21] =	ssyncset.done $0x0  }
0x25c: {  	[sflag:s21] =	ssyncadd.s32 $0xFFFFF060  }
0x25d: {  	_ =	swait.ge [sflag:s21], $0xFA0  }
0x25e: {  	[sflag:s21] =	ssyncset.done $0x0  }
0x25f: {  	[sflag:s21] =	ssyncadd.s32 $0xFFFFF060  }
0x260: {  	_ =	swait.ge [sflag:s21], $0xFA0  }
0x261: {  	[sflag:s21] =	ssyncset.done $0x0  }
0x262: {  	[sflag:s21] =	ssyncadd.s32 $0xFFFFF060  }
0x263: {  	_ =	swait.ge [sflag:s21], $0xFA0  }
0x264: {  	[sflag:s21] =	ssyncset.done $0x0  }
0x265: {  	[sflag:s21] =	ssyncadd.s32 $0xFFFFF060  }
0x266: {  	_ =	swait.ge [sflag:s21], $0xFA0  }
0x267: {  	[sflag:s21] =	ssyncset.done $0x0  }
0x268: {  	[sflag:s21] =	ssyncadd.s32 $0xFFFFF060  }
0x269: {  	_ =	swait.ge [sflag:s21], $0xFA0  }
0x26a: {  	[sflag:s21] =	ssyncset.done $0x0  }
0x26b: {  	[sflag:s21] =	ssyncadd.s32 $0xFFFFF060  }
0x26c: {  	_ =	swait.ge [sflag:s21], $0xFA0  }
0x26d: {  	[sflag:s21] =	ssyncset.done $0x0  }
0x26e: {  	[sflag:s21] =	ssyncadd.s32 $0xFFFFF060  }
0x26f: {  	_ =	swait.ge [sflag:s21], $0xFA0  }
0x270: {  	[sflag:s21] =	ssyncset.done $0x0  }
0x271: {  	[sflag:s21] =	ssyncadd.s32 $0xFFFFF060  }
0x272: {  	_ =	swait.ge [sflag:s21], $0xFA0  }
0x273: {  	[sflag:s21] =	ssyncset.done $0x0  }
0x274: {  	[sflag:s21] =	ssyncadd.s32 $0xFFFFF060  }
0x275: {  	_ =	swait.ge [sflag:s21], $0xFA0  }
0x276: {  	[sflag:s21] =	ssyncset.done $0x0  }
0x277: {  	[sflag:s21] =	ssyncadd.s32 $0xFFFFF060  }
0x278: {  	_ =	swait.ge [sflag:s21], $0xFA0  }
0x279: {  	[sflag:s21] =	ssyncset.done $0x0  }
0x27a: {  	[sflag:s21] =	ssyncadd.s32 $0xFFFFF060  }
0x27b: {  	_ =	swait.ge [sflag:s21], $0xFA0  }
0x27c: {  	[sflag:s21] =	ssyncset.done $0x0  }
0x27d: {  	[sflag:s21] =	ssyncadd.s32 $0xFFFFF060  }
0x27e: {  	_ =	swait.ge [sflag:s21], $0xFA0  }
0x27f: {  	[sflag:s21] =	ssyncset.done $0x0  }
0x280: {  	[sflag:s21] =	ssyncadd.s32 $0xFFFFF060  }
0x281: {  	_ =	swait.ge [sflag:s21], $0xFA0  }
0x282: {  	[sflag:s21] =	ssyncset.done $0x0  }
0x283: {  	[sflag:s21] =	ssyncadd.s32 $0xFFFFF060  }
0x284: {  	_ =	swait.ge [sflag:s21], $0xFA0  }
0x285: {  	[sflag:s21] =	ssyncset.done $0x0  }
0x286: {  	s29 =	simm.s32 $0x2080;
	[sflag:s21] =	ssyncadd.s32 $0xFFFFF060  }
0x287: {  	s30 =	simm.s32 $0x6EA0;
	v3 =	vld [tilespmem:s29+$0x60]  }
0x288: {  	s0 =	simm.s32 $0xBCC0;
	v4 =	vld [tilespmem:s30+$0x60]  }
0x289: {  	v5 =	vld [tilespmem:s0+$0x60]  }
0x28a: {  	v6 =	vld [tilespmem:s30+$0xFFFFFF80]  }
0x28b: {  	v7 =	vld [tilespmem:s29+$0xFFFFFFA0]  }
0x28c: {  	v8 =	vld [tilespmem:s30+$0xFFFFFFA0]  }
0x28d: {  	v9 =	vld [tilespmem:s29+$0xFFFFFFC0]  }
0x28e: {  	v11 =	vld [tilespmem:s30+$0xFFFFFFE0]  }
0x28f: {  	v12 =	vld [tilespmem:s29+$0x0]  }
0x290: {  	v13 =	vld [tilespmem:s30+$0x0]  }
0x291: {  	v14 =	vld [tilespmem:s29+$0x20]  }
0x292: {  	v15 =	vld [tilespmem:s30+$0x20]  }
0x293: {  	v16 =	vld [tilespmem:s29+$0x40]  }
0x294: {  	v17 =	vld [tilespmem:s30+$0x40];
	v3 =	vmin.f32 v3, v4  }
0x295: {  	v4 =	vld [tilespmem:s30+$0xFFFFFFC0];
	v3 =	vmin.f32 v3, v5  }
0x296: {  	v22 =	vld [tilespmem:s0+$0xFFFFFFC0];
	v10 =	vmul.f32 $6.818181990e+00, v3  }
0x297: {  	v21 =	vld [tilespmem:s0+$0xFFFFFFA0]  }
0x298: {  	v26 =	vld [tilespmem:s29+$0x70];
	v10 =	vadd.f32 $8.000000000e+00, v10  }
0x299: {  	v61 =	vld [tilespmem:s30+$0x70]  }
0x29a: {  	v25 =	vld [tilespmem:s30+$0xFFFFFFB0];
	v4 =	vmin.f32 v9, v4;
	v10 =	vmax.f32 v10, $0.0e+00  }
0x29b: {  	v4 =	vmin.f32 v4, v22;
	v22 =	vld [tilespmem:s29+$0xFFFFFFB0];
	v10 =	vmin.f32 v10, $1.500000000e+01  }
0x29c: {  	v5 =	vld [tilespmem:s29+$0xFFFFFFE0];
	v10 =	vtrunc.f32 v10  }
0x29d: {  	v3 =	vmul.f32 $5.000000000e+02, v3;
	v18 =	vcvt.f32.s32 v10;
	v10 =	vld [tilespmem:s29+$0xFFFFFF80]  }
0x29e: {  	v19 =	vld [tilespmem:s0+$0xFFFFFF80];
	v7 =	vmin.f32 v7, v8;
	v32 =	vtrunc.f32 v26;
	v26 =	vmax.f32 v26, v61  }
0x29f: {  	v63 =	vld [tilespmem:s0+$0xFFFFFFB0];
	v7 =	vmin.f32 v7, v21;
	v32 =	vcvt.f32.s32 v32;
	v3 =	vadd.f32 $5.500000000e+02, v3  }
0x2a0: {  	v8 =	vld [tilespmem:s0+$0xFFFFFFE0];
	v20 =	vcvt.s32.f32 v18;
	v25 =	vmax.f32 v22, v25;
	v22 =	vtrunc.f32 v22  }
0x2a1: {  	v9 =	vld [tilespmem:s0+$0x0];
	v5 =	vmin.f32 v5, v11;
	v11 =	vmin.f32 v14, v15;
	v22 =	vcvt.f32.s32 v22  }
0x2a2: {  	v15 =	vld [tilespmem:s0+$0x40];
	v20 =	vmul.f32 $7.333333590e+01, v20;
	v6 =	vmin.f32 v10, v6;
	v10 =	vmin.f32 v12, v13  }
0x2a3: {  	v13 =	vmin.f32 v16, v17;
	v16 =	vmul.f32 $6.818181990e+00, v7;
	v17 =	vmul.f32 $6.818181990e+00, v4  }
0x2a4: {  	v50 =	vmax.f32 v25, v63;
	v7 =	vmul.f32 $5.000000000e+02, v7;
	v4 =	vmul.f32 $5.000000000e+02, v4  }
0x2a5: {  	v22 =	vbroadcast v22, $0x1;
	v3 =	vsub.f32 v3, v20;
	v6 =	vmin.f32 v6, v19  }
0x2a6: {  	v20 =	vmin.f32 v5, v8;
	v21 =	vmin.f32 v10, v9;
	v14 =	vmul.f32 $6.818181990e+00, v6  }
0x2a7: {  	v13 =	vmin.f32 v13, v15;
	v5 =	vmul.f32 $6.818181990e+00, v20;
	v8 =	vmul.f32 $6.818181990e+00, v21  }
0x2a8: {  	v9 =	vadd.f32 $8.000000000e+00, v16;
	v15 =	vmul.f32 $6.818181990e+00, v13;
	v6 =	vmul.f32 $5.000000000e+02, v6  }
0x2a9: {  	v16 =	vadd.f32 $8.000000000e+00, v17;
	v20 =	vmul.f32 $5.000000000e+02, v20;
	v21 =	vmul.f32 $5.000000000e+02, v21  }
0x2aa: {  	v12 =	vld [tilespmem:s0+$0x20];
	v13 =	vmul.f32 $5.000000000e+02, v13;
	v7 =	vadd.f32 $5.500000000e+02, v7;
	v4 =	vadd.f32 $5.500000000e+02, v4  }
0x2ab: {  	v3 =	vmin.f32 v3, $3.000000000e+01;
	v14 =	vadd.f32 $8.000000000e+00, v14;
	v5 =	vadd.f32 $8.000000000e+00, v5  }
0x2ac: {  	v24 =	vld [tilespmem:s30+$0xFFFFFF90];
	v3 =	vmul.f32 $1.442695020e+00, v3;
	v8 =	vadd.f32 $8.000000000e+00, v8;
	v15 =	vadd.f32 $8.000000000e+00, v15  }
0x2ad: {  	v19 =	vld [tilespmem:s29+$0xFFFFFF90];
	v9 =	vmax.f32 v9, $0.0e+00;
	v6 =	vadd.f32 $5.500000000e+02, v6;
	v20 =	vadd.f32 $5.500000000e+02, v20  }
0x2ae: {  	v16 =	vmax.f32 v16, $0.0e+00;
	v21 =	vadd.f32 $5.500000000e+02, v21;
	v13 =	vadd.f32 $5.500000000e+02, v13  }
0x2af: {  	v23 =	vmin.f32 v11, v12;
	v9 =	vmin.f32 v9, $1.500000000e+01;
	v16 =	vmin.f32 v16, $1.500000000e+01  }
0x2b0: {  	(erf) = vpow2.f32 v3;
	v17 =	vmul.f32 $6.818181990e+00, v23;
	v14 =	vmax.f32 v14, $0.0e+00  }
0x2b1: {  	v29 =	vld [tilespmem:s30+$0xFFFFFFF0];
	v5 =	vmax.f32 v5, $0.0e+00;
	v8 =	vmax.f32 v8, $0.0e+00;
	v15 =	vmax.f32 v15, $0.0e+00  }
0x2b2: {  	v10 =	vld [tilespmem:s29+$0xFFFFFFF0];
	v9 =	vtrunc.f32 v9;
	v16 =	vtrunc.f32 v16;
	v24 =	vmax.f32 v19, v24  }
0x2b3: {  	v30 =	vld [tilespmem:s30+$0x10];
	v23 =	vmul.f32 $5.000000000e+02, v23;
	v19 =	vtrunc.f32 v19;
	v14 =	vmin.f32 v14, $1.500000000e+01  }
0x2b4: {  	v31 =	vld [tilespmem:s30+$0x30];
	v5 =	vmin.f32 v5, $1.500000000e+01;
	v33 =	vcvt.f32.s32 v9;
	v16 =	vcvt.f32.s32 v16  }
0x2b5: {  	v11 =	vld [tilespmem:s29+$0x10];
	v8 =	vmin.f32 v8, $1.500000000e+01;
	v19 =	vcvt.f32.s32 v19;
	v14 =	vtrunc.f32 v14  }
0x2b6: {  	v12 =	vld [tilespmem:s29+$0x30];
	v15 =	vmin.f32 v15, $1.500000000e+01;
	v5 =	vtrunc.f32 v5;
	v8 =	vtrunc.f32 v8  }
0x2b7: {  	v27 =	vld [tilespmem:s30+$0xFFFFFFD0];
	v29 =	vmax.f32 v10, v29;
	v15 =	vtrunc.f32 v15;
	v14 =	vcvt.f32.s32 v14  }
0x2b8: {  	v3 =	vld [tilespmem:s29+$0xFFFFFFD0];
	v17 =	vadd.f32 $8.000000000e+00, v17;
	v34 =	vcvt.f32.s32 v5;
	v47 =	vcvt.f32.s32 v8  }
0x2b9: {  	v9 =	vld [tilespmem:s0+$0x70];
	v23 =	vadd.f32 $5.500000000e+02, v23;
	v5 =	vbroadcast v32, $0x1;
	v37 =	vcvt.f32.s32 v15  }
0x2ba: {  	v39 =	vcvt.s32.f32 v16;
	v17 =	vmax.f32 v17, $0.0e+00;
	v30 =	vmax.f32 v11, v30  }
0x2bb: {  	v1 =	vmax.f32 v12, v31;
	v11 =	vtrunc.f32 v11;
	v12 =	vtrunc.f32 v12;
	v28 =	vpop (erf)  }
0x2bc: {  	v15 =	vld [tilespmem:s0+$0xFFFFFF90];
	v17 =	vmin.f32 v17, $1.500000000e+01;
	v42 =	vcvt.s32.f32 v34;
	v28 =	vadd.f32 $1.000000000e+00, v28  }
0x2bd: {  	v27 =	vmax.f32 v3, v27;
	v43 =	vcvt.s32.f32 v47;
	v12 =	vcvt.f32.s32 v12  }
0x2be: {  	v17 =	vtrunc.f32 v17;
	v9 =	vmax.f32 v26, v9;
	(erf) = vrcp.f32 v28  }
0x2bf: {  	v62 =	vcvt.f32.s32 v17;
	v17 =	vshll.u32 v18, $0x4;
	v18 =	vcvt.s32.f32 v14  }
0x2c0: {  	v40 =	vbroadcast v9, $0x0;
	v5 =	vadd.s32 v5, v17;
	v17 =	vcvt.s32.f32 v33  }
0x2c1: {  	v36 =	vmax.f32 v24, v15;
	v15 =	vcvt.s32.f32 v37;
	v24 =	vmul.f32 $7.333333590e+01, v39  }
0x2c2: {  	v25 =	vmul.f32 $7.333333590e+01, v42;
	v38 =	vadd.s32 v0, v5;
	v18 =	vmul.f32 $7.333333590e+01, v18  }
0x2c3: {  	v26 =	vld [tilespmem:s0+$0xFFFFFFD0];
	v17 =	vmul.f32 $7.333333590e+01, v17;
	v15 =	vmul.f32 $7.333333590e+01, v15;
	v4 =	vsub.f32 v4, v24  }
0x2c4: {  	v41 =	vadd.s32 v2, v5;
	v6 =	vsub.f32 v6, v18;
	v18 =	vsub.f32 v20, v25  }
0x2c5: {  	v45 =	vcvt.s32.f32 v62;
	v7 =	vsub.f32 v7, v17;
	v13 =	vsub.f32 v13, v15  }
0x2c6: {  	v24 =	vld [tilespmem:s0+$0x30];
	v4 =	vmin.f32 v4, $3.000000000e+01;
	v6 =	vmin.f32 v6, $3.000000000e+01;
	v15 =	vmin.f32 v18, $3.000000000e+01  }
0x2c7: {  	v35 =	vld [tilespmem:s29+$0x50];
	v25 =	vmul.f32 $1.442695020e+00, v6;
	v13 =	vmin.f32 v13, $3.000000000e+01;
	v15 =	vmul.f32 $1.442695020e+00, v15;
	v5 =	vpop (erf)  }
0x2c8: {  	v8 =	vld [tilespmem:s30+$0x50];
	v46 =	vmul.f32 v5, v40;
	v5 =	vmax.f32 v27, v26;
	v26 =	vmul.f32 $7.333333590e+01, v43  }
0x2c9: {  	v7 =	vmin.f32 v7, $3.000000000e+01;
	v13 =	vmul.f32 $1.442695020e+00, v13;
	v27 =	vmul.f32 $7.333333590e+01, v45  }
0x2ca: {  	v17 =	vld [tilespmem:s0+$0xFFFFFFF0];
	(erf) = vpow2.f32 v25;
	v20 =	vsub.f32 v21, v26;
	v26 =	vmul.f32 $1.442695020e+00, v7  }
0x2cb: {  	v21 =	vld [tilespmem:s0+$0x10];
	v23 =	vsub.f32 v23, v27;
	v27 =	vmul.f32 $1.442695020e+00, v4;
	v4 =	vmax.f32 v1, v24  }
0x2cc: {  	v24 =	vtrunc.f32 v35;
	v18 =	vmin.f32 v20, $3.000000000e+01;
	v20 =	vld [tilespmem:s0+$0x50];
	(erf) = vpow2.f32 v26  }
0x2cd: {  	v44 =	vmax.f32 v35, v8;
	v26 =	vcvt.f32.s32 v11;
	(erf) = vpow2.f32 v27  }
0x2ce: {  	v23 =	vmin.f32 v23, $3.000000000e+01;
	v11 =	vcvt.f32.s32 v24;
	(erf) = vpow2.f32 v15  }
0x2cf: {  	v7 =	vmax.f32 v29, v17;
	v17 =	vmul.f32 $1.442695020e+00, v18;
	v23 =	vmul.f32 $1.442695020e+00, v23  }
0x2d0: {  	v18 =	vshll.u32 v33, $0x4;
	v15 =	vshll.u32 v47, $0x4;
	v6 =	vmax.f32 v30, v21  }
0x2d1: {  	v21 =	vtrunc.f32 v3;
	v3 =	vmax.f32 v44, v20;
	v20 =	vtrunc.f32 v10  }
0x2d2: {  	(erf) = vpow2.f32 v17;
	v17 =	vshll.u32 v16, $0x4;
	v20 =	vcvt.f32.s32 v20  }
0x2d3: {  	v16 =	vshll.u32 v34, $0x4;
	(erf) = vpow2.f32 v23;
	v21 =	vcvt.f32.s32 v21  }
0x2d4: {  	v10 =	vshll.u32 v14, $0x4;
	(erf) = vpow2.f32 v13;
	v14 =	vshll.u32 v62, $0x4;
	v23 =	vpop (erf)  }
0x2d5: {  	v13 =	vshll.u32 v37, $0x4;
	v27 =	vadd.f32 $1.000000000e+00, v23;
	v23 =	vbroadcast v19, $0x1;
	v19 =	vpop (erf)  }
0x2d6: {  	[tilespmem:v38+s2+$0x0] =	vst.idx.add.f32.msk $0xffff, v46;
	v21 =	vbroadcast v21, $0x1;
	v24 =	vadd.f32 $1.000000000e+00, v19;
	v19 =	vbroadcast v20, $0x1;
	v20 =	vpop (erf)  }
0x2d7: {  	s17 =	simm.s32 $0x0;
	s24 =	simm.s32 $0x2180;
	[tilespmem:v41+s2+$0x0] =	vst.idx.add.f32.msk $0xffff, v40;
	(erf) = vrcp.f32 v27;
	v25 =	vadd.f32 $1.000000000e+00, v20;
	v20 =	vbroadcast v26, $0x1;
	v26 =	vpop (erf)  }
.LBB2_11:
0x2d8: {  	_ = 	snop  }
0x2d9: {  	(erf) = vrcp.f32 v24;
	_ =	sdelay $0x1  }
0x2da: {  	v1 =	vadd.f32 $1.000000000e+00, v26;
	v28 =	vbroadcast v12, $0x1;
	v12 =	vpop (erf);
	(erf) = vrcp.f32 v25  }
0x2db: {  	v27 =	vld [tilespmem:s24+$0x60];
	s30 =	sadd.s32 $0x100, s30;
	v30 =	vbroadcast v11, $0x1  }
0x2dc: {  	s0 =	sadd.s32 $0x100, s0;
	v35 =	vbroadcast v50, $0x0;
	v24 =	vld [tilespmem:s30+$0x60];
	v11 =	vpop (erf);
	(erf) = vrcp.f32 v1  }
0x2dd: {  	v23 =	vadd.s32 v23, v10;
	v10 =	vbroadcast v5, $0x0;
	v25 =	vld [tilespmem:s0+$0x60];
	v29 =	vadd.f32 $1.000000000e+00, v12  }
0x2de: {  	v21 =	vadd.s32 v21, v17;
	v12 =	vbroadcast v36, $0x0;
	v9 =	vadd.f32 $1.000000000e+00, v11;
	v26 =	vpop (erf)  }
0x2df: {  	v17 =	vbroadcast v3, $0x0;
	(erf) = vrcp.f32 v29;
	v8 =	vadd.f32 $1.000000000e+00, v26;
	v26 =	vld [tilespmem:s24+$0xFFFFFFA0];
	v5 =	vpop (erf)  }
0x2e0: {  	v22 =	vadd.s32 v22, v18;
	(erf) = vrcp.f32 v9;
	v9 =	vld [tilespmem:s30+$0xFFFFFFA0];
	v3 =	vmul.f32 v5, v12  }
0x2e1: {  	v56 =	vld [tilespmem:s24+$0xFFFFFFC0];
	v18 =	vbroadcast v7, $0x0;
	v34 =	vadd.s32 v30, v13;
	v7 =	vmin.f32 v27, v24;
	v13 =	vpop (erf)  }
0x2e2: {  	v32 =	vld [tilespmem:s24+$0x0];
	v25 =	vmin.f32 v7, v25;
	(erf) = vrcp.f32 v8;
	[tilespmem:$0x1FF50] =	vst v3;
	v3 =	vmul.f32 v13, v35  }
0x2e3: {  	v39 =	vld [tilespmem:s24+$0x40];
	v8 =	vmul.f32 $6.818181990e+00, v25;
	v13 =	vpop (erf)  }
0x2e4: {  	v41 =	vld [tilespmem:s24+$0xFFFFFF80];
	[tilespmem:$0x1FF60] =	vst v3;
	v3 =	vmul.f32 v13, v10  }
0x2e5: {  	v33 =	vld [tilespmem:s30+$0xFFFFFF80];
	v37 =	vmin.f32 v26, v9;
	v9 =	vadd.f32 $8.000000000e+00, v8;
	v13 =	vpop (erf)  }
0x2e6: {  	v31 =	vld [tilespmem:s30+$0xFFFFFFE0];
	[tilespmem:$0x1FF80] =	vst v3;
	v3 =	vmul.f32 v13, v18  }
0x2e7: {  	v6 =	vbroadcast v6, $0x0;
	v57 =	vld [tilespmem:s30+$0x0];
	v9 =	vmax.f32 v9, $0.0e+00  }
0x2e8: {  	v40 =	vld [tilespmem:s30+$0x40];
	v1 =	vbroadcast v4, $0x0;
	v13 =	vpop (erf);
	v9 =	vmin.f32 v9, $1.500000000e+01;
	[tilespmem:$0x1FFA0] =	vst v3;
	v3 =	vadd.s32 v0, v22  }
0x2e9: {  	v19 =	vadd.s32 v19, v16;
	v43 =	vld [tilespmem:s0+$0xFFFFFF80];
	v9 =	vtrunc.f32 v9;
	[tilespmem:$0x1FF70] =	vst v3;
	v3 =	vmul.f32 v13, v6;
	v13 =	vpop (erf)  }
0x2ea: {  	v47 =	vld [tilespmem:s0+$0xFFFFFFC0];
	v28 =	vadd.s32 v28, v14;
	[tilespmem:$0x1FFE0] =	vst v1;
	v9 =	vcvt.f32.s32 v9;
	v1 =	vmul.f32 v13, v1  }
0x2eb: {  	v49 =	vld [tilespmem:s0+$0xFFFFFFE0];
	v14 =	vadd.s32 v2, v22;
	v26 =	vadd.s32 v2, v21;
	v22 =	vmul.f32 $5.000000000e+02, v25;
	v13 =	vpop (erf)  }
0x2ec: {  	v59 =	vld [tilespmem:s0+$0x0];
	[tilespmem:$0x1FFD0] =	vst v1;
	v1 =	vmul.f32 v13, v17;
	v13 =	vadd.s32 v0, v21;
	v21 =	vcvt.s32.f32 v9  }
0x2ed: {  	v16 =	vadd.s32 v0, v19;
	v25 =	vld [tilespmem:s0+$0xFFFFFFA0]  }
0x2ee: {  	v24 =	vld [tilespmem:s30+$0xFFFFFFC0];
	v29 =	vadd.s32 v2, v19;
	v19 =	vmul.f32 $7.333333590e+01, v21;
	v21 =	vadd.f32 $5.500000000e+02, v22  }
0x2ef: {  	v61 =	vld [tilespmem:s0+$0x20]  }
0x2f0: {  	v63 =	vld [tilespmem:s0+$0x40];
	v60 =	vsub.f32 v21, v19  }
0x2f1: {  	v20 =	vadd.s32 v20, v15;
	v15 =	vadd.s32 v0, v23;
	v30 =	vadd.s32 v2, v23;
	v27 =	vld [tilespmem:s24+$0xFFFFFFE0]  }
0x2f2: {  	v23 =	vld [tilespmem:s24+$0x20];
	v42 =	vmin.f32 v32, v57;
	v46 =	vmin.f32 v37, v25;
	v25 =	vmin.f32 v60, $3.000000000e+01  }
0x2f3: {  	v58 =	vmin.f32 v41, v33;
	v38 =	vmin.f32 v56, v24;
	v24 =	vld [tilespmem:s30+$0x20];
	v57 =	vmul.f32 $1.442695020e+00, v25  }
0x2f4: {  	v54 =	vld [tilespmem:s30+$0xFFFFFFB0];
	v39 =	vmin.f32 v39, v40;
	v45 =	vmin.f32 v58, v43;
	v51 =	vmin.f32 v42, v59  }
0x2f5: {  	v55 =	vld [tilespmem:s30+$0xFFFFFFD0];
	v53 =	vmin.f32 v39, v63;
	v48 =	vmin.f32 v38, v47;
	(erf) = vpow2.f32 v57  }
0x2f6: {  	v4 =	vld [tilespmem:s0+$0xFFFFFF90];
	v62 =	vmul.f32 $6.818181990e+00, v45;
	v27 =	vmin.f32 v27, v31;
	v47 =	vmul.f32 $6.818181990e+00, v48  }
0x2f7: {  	v32 =	vld [tilespmem:s30+$0xFFFFFF90];
	v33 =	vmul.f32 $6.818181990e+00, v51;
	v63 =	vmul.f32 $6.818181990e+00, v53;
	v49 =	vmin.f32 v27, v49  }
0x2f8: {  	v11 =	vld [tilespmem:s0+$0x30];
	v58 =	vmul.f32 $6.818181990e+00, v49;
	v59 =	vadd.f32 $8.000000000e+00, v47;
	v44 =	vmin.f32 v23, v24  }
0x2f9: {  	v38 =	vld [tilespmem:s24+$0xFFFFFFB0];
	v52 =	vmin.f32 v44, v61;
	v44 =	vadd.f32 $8.000000000e+00, v63;
	v56 =	vmul.f32 $6.818181990e+00, v46  }
0x2fa: {  	v23 =	vadd.s32 v0, v20;
	v24 =	vadd.s32 v2, v20;
	v20 =	vadd.s32 v2, v28;
	v37 =	vld [tilespmem:s24+$0xFFFFFF90]  }
0x2fb: {  	v42 =	vmax.f32 v59, $0.0e+00;
	v44 =	vmax.f32 v44, $0.0e+00;
	v40 =	vadd.f32 $8.000000000e+00, v56;
	v56 =	vld [tilespmem:s24+$0x70]  }
0x2fc: {  	v5 =	vld [tilespmem:s0+$0xFFFFFFB0];
	v61 =	vadd.f32 $8.000000000e+00, v58;
	v42 =	vmin.f32 v42, $1.500000000e+01;
	v44 =	vmin.f32 v44, $1.500000000e+01  }
0x2fd: {  	v27 =	vld [tilespmem:s24+$0xFFFFFFF0];
	v21 =	vadd.s32 v0, v34;
	v19 =	vadd.s32 v2, v34;
	v34 =	vadd.f32 $8.000000000e+00, v62  }
0x2fe: {  	[tilespmem:$0x1FFC0] =	vst v6;
	v54 =	vmax.f32 v38, v54;
	v6 =	vld [tilespmem:s0+$0xFFFFFFD0];
	v59 =	vtrunc.f32 v42;
	v63 =	vtrunc.f32 v44;
	v58 =	vpop (erf)  }
0x2ff: {  	[tilespmem:$0x1FFB0] =	vst v3;
	v3 =	vld [tilespmem:s0+$0x70];
	v22 =	vadd.s32 v0, v28;
	v31 =	vmax.f32 v34, $0.0e+00;
	v36 =	vadd.f32 $1.000000000e+00, v58  }
0x300: {  	[tilespmem:$0x1FFF0] =	vst v1;
	v1 =	vld [tilespmem:s30+$0x70];
	v40 =	vmax.f32 v40, $0.0e+00;
	v50 =	vmax.f32 v37, v32;
	v32 =	vtrunc.f32 v56  }
0x301: {  	v28 =	vld [tilespmem:s24+$0x10];
	v40 =	vmin.f32 v40, $1.500000000e+01;
	(erf) = vrcp.f32 v36;
	v36 =	vcvt.f32.s32 v32  }
0x302: {  	v9 =	vshll.u32 v9, $0x4;
	v25 =	vld [tilespmem:s24+$0xFFFFFFD0];
	v47 =	vmin.f32 v31, $1.500000000e+01;
	v40 =	vtrunc.f32 v40  }
0x303: {  	v44 =	vcvt.f32.s32 v40;
	v40 =	vbroadcast v36, $0x1;
	v36 =	vmax.f32 v50, v4;
	v50 =	vld [tilespmem:$0x1FF50]  }
0x304: {  	v62 =	vadd.f32 $8.000000000e+00, v33;
	v33 =	vld [tilespmem:s24+$0x30];
	v60 =	vmul.f32 $6.818181990e+00, v52;
	v47 =	vtrunc.f32 v47  }
0x305: {  	v34 =	vld [tilespmem:s24+$0x50];
	v42 =	vcvt.f32.s32 v47;
	v47 =	vcvt.f32.s32 v59;
	v1 =	vmax.f32 v56, v1  }
0x306: {  	v41 =	vmax.f32 v62, $0.0e+00;
	v62 =	vld [tilespmem:s30+$0x50];
	v1 =	vmax.f32 v1, v3;
	v9 =	vadd.s32 v40, v9  }
0x307: {  	[tilespmem:$0x1FF90] =	vst v10;
	v31 =	vld [tilespmem:s30+$0x30];
	v10 =	vcvt.s32.f32 v47;
	v55 =	vmax.f32 v25, v55;
	v3 =	vadd.s32 v0, v9  }
0x308: {  	[tilespmem:v15+s2+$0x0] =	vst.idx.add.f32.msk $0xffff, v50;
	v50 =	vmax.f32 v54, v5;
	v5 =	vmax.f32 v55, v6;
	v6 =	vmul.f32 $5.000000000e+02, v48  }
0x309: {  	v43 =	vadd.f32 $8.000000000e+00, v60;
	v60 =	vld [tilespmem:s30+$0x10];
	v1 =	vbroadcast v1, $0x0;
	v9 =	vadd.s32 v2, v9  }
0x30a: {  	v10 =	vmul.f32 $7.333333590e+01, v10;
	v54 =	vld [tilespmem:$0x1FF70];
	v32 =	vpop (erf);
	v6 =	vadd.f32 $5.500000000e+02, v6  }
0x30b: {  	[tilespmem:v30+s2+$0x0] =	vst.idx.add.f32.msk $0xffff, v12;
	v32 =	vmul.f32 v32, v1  }
0x30c: {  	v39 =	vmax.f32 v61, $0.0e+00;
	v6 =	vsub.f32 v6, v10;
	v10 =	vld [tilespmem:$0x1FFB0]  }
0x30d: {  	v39 =	vmin.f32 v39, $1.500000000e+01;
	v41 =	vmin.f32 v41, $1.500000000e+01;
	v12 =	vmul.f32 $5.000000000e+02, v46;
	[tilespmem:v3+s2+$0x0] =	vst.idx.add.f32.msk $0xffff, v32  }
0x30e: {  	v39 =	vtrunc.f32 v39;
	v41 =	vtrunc.f32 v41;
	v43 =	vmax.f32 v43, $0.0e+00;
	[tilespmem:v9+s2+$0x0] =	vst.idx.add.f32.msk $0xffff, v1  }
0x30f: {  	v43 =	vmin.f32 v43, $1.500000000e+01;
	v1 =	vadd.f32 $5.500000000e+02, v12;
	v12 =	vmul.f32 $5.000000000e+02, v53;
	v53 =	vld [tilespmem:$0x1FF60]  }
0x310: {  	v57 =	vld [tilespmem:s30+$0xFFFFFFF0];
	v59 =	vcvt.f32.s32 v41;
	v61 =	vtrunc.f32 v43  }
0x311: {  	v56 =	vld [tilespmem:s0+$0x10];
	v43 =	vcvt.f32.s32 v39;
	v41 =	vcvt.f32.s32 v61  }
0x312: {  	v61 =	vcvt.s32.f32 v42;
	v15 =	vmul.f32 $5.000000000e+02, v45;
	[tilespmem:v23+s2+$0x0] =	vst.idx.add.f32.msk $0xffff, v10  }
0x313: {  	v7 =	vcvt.s32.f32 v43;
	v4 =	vcvt.s32.f32 v41;
	v10 =	vld [tilespmem:$0x1FFD0]  }
0x314: {  	v3 =	vadd.f32 $5.500000000e+02, v15;
	v15 =	vmul.f32 $5.000000000e+02, v49;
	v9 =	vmul.f32 $5.000000000e+02, v52;
	[tilespmem:v54+s2+$0x0] =	vst.idx.add.f32.msk $0xffff, v53  }
0x315: {  	v7 =	vmul.f32 $7.333333590e+01, v7;
	v40 =	vcvt.s32.f32 v44;
	[tilespmem:v14+s2+$0x0] =	vst.idx.add.f32.msk $0xffff, v35  }
0x316: {  	v4 =	vmul.f32 $7.333333590e+01, v4;
	v9 =	vadd.f32 $5.500000000e+02, v9;
	v14 =	vadd.f32 $5.500000000e+02, v15;
	v15 =	vld [tilespmem:$0x1FF80]  }
0x317: {  	v51 =	vmul.f32 $5.000000000e+02, v51;
	v58 =	vmax.f32 v33, v31;
	v31 =	vld [tilespmem:s0+$0x50];
	v55 =	vmul.f32 $7.333333590e+01, v61  }
0x318: {  	v40 =	vmul.f32 $7.333333590e+01, v40;
	v4 =	vsub.f32 v9, v4;
	v9 =	vld [tilespmem:$0x1FFC0];
	v7 =	vsub.f32 v14, v7  }
0x319: {  	v8 =	vcvt.s32.f32 v59;
	v62 =	vmax.f32 v34, v62;
	v3 =	vsub.f32 v3, v55;
	[tilespmem:v22+s2+$0x0] =	vst.idx.add.f32.msk $0xffff, v10  }
0x31a: {  	v39 =	vcvt.f32.s32 v63;
	v1 =	vsub.f32 v1, v40;
	v10 =	vmin.f32 v7, $3.000000000e+01;
	v7 =	vld [tilespmem:$0x1FFE0]  }
0x31b: {  	v60 =	vmax.f32 v28, v60;
	v8 =	vmul.f32 $7.333333590e+01, v8;
	v3 =	vmin.f32 v3, $3.000000000e+01;
	[tilespmem:v13+s2+$0x0] =	vst.idx.add.f32.msk $0xffff, v15  }
0x31c: {  	v45 =	vcvt.s32.f32 v39;
	v1 =	vmin.f32 v1, $3.000000000e+01;
	v3 =	vmul.f32 $1.442695020e+00, v3;
	v15 =	vld [tilespmem:$0x1FF90]  }
0x31d: {  	v57 =	vmax.f32 v27, v57;
	v61 =	vtrunc.f32 v38;
	v1 =	vmul.f32 $1.442695020e+00, v1  }
0x31e: {  	v6 =	vmin.f32 v6, $3.000000000e+01;
	v12 =	vadd.f32 $5.500000000e+02, v12;
	(erf) = vpow2.f32 v3;
	[tilespmem:v24+s2+$0x0] =	vst.idx.add.f32.msk $0xffff, v9  }
0x31f: {  	v4 =	vmin.f32 v4, $3.000000000e+01;
	v3 =	vmax.f32 v62, v31;
	(erf) = vpow2.f32 v1;
	[tilespmem:v20+s2+$0x0] =	vst.idx.add.f32.msk $0xffff, v7  }
0x320: {  	v1 =	vtrunc.f32 v27;
	v14 =	vmul.f32 $1.442695020e+00, v4;
	v13 =	vadd.f32 $5.500000000e+02, v51;
	v7 =	vld [tilespmem:$0x1FFF0]  }
0x321: {  	v4 =	vmax.f32 v58, v11;
	v24 =	vcvt.f32.s32 v61;
	[tilespmem:v26+s2+$0x0] =	vst.idx.add.f32.msk $0xffff, v15;
	v15 =	vmul.f32 $7.333333590e+01, v45  }
0x322: {  	v11 =	vtrunc.f32 v25;
	v25 =	vcvt.f32.s32 v1;
	v8 =	vsub.f32 v13, v8;
	v26 =	vld [tilespmem:$0x1FFA0]  }
0x323: {  	v63 =	vld [tilespmem:s0+$0xFFFFFFF0];
	v22 =	vbroadcast v24, $0x1;
	v9 =	vsub.f32 v12, v15;
	v12 =	vmul.f32 $1.442695020e+00, v6  }
0x324: {  	v13 =	vmul.f32 $1.442695020e+00, v10;
	v10 =	vshll.u32 v42, $0x4;
	v8 =	vmin.f32 v8, $3.000000000e+01  }
0x325: {  	v8 =	vmul.f32 $1.442695020e+00, v8;
	v6 =	vmax.f32 v60, v56;
	(erf) = vpow2.f32 v12  }
0x326: {  	v15 =	vshll.u32 v59, $0x4;
	[tilespmem:v21+s2+$0x0] =	vst.idx.add.f32.msk $0xffff, v7;
	v12 =	vtrunc.f32 v28;
	(erf) = vpow2.f32 v13  }
0x327: {  	v9 =	vmin.f32 v9, $3.000000000e+01;
	v21 =	vcvt.f32.s32 v11;
	[tilespmem:v16+s2+$0x0] =	vst.idx.add.f32.msk $0xffff, v26;
	v26 =	vtrunc.f32 v37  }
0x328: {  	v7 =	vmax.f32 v57, v63;
	[tilespmem:v19+s2+$0x0] =	vst.idx.add.f32.msk $0xffff, v17;
	v9 =	vmul.f32 $1.442695020e+00, v9;
	v19 =	vtrunc.f32 v33  }
0x329: {  	s17 =	sadd.s32 $0x8, s17;
	v17 =	vshll.u32 v47, $0x4;
	(erf) = vpow2.f32 v8;
	v8 =	vtrunc.f32 v34  }
0x32a: {  	p0 =	slt.u32 s17, $0x268;
	v16 =	vshll.u32 v43, $0x4;
	v20 =	vcvt.f32.s32 v26;
	v26 =	vcvt.f32.s32 v12  }
.Ltmp5:
0x32b: {  	v13 =	vshll.u32 v39, $0x4;
	v12 =	vcvt.f32.s32 v19;
	v21 =	vbroadcast v21, $0x1;
	(pc) =	sbr.rel @p0 .LBB2_11-.Ltmp5, $4  }
0x32c: {  	[tilespmem:v29+s2+$0x0] =	vst.idx.add.f32.msk $0xffff, v18;
	v18 =	vshll.u32 v44, $0x4;
	(erf) = vpow2.f32 v14;
	v11 =	vcvt.f32.s32 v8;
	v8 =	vpop (erf)  }
0x32d: {  	v19 =	vbroadcast v25, $0x1;
	(erf) = vpow2.f32 v9;
	v8 =	vadd.f32 $1.000000000e+00, v8;
	v9 =	vpop (erf)  }
0x32e: {  	v14 =	vshll.u32 v41, $0x4;
	v23 =	vbroadcast v20, $0x1;
	v20 =	vbroadcast v26, $0x1;
	v1 =	vpop (erf)  }
0x32f: {  	s24 =	sadd.s32 $0x100, s24;
	v24 =	vadd.f32 $1.000000000e+00, v9;
	(erf) = vrcp.f32 v8;
	v25 =	vadd.f32 $1.000000000e+00, v1;
	v26 =	vpop (erf)  }
0x330: {  	_ =	sdelay $0x2  }
0x331: {  	(erf) = vrcp.f32 v24  }
0x332: {  	v1 =	vadd.f32 $1.000000000e+00, v26;
	v8 =	vpop (erf);
	(erf) = vrcp.f32 v25  }
0x333: {  	v46 =	vbroadcast v36, $0x0;
	v9 =	vpop (erf)  }
0x334: {  	v8 =	vadd.f32 $1.000000000e+00, v8;
	(erf) = vrcp.f32 v1;
	v9 =	vadd.f32 $1.000000000e+00, v9  }
0x335: {  	v17 =	vadd.s32 v21, v17;
	v5 =	vbroadcast v5, $0x0;
	v1 =	vadd.s32 v23, v10  }
0x336: {  	v16 =	vadd.s32 v19, v16;
	v23 =	vadd.s32 v0, v1;
	v47 =	vpop (erf);
	(erf) = vrcp.f32 v8  }
0x337: {  	v11 =	vbroadcast v11, $0x1;
	v8 =	vadd.s32 v22, v18;
	v1 =	vadd.s32 v2, v1  }
0x338: {  	v18 =	vadd.f32 $1.000000000e+00, v47;
	v22 =	vadd.s32 v0, v8;
	(erf) = vrcp.f32 v9;
	v9 =	vpop (erf)  }
0x339: {  	v10 =	vbroadcast v50, $0x0;
	v8 =	vadd.s32 v2, v8;
	v9 =	vmul.f32 v9, v46  }
0x33a: {  	v21 =	vadd.s32 v0, v17;
	v17 =	vadd.s32 v2, v17;
	v19 =	vpop (erf);
	(erf) = vrcp.f32 v18  }
0x33b: {  	v18 =	vmul.f32 v19, v10;
	[tilespmem:v23+s2+$0x0] =	vst.idx.add.f32.msk $0xffff, v9;
	v9 =	vbroadcast v12, $0x1;
	v12 =	vadd.s32 v20, v15;
	v15 =	vpop (erf)  }
0x33c: {  	v19 =	vadd.s32 v0, v16;
	[tilespmem:v1+s2+$0x0] =	vst.idx.add.f32.msk $0xffff, v46;
	v1 =	vbroadcast v7, $0x0;
	v7 =	vmul.f32 v15, v5  }
0x33d: {  	v15 =	vadd.s32 v2, v16;
	[tilespmem:v22+s2+$0x0] =	vst.idx.add.f32.msk $0xffff, v18;
	v9 =	vadd.s32 v9, v14;
	v14 =	vpop (erf)  }
0x33e: {  	v6 =	vbroadcast v6, $0x0;
	v16 =	vadd.s32 v0, v12;
	[tilespmem:v8+s2+$0x0] =	vst.idx.add.f32.msk $0xffff, v10;
	v8 =	vmul.f32 v14, v1  }
0x33f: {  	v10 =	vadd.s32 v2, v12;
	[tilespmem:v21+s2+$0x0] =	vst.idx.add.f32.msk $0xffff, v7;
	v7 =	vadd.s32 v11, v13;
	v11 =	vpop (erf)  }
0x340: {  	v12 =	vadd.s32 v0, v9;
	[tilespmem:v17+s2+$0x0] =	vst.idx.add.f32.msk $0xffff, v5;
	v5 =	vmul.f32 v11, v6  }
0x341: {  	v4 =	vbroadcast v4, $0x0;
	v9 =	vadd.s32 v2, v9;
	[tilespmem:v19+s2+$0x0] =	vst.idx.add.f32.msk $0xffff, v8  }
0x342: {  	v11 =	vadd.s32 v0, v7;
	[tilespmem:v15+s2+$0x0] =	vst.idx.add.f32.msk $0xffff, v1;
	v8 =	vpop (erf)  }
0x343: {  	v7 =	vadd.s32 v2, v7;
	v1 =	vbroadcast v3, $0x0;
	[tilespmem:v16+s2+$0x0] =	vst.idx.add.f32.msk $0xffff, v5;
	v3 =	vmul.f32 v8, v4  }
0x344: {  	[tilespmem:v10+s2+$0x0] =	vst.idx.add.f32.msk $0xffff, v6;
	v5 =	vpop (erf)  }
0x345: {  	v5 =	vmul.f32 v5, v1;
	[tilespmem:v12+s2+$0x0] =	vst.idx.add.f32.msk $0xffff, v3  }
0x346: {  	[tilespmem:v9+s2+$0x0] =	vst.idx.add.f32.msk $0xffff, v4  }
0x347: {  	[tilespmem:v11+s2+$0x0] =	vst.idx.add.f32.msk $0xffff, v5  }
0x348: {  	[tilespmem:v7+s2+$0x0] =	vst.idx.add.f32.msk $0xffff, v1  }
0x349: {  	v1 =	vld [tilespmem:$0x6E00]  }
0x34a: {  	v3 =	vld [tilespmem:$0xBC20]  }
0x34b: {  	v4 =	vld [tilespmem:$0x10A40];
	_ =	sdelay $0x3  }
0x34c: {  	v1 =	vmin.f32 v1, v3  }
0x34d: {  	v1 =	vmin.f32 v1, v4  }
0x34e: {  	v3 =	vmul.f32 $6.818181990e+00, v1;
	_ =	sdelay $0x1  }
0x34f: {  	v3 =	vadd.f32 $8.000000000e+00, v3;
	_ =	sdelay $0x1  }
0x350: {  	v3 =	vmax.f32 v3, $0.0e+00  }
0x351: {  	v3 =	vmin.f32 v3, $1.500000000e+01  }
0x352: {  	v3 =	vtrunc.f32 v3  }
0x353: {  	v3 =	vcvt.f32.s32 v3;
	_ =	sdelay $0x1  }
0x354: {  	v1 =	vmul.f32 $5.000000000e+02, v1;
	v4 =	vcvt.s32.f32 v3;
	_ =	sdelay $0x1  }
0x355: {  	v1 =	vadd.f32 $5.500000000e+02, v1;
	v4 =	vmul.f32 $-7.333333590e+01, v4;
	_ =	sdelay $0x1  }
0x356: {  	v1 =	vadd.f32 v4, v1;
	_ =	sdelay $0x1  }
0x357: {  	v1 =	vmin.f32 v1, $3.000000000e+01  }
0x358: {  	v1 =	vmul.f32 $1.442695020e+00, v1;
	_ =	sdelay $0x1  }
0x359: {  	(erf) = vpow2.f32 v1;
	_ =	sdelay $0x7  }
0x35a: {  	v1 =	vld [tilespmem:$0x6E10]  }
0x35b: {  	v4 =	vpop (erf)  }
0x35c: {  	v4 =	vadd.f32 $1.000000000e+00, v4;
	_ =	sdelay $0x1  }
0x35d: {  	(erf) = vrcp.f32 v4  }
0x35e: {  	v5 =	vtrunc.f32 v1;
	v4 =	vld [tilespmem:$0xBC30]  }
0x35f: {  	v6 =	vld [tilespmem:$0x10A50];
	v5 =	vcvt.f32.s32 v5;
	_ =	sdelay $0x1  }
0x360: {  	v5 =	vbroadcast v5, $0x1  }
0x361: {  	v3 =	vshll.u32 v3, $0x4  }
0x362: {  	v3 =	vadd.s32 v5, v3;
	v1 =	vmax.f32 v1, v4  }
0x363: {  	v4 =	vadd.s32 v0, v3;
	v1 =	vmax.f32 v1, v6  }
0x364: {  	v3 =	vadd.s32 v2, v3;
	v1 =	vbroadcast v1, $0x0  }
0x365: {  	v5 =	vpop (erf)  }
0x366: {  	v5 =	vmul.f32 v5, v1;
	_ =	sdelay $0x1  }
0x367: {  	[tilespmem:v4+s2+$0x0] =	vst.idx.add.f32.msk $0xffff, v5  }
0x368: {  	s0 =	simm.s32 $0x15900;
	[tilespmem:v3+s2+$0x0] =	vst.idx.add.f32.msk $0xffff, v1  }
0x369: {  	v1 =	vld [tilespmem:s0+$0xFFFFFFB0]  }
0x36a: {  	v11 =	vld [tilespmem:s0+$0xFFFFFFC0]  }
0x36b: {  	v5 =	vld [tilespmem:s0+$0x10]  }
0x36c: {  	v7 =	vld [tilespmem:s0+$0x50]  }
0x36d: {  	v8 =	vld [tilespmem:s0+$0xFFFFFFF0]  }
0x36e: {  	v14 =	vld [tilespmem:s0+$0xFFFFFFA0]  }
0x36f: {  	v9 =	vld [tilespmem:s0+$0x70]  }
0x370: {  	v17 =	vld [tilespmem:s0+$0x60]  }
0x371: {  	v19 =	vld [tilespmem:s0+$0xFFFFFFE0]  }
0x372: {  	v20 =	vld [tilespmem:s0+$0x0]  }
0x373: {  	v22 =	vld [tilespmem:s0+$0xFFFFFF80];
	v3 =	vtrunc.f32 v1;
	v16 =	vtrunc.f32 v5  }
0x374: {  	v49 =	vld [tilespmem:s0+$0x40];
	v15 =	vmul.f32 $6.818181990e+00, v11;
	v18 =	vtrunc.f32 v7  }
0x375: {  	v27 =	vld [tilespmem:s0+$0x20];
	v11 =	vmul.f32 $5.000000000e+02, v11;
	v23 =	vtrunc.f32 v8  }
0x376: {  	v48 =	vmul.f32 $5.000000000e+02, v14;
	v50 =	vtrunc.f32 v9  }
0x377: {  	v28 =	vmul.f32 $6.818181990e+00, v17;
	v29 =	vmul.f32 $5.000000000e+02, v19  }
0x378: {  	v30 =	vmul.f32 $6.818181990e+00, v20;
	v17 =	vmul.f32 $5.000000000e+02, v17  }
0x379: {  	v4 =	vld [tilespmem:s0+$0xFFFFFF90];
	v31 =	vmul.f32 $6.818181990e+00, v22;
	v32 =	vmul.f32 $6.818181990e+00, v49  }
0x37a: {  	v20 =	vmul.f32 $5.000000000e+02, v20;
	v34 =	vmul.f32 $5.000000000e+02, v27  }
0x37b: {  	v14 =	vmul.f32 $6.818181990e+00, v14;
	v27 =	vmul.f32 $6.818181990e+00, v27  }
0x37c: {  	v19 =	vmul.f32 $6.818181990e+00, v19;
	v25 =	vmul.f32 $5.000000000e+02, v49  }
0x37d: {  	v22 =	vmul.f32 $5.000000000e+02, v22;
	v6 =	vcvt.f32.s32 v3  }
0x37e: {  	v3 =	vbroadcast v1, $0x0;
	v1 =	vtrunc.f32 v4;
	v21 =	vadd.f32 $8.000000000e+00, v15  }
0x37f: {  	v10 =	vld [tilespmem:s0+$0x30];
	v4 =	vbroadcast v4, $0x0;
	v18 =	vcvt.f32.s32 v18  }
0x380: {  	v23 =	vcvt.f32.s32 v23;
	v26 =	vcvt.f32.s32 v50;
	v21 =	vmax.f32 v21, $0.0e+00  }
0x381: {  	v16 =	vcvt.f32.s32 v16;
	v28 =	vadd.f32 $8.000000000e+00, v28;
	v21 =	vmin.f32 v21, $1.500000000e+01  }
0x382: {  	v13 =	vld [tilespmem:s0+$0xFFFFFFD0];
	v30 =	vadd.f32 $8.000000000e+00, v30;
	v17 =	vadd.f32 $5.500000000e+02, v17;
	v21 =	vtrunc.f32 v21  }
0x383: {  	v31 =	vadd.f32 $8.000000000e+00, v31;
	v11 =	vadd.f32 $5.500000000e+02, v11;
	v21 =	vcvt.f32.s32 v21  }
0x384: {  	v15 =	vtrunc.f32 v10;
	v32 =	vadd.f32 $8.000000000e+00, v32;
	v27 =	vadd.f32 $8.000000000e+00, v27  }
0x385: {  	v24 =	vadd.f32 $5.500000000e+02, v48;
	v14 =	vadd.f32 $8.000000000e+00, v14;
	v33 =	vcvt.s32.f32 v21  }
0x386: {  	v19 =	vadd.f32 $8.000000000e+00, v19;
	v1 =	vcvt.f32.s32 v1;
	v12 =	vbroadcast v6, $0x1  }
0x387: {  	v20 =	vadd.f32 $5.500000000e+02, v20;
	v6 =	vbroadcast v13, $0x0;
	v33 =	vmul.f32 $7.333333590e+01, v33  }
0x388: {  	v58 =	vadd.f32 $5.500000000e+02, v34;
	v13 =	vtrunc.f32 v13;
	v26 =	vbroadcast v26, $0x1  }
0x389: {  	v53 =	vbroadcast v16, $0x1;
	v18 =	vbroadcast v18, $0x1;
	v11 =	vsub.f32 v11, v33  }
0x38a: {  	v23 =	vbroadcast v23, $0x1;
	v15 =	vcvt.f32.s32 v15;
	v28 =	vmax.f32 v28, $0.0e+00  }
0x38b: {  	v13 =	vcvt.f32.s32 v13;
	v28 =	vmin.f32 v28, $1.500000000e+01;
	v11 =	vmin.f32 v11, $3.000000000e+01  }
0x38c: {  	v31 =	vmax.f32 v31, $0.0e+00;
	v28 =	vtrunc.f32 v28;
	v11 =	vmul.f32 $1.442695020e+00, v11  }
0x38d: {  	v30 =	vmax.f32 v30, $0.0e+00;
	v32 =	vmax.f32 v32, $0.0e+00;
	v28 =	vcvt.f32.s32 v28  }
0x38e: {  	v1 =	vbroadcast v1, $0x1;
	v30 =	vmin.f32 v30, $1.500000000e+01;
	(erf) = vpow2.f32 v11  }
0x38f: {  	v27 =	vmax.f32 v27, $0.0e+00;
	v30 =	vtrunc.f32 v30;
	v51 =	vcvt.s32.f32 v28  }
0x390: {  	v52 =	vbroadcast v13, $0x1;
	v13 =	vmin.f32 v32, $1.500000000e+01;
	v30 =	vcvt.f32.s32 v30  }
0x391: {  	v14 =	vmax.f32 v14, $0.0e+00;
	v13 =	vtrunc.f32 v13;
	v16 =	vmul.f32 $7.333333590e+01, v51  }
0x392: {  	v27 =	vmin.f32 v27, $1.500000000e+01;
	v13 =	vcvt.f32.s32 v13;
	v11 =	vcvt.s32.f32 v30  }
0x393: {  	v31 =	vmin.f32 v31, $1.500000000e+01;
	v27 =	vtrunc.f32 v27;
	v16 =	vsub.f32 v17, v16  }
0x394: {  	v17 =	vmax.f32 v19, $0.0e+00;
	v19 =	vcvt.s32.f32 v13;
	v11 =	vmul.f32 $7.333333590e+01, v11  }
0x395: {  	v54 =	vshll.u32 v13, $0x4;
	v13 =	vmin.f32 v17, $1.500000000e+01;
	v17 =	vcvt.f32.s32 v27  }
0x396: {  	v19 =	vmul.f32 $7.333333590e+01, v19;
	v11 =	vsub.f32 v20, v11;
	v20 =	vadd.f32 $5.500000000e+02, v25  }
0x397: {  	v57 =	vtrunc.f32 v13;
	v13 =	vshll.u32 v17, $0x4;
	v17 =	vcvt.s32.f32 v17;
	v55 =	vpop (erf)  }
0x398: {  	v56 =	vmin.f32 v16, $3.000000000e+01;
	v19 =	vsub.f32 v20, v19;
	v16 =	vadd.f32 $1.000000000e+00, v55  }
0x399: {  	v14 =	vmin.f32 v14, $1.500000000e+01;
	v31 =	vtrunc.f32 v31;
	v17 =	vmul.f32 $7.333333590e+01, v17  }
0x39a: {  	v19 =	vmin.f32 v19, $3.000000000e+01;
	(erf) = vrcp.f32 v16;
	v16 =	vcvt.f32.s32 v57  }
0x39b: {  	v60 =	vtrunc.f32 v14;
	v17 =	vsub.f32 v58, v17;
	v19 =	vmul.f32 $1.442695020e+00, v19  }
0x39c: {  	v22 =	vadd.f32 $5.500000000e+02, v22;
	v31 =	vcvt.f32.s32 v31;
	v59 =	vcvt.s32.f32 v16  }
0x39d: {  	v17 =	vmin.f32 v17, $3.000000000e+01;
	v20 =	vadd.f32 $5.500000000e+02, v29;
	(erf) = vpow2.f32 v19  }
0x39e: {  	v19 =	vcvt.f32.s32 v60;
	v14 =	vshll.u32 v16, $0x4;
	v29 =	vmul.f32 $7.333333590e+01, v59  }
0x39f: {  	v16 =	vcvt.s32.f32 v31;
	v14 =	vadd.s32 v23, v14;
	v23 =	vmul.f32 $1.442695020e+00, v17  }
0x3a0: {  	v11 =	vmin.f32 v11, $3.000000000e+01;
	v61 =	vcvt.s32.f32 v19;
	v20 =	vsub.f32 v20, v29  }
0x3a1: {  	v17 =	vadd.s32 v18, v54;
	v16 =	vmul.f32 $7.333333590e+01, v16;
	(erf) = vpow2.f32 v23  }
0x3a2: {  	v23 =	vshll.u32 v31, $0x4;
	v18 =	vmin.f32 v20, $3.000000000e+01;
	v20 =	vmul.f32 $1.442695020e+00, v11  }
0x3a3: {  	v62 =	vmul.f32 $1.442695020e+00, v18;
	v18 =	vadd.s32 v1, v23;
	v1 =	vmul.f32 $7.333333590e+01, v61  }
0x3a4: {  	v21 =	vshll.u32 v21, $0x4;
	v16 =	vsub.f32 v22, v16;
	v11 =	vpop (erf);
	(erf) = vpow2.f32 v20  }
0x3a5: {  	v35 =	vshll.u32 v30, $0x4;
	(erf) = vpow2.f32 v62;
	v1 =	vsub.f32 v24, v1  }
0x3a6: {  	v21 =	vadd.s32 v52, v21;
	v19 =	vshll.u32 v19, $0x4;
	v20 =	vmin.f32 v16, $3.000000000e+01  }
0x3a7: {  	v16 =	vadd.s32 v12, v19;
	v19 =	vmul.f32 $1.442695020e+00, v20;
	v1 =	vmin.f32 v1, $3.000000000e+01  }
0x3a8: {  	v23 =	vmul.f32 $1.442695020e+00, v56;
	v11 =	vmul.f32 v11, v6;
	v12 =	vadd.s32 v53, v35;
	v22 =	vpop (erf)  }
0x3a9: {  	v20 =	vshll.u32 v28, $0x4;
	v63 =	vadd.f32 $1.000000000e+00, v22;
	(erf) = vpow2.f32 v19  }
0x3aa: {  	v20 =	vadd.s32 v26, v20;
	v22 =	vmul.f32 $1.442695020e+00, v1;
	v1 =	vpop (erf);
	(erf) = vpow2.f32 v23  }
0x3ab: {  	s17 =	simm.s32 $0x0;
	s24 =	simm.s32 $0x15A00;
	v19 =	vadd.s32 v0, v21;
	v23 =	vadd.f32 $1.000000000e+00, v1;
	(erf) = vrcp.f32 v63  }
.LBB2_13:
0x3ac: {  	v1 =	vld [tilespmem:s24+$0xFFFFFFC0];
	s17 =	sadd.s32 $0x8, s17;
	v32 =	vadd.s32 v2, v21;
	v21 =	vbroadcast v5, $0x0;
	s0 =	simm.s32 $0x1040;
	(erf) = vpow2.f32 v22  }
0x3ad: {  	v24 =	vbroadcast v8, $0x0;
	v33 =	vadd.s32 v0, v17;
	v25 =	vld [tilespmem:s24+$0xFFFFFFB0];
	p0 =	slt.u32 s17, $0x138;
	v5 =	vpop (erf);
	(erf) = vrcp.f32 v23  }
0x3ae: {  	v34 =	vbroadcast v10, $0x0;
	v26 =	vbroadcast v9, $0x0;
	v27 =	vld [tilespmem:s24+$0xFFFFFF90];
	v8 =	vadd.f32 $1.000000000e+00, v5;
	v9 =	vpop (erf)  }
0x3af: {  	v28 =	vadd.s32 v0, v14;
	v35 =	vbroadcast v7, $0x0;
	v5 =	vld [tilespmem:s24+$0x10];
	v9 =	vadd.f32 $1.000000000e+00, v9  }
0x3b0: {  	v36 =	vadd.s32 v0, v20;
	v15 =	vbroadcast v15, $0x1;
	v7 =	vld [tilespmem:s24+$0x50];
	(erf) = vrcp.f32 v8  }
0x3b1: {  	v29 =	vadd.s32 v0, v18;
	v22 =	vadd.s32 v2, v16;
	v37 =	vld [tilespmem:s24+$0xFFFFFFD0];
	(erf) = vrcp.f32 v9  }
0x3b2: {  	v38 =	vadd.s32 v2, v17;
	v23 =	vbroadcast v25, $0x0;
	v9 =	vtrunc.f32 v25;
	v8 =	vld [tilespmem:s24+$0xFFFFFFF0];
	v25 =	vpop (erf)  }
0x3b3: {  	v17 =	vtrunc.f32 v27;
	v39 =	vcvt.f32.s32 v9;
	v10 =	vld [tilespmem:s24+$0x30];
	v47 =	vadd.f32 $1.000000000e+00, v25;
	v41 =	vpop (erf)  }
0x3b4: {  	v31 =	vadd.s32 v0, v12;
	v30 =	vadd.s32 v2, v12;
	v27 =	vbroadcast v27, $0x0;
	v9 =	vld [tilespmem:s24+$0x70];
	v42 =	vpop (erf)  }
0x3b5: {  	v44 =	vadd.s32 v2, v20;
	v43 =	vld [tilespmem:s24+$0xFFFFFFA0];
	v12 =	vbroadcast v39, $0x1;
	v39 =	vtrunc.f32 v5;
	v45 =	vpop (erf)  }
0x3b6: {  	v41 =	vadd.f32 $1.000000000e+00, v41;
	v46 =	vbroadcast v37, $0x0;
	v25 =	vld [tilespmem:s24+$0x40];
	(erf) = vrcp.f32 v47;
	v40 =	vpop (erf)  }
0x3b7: {  	v48 =	vadd.s32 v15, v13;
	v37 =	vtrunc.f32 v37;
	v47 =	vtrunc.f32 v7;
	v20 =	vld [tilespmem:s24+$0xFFFFFF80]  }
0x3b8: {  	v51 =	vadd.s32 v0, v48;
	v49 =	vmul.f32 $5.000000000e+02, v1;
	v37 =	vcvt.f32.s32 v37;
	v50 =	vld [tilespmem:s24+$0x60]  }
0x3b9: {  	v1 =	vmul.f32 $6.818181990e+00, v1;
	v13 =	vcvt.f32.s32 v47;
	v47 =	vadd.s32 v2, v14;
	v52 =	vld [tilespmem:s24+$0xFFFFFFE0];
	v53 =	vpop (erf)  }
0x3ba: {  	v55 =	vadd.s32 v2, v18;
	v14 =	vtrunc.f32 v8;
	v54 =	vld [tilespmem:s24+$0x0];
	v56 =	vpop (erf);
	(erf) = vrcp.f32 v41  }
0x3bb: {  	v1 =	vadd.f32 $8.000000000e+00, v1;
	v42 =	vmul.f32 v42, v35;
	v41 =	vmul.f32 $5.000000000e+02, v43  }
0x3bc: {  	v48 =	vadd.s32 v2, v48;
	v45 =	vadd.f32 $1.000000000e+00, v45;
	v15 =	vtrunc.f32 v10  }
0x3bd: {  	v1 =	vmax.f32 v1, $0.0e+00;
	v18 =	vcvt.f32.s32 v14;
	v57 =	vtrunc.f32 v9;
	[tilespmem:v33+s2+$0x0] =	vst.idx.add.f32.msk $0xffff, v42  }
0x3be: {  	v1 =	vmin.f32 v1, $1.500000000e+01;
	v40 =	vmul.f32 v40, v34;
	v42 =	vmul.f32 $6.818181990e+00, v50;
	v33 =	vld [tilespmem:s24+$0x20]  }
0x3bf: {  	v16 =	vadd.s32 v0, v16;
	v14 =	vmul.f32 $5.000000000e+02, v52;
	v58 =	vmul.f32 $6.818181990e+00, v54;
	[tilespmem:v38+s2+$0x0] =	vst.idx.add.f32.msk $0xffff, v35;
	v35 =	vpop (erf)  }
0x3c0: {  	v1 =	vtrunc.f32 v1;
	v38 =	vadd.f32 $8.000000000e+00, v42;
	v42 =	vmul.f32 $5.000000000e+02, v50;
	[tilespmem:v51+s2+$0x0] =	vst.idx.add.f32.msk $0xffff, v40  }
0x3c1: {  	v40 =	vmul.f32 $6.818181990e+00, v20;
	v51 =	vmul.f32 $6.818181990e+00, v25;
	v50 =	vadd.f32 $8.000000000e+00, v58;
	[tilespmem:v48+s2+$0x0] =	vst.idx.add.f32.msk $0xffff, v34  }
0x3c2: {  	v1 =	vcvt.f32.s32 v1;
	v34 =	vadd.f32 $5.500000000e+02, v42;
	[tilespmem:v19+s2+$0x0] =	vst.idx.add.f32.msk $0xffff, v11;
	(erf) = vrcp.f32 v45  }
0x3c3: {  	v11 =	vmul.f32 $5.000000000e+02, v54;
	v19 =	vmax.f32 v38, $0.0e+00;
	v42 =	vmul.f32 $5.000000000e+02, v33;
	[tilespmem:v32+s2+$0x0] =	vst.idx.add.f32.msk $0xffff, v6;
	v6 =	vpop (erf)  }
0x3c4: {  	v38 =	vcvt.s32.f32 v1;
	v32 =	vadd.f32 $8.000000000e+00, v40;
	v40 =	vmul.f32 v6, v26;
	v6 =	vmovc v46  }
0x3c5: {  	v43 =	vmul.f32 $6.818181990e+00, v43;
	v45 =	vmin.f32 v19, $1.500000000e+01;
	v19 =	vcvt.f32.s32 v57  }
0x3c6: {  	v33 =	vmul.f32 $6.818181990e+00, v33;
	v38 =	vmul.f32 $7.333333590e+01, v38;
	v46 =	vadd.f32 $5.500000000e+02, v49;
	[tilespmem:v36+s2+$0x0] =	vst.idx.add.f32.msk $0xffff, v40  }
0x3c7: {  	v32 =	vmax.f32 v32, $0.0e+00;
	v19 =	vbroadcast v19, $0x1;
	v36 =	vmul.f32 v56, v24;
	[tilespmem:v44+s2+$0x0] =	vst.idx.add.f32.msk $0xffff, v26  }
0x3c8: {  	v32 =	vmin.f32 v32, $1.500000000e+01;
	v38 =	vsub.f32 v46, v38;
	v40 =	vmul.f32 v53, v21  }
0x3c9: {  	v35 =	vmul.f32 v35, v4;
	v26 =	vadd.f32 $5.500000000e+02, v41;
	v41 =	vtrunc.f32 v45;
	[tilespmem:v28+s2+$0x0] =	vst.idx.add.f32.msk $0xffff, v36  }
0x3ca: {  	v36 =	vmin.f32 v38, $3.000000000e+01;
	v38 =	vmax.f32 v50, $0.0e+00;
	v28 =	vcvt.f32.s32 v41  }
0x3cb: {  	v32 =	vtrunc.f32 v32;
	v41 =	vadd.f32 $8.000000000e+00, v51;
	v38 =	vmin.f32 v38, $1.500000000e+01;
	[tilespmem:v29+s2+$0x0] =	vst.idx.add.f32.msk $0xffff, v35;
	v29 =	vpop (erf)  }
0x3cc: {  	v33 =	vadd.f32 $8.000000000e+00, v33;
	v35 =	vmul.f32 $1.442695020e+00, v36;
	v36 =	vtrunc.f32 v38;
	[tilespmem:v47+s2+$0x0] =	vst.idx.add.f32.msk $0xffff, v24  }
0x3cd: {  	v38 =	vmax.f32 v41, $0.0e+00;
	v24 =	vcvt.f32.s32 v36;
	v36 =	vcvt.f32.s32 v39;
	[tilespmem:v31+s2+$0x0] =	vst.idx.add.f32.msk $0xffff, v40  }
0x3ce: {  	v29 =	vmul.f32 v29, v3;
	v31 =	vmax.f32 v33, $0.0e+00;
	v33 =	vcvt.s32.f32 v28;
	[tilespmem:v30+s2+$0x0] =	vst.idx.add.f32.msk $0xffff, v21  }
0x3cf: {  	v1 =	vshll.u32 v1, $0x4;
	v30 =	vshll.u32 v24, $0x4;
	(erf) = vpow2.f32 v35;
	[tilespmem:v55+s2+$0x0] =	vst.idx.add.f32.msk $0xffff, v4;
	v4 =	vmovc v27  }
0x3d0: {  	v21 =	vbroadcast v37, $0x1;
	v24 =	vcvt.s32.f32 v24;
	v27 =	vmin.f32 v38, $1.500000000e+01;
	[tilespmem:v16+s2+$0x0] =	vst.idx.add.f32.msk $0xffff, v29  }
0x3d1: {  	v33 =	vmul.f32 $7.333333590e+01, v33;
	v16 =	vadd.f32 $8.000000000e+00, v43;
	v29 =	vbroadcast v36, $0x1;
	[tilespmem:v22+s2+$0x0] =	vst.idx.add.f32.msk $0xffff, v3;
	v3 =	vmovc v23  }
0x3d2: {  	v27 =	vtrunc.f32 v27;
	v22 =	vmul.f32 $6.818181990e+00, v52;
	v23 =	vmin.f32 v31, $1.500000000e+01  }
0x3d3: {  	v24 =	vmul.f32 $7.333333590e+01, v24;
	v16 =	vmax.f32 v16, $0.0e+00;
	v23 =	vtrunc.f32 v23  }
0x3d4: {  	v11 =	vadd.f32 $5.500000000e+02, v11;
	v27 =	vcvt.f32.s32 v27;
	v22 =	vadd.f32 $8.000000000e+00, v22  }
0x3d5: {  	v25 =	vmul.f32 $5.000000000e+02, v25;
	v31 =	vcvt.f32.s32 v32;
	v32 =	vsub.f32 v34, v33  }
0x3d6: {  	v34 =	vbroadcast v13, $0x1;
	v33 =	vcvt.s32.f32 v27;
	v22 =	vmax.f32 v22, $0.0e+00  }
0x3d7: {  	v11 =	vsub.f32 v11, v24;
	v24 =	vadd.f32 $5.500000000e+02, v25;
	v25 =	vshll.u32 v27, $0x4  }
0x3d8: {  	v13 =	vmin.f32 v22, $1.500000000e+01;
	v22 =	vcvt.f32.s32 v23;
	v23 =	vmin.f32 v32, $3.000000000e+01;
	v27 =	vpop (erf)  }
0x3d9: {  	v18 =	vbroadcast v18, $0x1;
	v32 =	vmul.f32 $7.333333590e+01, v33;
	v27 =	vadd.f32 $1.000000000e+00, v27  }
0x3da: {  	v16 =	vmin.f32 v16, $1.500000000e+01;
	v33 =	vtrunc.f32 v13;
	v13 =	vshll.u32 v22, $0x4  }
0x3db: {  	v22 =	vcvt.s32.f32 v22;
	(erf) = vrcp.f32 v27  }
0x3dc: {  	v24 =	vsub.f32 v24, v32;
	v27 =	vcvt.f32.s32 v33;
	v33 =	vadd.f32 $5.500000000e+02, v42  }
0x3dd: {  	v11 =	vmin.f32 v11, $3.000000000e+01;
	v32 =	vadd.f32 $5.500000000e+02, v14;
	v14 =	vmul.f32 $7.333333590e+01, v22  }
0x3de: {  	v20 =	vmul.f32 $5.000000000e+02, v20;
	v24 =	vmin.f32 v24, $3.000000000e+01;
	v22 =	vcvt.s32.f32 v27  }
0x3df: {  	v35 =	vcvt.f32.s32 v17;
	v24 =	vmul.f32 $1.442695020e+00, v24;
	v17 =	vsub.f32 v33, v14  }
0x3e0: {  	v16 =	vtrunc.f32 v16;
	v14 =	vshll.u32 v27, $0x4;
	v22 =	vmul.f32 $7.333333590e+01, v22  }
0x3e1: {  	v27 =	vcvt.s32.f32 v31;
	v14 =	vadd.s32 v18, v14;
	v17 =	vmin.f32 v17, $3.000000000e+01  }
0x3e2: {  	v18 =	vsub.f32 v32, v22;
	v22 =	vmul.f32 $1.442695020e+00, v17;
	(erf) = vpow2.f32 v24  }
0x3e3: {  	v16 =	vcvt.f32.s32 v16;
	v17 =	vadd.s32 v34, v25;
	v24 =	vmul.f32 $7.333333590e+01, v27  }
0x3e4: {  	v25 =	vmul.f32 $1.442695020e+00, v11;
	v18 =	vmin.f32 v18, $3.000000000e+01;
	v11 =	vpop (erf);
	(erf) = vpow2.f32 v22  }
0x3e5: {  	v20 =	vadd.f32 $5.500000000e+02, v20;
	v22 =	vbroadcast v35, $0x1;
	v11 =	vmul.f32 v11, v6  }
0x3e6: {  	v27 =	vshll.u32 v31, $0x4;
	v31 =	vcvt.s32.f32 v16;
	v32 =	vmul.f32 $1.442695020e+00, v18  }
0x3e7: {  	v20 =	vsub.f32 v20, v24;
	v18 =	vadd.s32 v22, v27;
	(erf) = vpow2.f32 v25  }
0x3e8: {  	v16 =	vshll.u32 v16, $0x4;
	v22 =	vmul.f32 $7.333333590e+01, v31;
	(erf) = vpow2.f32 v32  }
0x3e9: {  	v21 =	vadd.s32 v21, v1;
	v16 =	vadd.s32 v12, v16;
	v20 =	vmin.f32 v20, $3.000000000e+01  }
.Ltmp6:
0x3ea: {  	v25 =	vmul.f32 $1.442695020e+00, v20;
	v20 =	vshll.u32 v28, $0x4;
	v22 =	vsub.f32 v26, v22;
	(pc) =	sbr.rel @p0 .LBB2_13-.Ltmp6, $4  }
0x3eb: {  	v23 =	vmul.f32 $1.442695020e+00, v23;
	v12 =	vadd.s32 v29, v30;
	v20 =	vadd.s32 v19, v20;
	v19 =	vpop (erf)  }
0x3ec: {  	v22 =	vmin.f32 v22, $3.000000000e+01;
	v24 =	vadd.f32 $1.000000000e+00, v19;
	(erf) = vpow2.f32 v25  }
0x3ed: {  	v22 =	vmul.f32 $1.442695020e+00, v22;
	v19 =	vadd.s32 v0, v21;
	v1 =	vpop (erf);
	(erf) = vpow2.f32 v23  }
0x3ee: {  	v15 =	vcvt.f32.s32 v15;
	s24 =	sadd.s32 $0x100, s24;
	v23 =	vadd.f32 $1.000000000e+00, v1;
	(erf) = vrcp.f32 v24  }
0x3ef: {  	_ =	sdelay $0x3  }
0x3f0: {  	v1 =	vpop (erf)  }
0x3f1: {  	(erf) = vpow2.f32 v22;
	v1 =	vadd.f32 $1.000000000e+00, v1;
	v44 =	vpop (erf)  }
0x3f2: {  	(erf) = vrcp.f32 v23;
	v22 =	vadd.f32 $1.000000000e+00, v44;
	v45 =	vpop (erf)  }
0x3f3: {  	(erf) = vrcp.f32 v1;
	v1 =	vadd.f32 $1.000000000e+00, v45;
	v46 =	vpop (erf)  }
0x3f4: {  	(erf) = vrcp.f32 v22;
	v47 =	vadd.f32 $1.000000000e+00, v46  }
0x3f5: {  	(erf) = vrcp.f32 v1  }
0x3f6: {  	v21 =	vadd.s32 v2, v21;
	v1 =	vbroadcast v15, $0x1;
	(erf) = vrcp.f32 v47  }
0x3f7: {  	v48 =	vadd.s32 v0, v17  }
0x3f8: {  	v7 =	vbroadcast v7, $0x0;
	v49 =	vadd.s32 v2, v17;
	v1 =	vadd.s32 v1, v13  }
0x3f9: {  	v50 =	vpop (erf);
	v51 =	vadd.s32 v0, v1  }
0x3fa: {  	v10 =	vbroadcast v10, $0x0;
	[tilespmem:v19+s2+$0x0] =	vst.idx.add.f32.msk $0xffff, v11;
	v52 =	vpop (erf);
	v13 =	vmul.f32 v50, v7;
	v1 =	vadd.s32 v2, v1  }
0x3fb: {  	[tilespmem:v21+s2+$0x0] =	vst.idx.add.f32.msk $0xffff, v6;
	v24 =	vpop (erf);
	v23 =	vadd.f32 $1.000000000e+00, v52  }
0x3fc: {  	v6 =	vadd.s32 v0, v12;
	v53 =	vmul.f32 v24, v10;
	[tilespmem:v48+s2+$0x0] =	vst.idx.add.f32.msk $0xffff, v13;
	v25 =	vpop (erf)  }
0x3fd: {  	v54 =	vadd.s32 v0, v20;
	v5 =	vbroadcast v5, $0x0;
	(erf) = vrcp.f32 v23;
	[tilespmem:v49+s2+$0x0] =	vst.idx.add.f32.msk $0xffff, v7;
	v55 =	vpop (erf)  }
0x3fe: {  	v56 =	vadd.s32 v2, v20;
	v7 =	vbroadcast v9, $0x0;
	[tilespmem:v51+s2+$0x0] =	vst.idx.add.f32.msk $0xffff, v53;
	v57 =	vpop (erf)  }
0x3ff: {  	v58 =	vadd.s32 v0, v14;
	v63 =	vmul.f32 v25, v5;
	[tilespmem:v1+s2+$0x0] =	vst.idx.add.f32.msk $0xffff, v10;
	v1 =	vpop (erf)  }
0x400: {  	v8 =	vbroadcast v8, $0x0;
	v59 =	vadd.s32 v0, v18;
	v1 =	vmul.f32 v1, v7  }
0x401: {  	v60 =	vadd.s32 v2, v14;
	[tilespmem:v6+s2+$0x0] =	vst.idx.add.f32.msk $0xffff, v63  }
0x402: {  	v61 =	vadd.s32 v2, v12;
	[tilespmem:v54+s2+$0x0] =	vst.idx.add.f32.msk $0xffff, v1;
	v1 =	vmul.f32 v55, v8  }
0x403: {  	v62 =	vadd.s32 v2, v18;
	[tilespmem:v56+s2+$0x0] =	vst.idx.add.f32.msk $0xffff, v7;
	v7 =	vmul.f32 v57, v4  }
0x404: {  	[tilespmem:v58+s2+$0x0] =	vst.idx.add.f32.msk $0xffff, v1;
	v1 =	vadd.s32 v0, v16  }
0x405: {  	[tilespmem:v59+s2+$0x0] =	vst.idx.add.f32.msk $0xffff, v7;
	v7 =	vadd.s32 v2, v16  }
0x406: {  	[tilespmem:v60+s2+$0x0] =	vst.idx.add.f32.msk $0xffff, v8;
	v8 =	vpop (erf)  }
0x407: {  	[tilespmem:v61+s2+$0x0] =	vst.idx.add.f32.msk $0xffff, v5;
	v6 =	vmul.f32 v8, v3  }
0x408: {  	[tilespmem:v62+s2+$0x0] =	vst.idx.add.f32.msk $0xffff, v4  }
0x409: {  	[tilespmem:v1+s2+$0x0] =	vst.idx.add.f32.msk $0xffff, v6  }
0x40a: {  	s24 =	simm.s32 $0x40;
	[tilespmem:v7+s2+$0x0] =	vst.idx.add.f32.msk $0xffff, v3  }
0x40b: {  	v1 =	vld [tilespmem:s24+$0x30]  }
0x40c: {  	v6 =	vld [tilespmem:s24+$0xFFFFFFD0]  }
0x40d: {  	v8 =	vld [tilespmem:s24+$0xFFFFFFE0]  }
0x40e: {  	v4 =	vld [tilespmem:s24+$0xFFFFFFF0]  }
0x40f: {  	v3 =	vld [tilespmem:s24+$0x0]  }
0x410: {  	v5 =	vld [tilespmem:s24+$0x10];
	[tilespmem:s0+$0x30] =	vst v1  }
0x411: {  	[tilespmem:s0+$0xFFFFFFD0] =	vst v6;
	v6 =	vld [tilespmem:s24+$0x20]  }
0x412: {  	s17 =	simm.s32 $0x0;
	s29 =	simm.s32 $0x19480;
	v7 =	vld [tilespmem:s24+$0xFFFFFFC0];
	[tilespmem:s0+$0xFFFFFFE0] =	vst v8;
	s24 =	simm.s32 $0xC0  }
.LBB2_15:
0x413: {  	v1 =	vld [tilespmem:s24+$0x30];
	s17 =	sadd.s32 $0x8, s17;
	[tilespmem:s0+$0xFFFFFFF0] =	vst v4  }
0x414: {  	v8 =	vld [tilespmem:s24+$0xFFFFFFD0];
	p0 =	slt.u32 s17, $0xF8;
	[tilespmem:s0+$0x0] =	vst v3  }
0x415: {  	v9 =	vld [tilespmem:s24+$0xFFFFFFE0];
	[tilespmem:s0+$0x10] =	vst v5  }
.Ltmp7:
0x416: {  	v4 =	vld [tilespmem:s24+$0xFFFFFFF0];
	[tilespmem:s0+$0x20] =	vst v6;
	(pc) =	sbr.rel @p0 .LBB2_15-.Ltmp7, $4  }
0x417: {  	v3 =	vld [tilespmem:s24+$0x0];
	[tilespmem:s0+$0xFFFFFFC0] =	vst v7;
	s0 =	sadd.s32 $0x80, s0  }
0x418: {  	v5 =	vld [tilespmem:s24+$0x10];
	[tilespmem:s0+$0x30] =	vst v1  }
0x419: {  	[tilespmem:s0+$0xFFFFFFD0] =	vst v8;
	v6 =	vld [tilespmem:s24+$0x20]  }
0x41a: {  	v7 =	vld [tilespmem:s24+$0xFFFFFFC0];
	[tilespmem:s0+$0xFFFFFFE0] =	vst v9;
	s24 =	sadd.s32 $0x80, s24  }
0x41b: {  	[tilespmem:s0+$0xFFFFFFF0] =	vst v4  }
0x41c: {  	[tilespmem:s0+$0x0] =	vst v3  }
0x41d: {  	s28 =	sadd.s32 $0x1, s28;
	[tilespmem:s0+$0x10] =	vst v5  }
0x41e: {  	p0 =	sne.s32 s28, s11;
	[tilespmem:s0+$0x20] =	vst v6  }
.Ltmp8:
0x41f: {  	s30 =	simm.s32 $0x1000;
	[tilespmem:s0+$0xFFFFFFC0] =	vst v7;
	(pc) =	sbr.rel @p0 .LBB2_1-.Ltmp8, $4  }
0x420: {  	[hbm4b:s10+s2] =	stream.linear.scatter [tilespmem:s30], [sflag:$0x4], $0x1000, $0x38;
	[tilespmem:$0x1B000] =	vst v63  }
0x421: {  	_ =	swait.ge [sflag:s25], $0x1000  }
0x422: {  	[sflag:s25] =	ssyncset.done $0x0  }
0x423: {  	s24 =	simm.s32 $0x18080;
	v1 =	vimm.f32 $0.0e+00;
	[sflag:s25] =	ssyncadd.s32 $0xFFFFF000  }
0x424: {  	_ =	sfence.sel $0x180000  }
0x425: {  	[bflag:$0x0] =	sbarrier.arrive $0xFFFF  }
0x426: {  	_ =	strace $0x90000047  }
0x427: {  	s0 =	stileid.u32;
	[bflag:$0x2] =	sbarrier.arrive $0xFFFF  }
0x428: {  	p0 =	sne.s32 s0, $0x0;
	s0 =	rddreg [dreg:$0x1]  }
0x429: {  	s0 =	sadd.s32 @!p0 $0x100000, s0  }
0x42a: {  	[sflag:s0] =	ssyncadd.tile.s32 @!p0 $0x1;
	_ =	shalt  }
.Lfunc_end2:
_tile_overlayer_lowered:
.L_overlay_start_2:
0x42b: {  	(tag) =	ssettag $0x2  }
0x42c: {  	s0 =	rddreg [dreg:$0x0];
	s2 =	stileid.u32  }
0x42d: {  	s1 =	rddreg [dreg:$0x1];
	p0 =	sne.s32 s2, $0x0  }
0x42e: {  	s3 =	rddreg [dreg:$0x2];
	[bflag:$0x3] =	sbarrier.arrive $0xFFFF;
	s2 =	simm.s32 @!p0 $0x1C04  }
0x42f: {  	[timem:s3], [sflag:s2] =	dma.local @!p0 [hbm:s0], s1  }
0x430: {  	s0 =	simm.s32 @!p0 $0x4  }
0x431: {  	_ =	swait.ge @!p0 [sflag:s0], s1  }
0x432: {  	s1 =	ssub.s32 @!p0 $0x0, s1;
	[sflag:s0] =	ssyncset.done @!p0 $0x0  }
0x433: {  	[sflag:s0] =	ssyncadd.s32 @!p0 s1  }
0x434: {  	[bflag:$0x3] =	sbarrier.arrive $0xFFFF  }
0x435: {  	_ =	shalt  }

</sc_bundles>
